<compile_context>
chip_gen: v7x
topology: tpu7x:2x2x1
jax: 0.10.2.dev20260603
libtpu: 0.0.44.dev20260713+nightly
codegen_flags: <defaults>
</compile_context>

<pallas_src>
import functools

import jax
import jax.numpy as jnp
from jax import lax
from jax.experimental import pallas as pl
from jax.experimental.pallas import tpu as pltpu
from jax.experimental.pallas import tpu_sc as plsc

N_NODES = 10000
N_EDGES = 320000
D = 128

NC = 2
NS = 16
NW = NC * NS
E_PER_TILE = N_EDGES // NW
K = 80
N_CHUNKS = E_PER_TILE // K
N_PAD = 10240
ROWS_PER_TILE = N_PAD // NS
ZR = 16
NG = 3
NI = 6
PEEL = 5


def _sc_aggregate(x, rows_flat, cols_flat):
    mesh = plsc.VectorSubcoreMesh(core_axis_name="c", subcore_axis_name="s")

    @functools.partial(
        pl.kernel,
        mesh=mesh,
        out_type=jax.ShapeDtypeStruct((NC, N_PAD, D), jnp.float32),
        scratch_types=(
            [pltpu.VMEM((K,), jnp.int32) for _ in range(2 * NI)]
            + [pltpu.VMEM((K, D), jnp.float32) for _ in range(NG)]
            + [pltpu.VMEM((ZR, D), jnp.float32)]
            + [pltpu.VMEM_SHARED((N_PAD, D), jnp.float32)]
            + [pltpu.SemaphoreType.DMA for _ in range(NI + 2 * NG + 1)]
        ),
    )
    def sc_agg(x_hbm, rows_hbm, cols_hbm, out_hbm, *refs):
        colv = refs[0:NI]
        rowv = refs[NI:2 * NI]
        gb = refs[2 * NI:2 * NI + NG]
        zbuf = refs[2 * NI + NG]
        agg = refs[2 * NI + NG + 1]
        sems = refs[2 * NI + NG + 2:]
        si = sems[0:NI]
        sg = sems[NI:NI + NG]
        ss = sems[NI + NG:NI + 2 * NG]
        sz = sems[NI + 2 * NG]

        cid = lax.axis_index("c")
        sid = lax.axis_index("s")
        wid = sid * NC + cid

        def base(c):
            cc = jnp.where(c >= N_CHUNKS, 0, c)
            return wid * E_PER_TILE + cc * K

        def i_start(c, r):
            pltpu.async_copy(cols_hbm.at[pl.ds(base(c), K)], colv[r], si[r])
            pltpu.async_copy(rows_hbm.at[pl.ds(base(c), K)], rowv[r], si[r])

        def i_wait(c, r):
            pltpu.make_async_copy(cols_hbm.at[pl.ds(base(c), K)], colv[r], si[r]).wait()
            pltpu.make_async_copy(rows_hbm.at[pl.ds(base(c), K)], rowv[r], si[r]).wait()

        def g_start(r, b):
            pltpu.async_copy(x_hbm.at[colv[r]], gb[b], sg[b])

        def g_wait(r, b):
            pltpu.make_async_copy(x_hbm.at[colv[r]], gb[b], sg[b]).wait()

        def s_start(r, b):
            pltpu.async_copy(gb[b], agg.at[rowv[r]], ss[b], add=True)

        def s_wait(r, b):
            pltpu.make_async_copy(gb[b], agg.at[rowv[r]], ss[b]).wait()

        def step(c, cs):
            if cs > 0:
                s_wait((cs - 1) % NI, (cs - 1) % NG)
            i_wait(c + 2, (cs + 2) % NI)
            g_start((cs + 2) % NI, (cs + 2) % NG)
            i_start(c + 5, (cs + 5) % NI)
            g_wait(cs % NI, cs % NG)
            s_start(cs % NI, cs % NG)

        for c in range(PEEL):
            i_start(c, c % NI)

        zeros16 = jnp.zeros((16,), jnp.float32)

        def zero_row(i, carry):
            for j in range(D // 16):
                zbuf[i, pl.ds(j * 16, 16)] = zeros16
            return carry

        lax.fori_loop(0, ZR, zero_row, 0)

        i_wait(0, 0)
        g_start(0, 0)
        i_wait(1, 1)
        g_start(1, 1)

        row0 = sid * ROWS_PER_TILE
        for j in range(ROWS_PER_TILE // ZR):
            pltpu.async_copy(zbuf, agg.at[pl.ds(row0 + j * ZR, ZR)], sz)
        for j in range(ROWS_PER_TILE // ZR):
            pltpu.make_async_copy(zbuf, agg.at[pl.ds(row0 + j * ZR, ZR)], sz).wait()
        plsc.subcore_barrier()

        for c in range(PEEL):
            step(c, c)

        def body(i, carry):
            for u in range(6):
                cs = PEEL + u
                step(PEEL + 6 * i + u, cs)
            return carry

        lax.fori_loop(0, (N_CHUNKS - PEEL) // 6, body, 0)

        cl = N_CHUNKS - 1
        s_wait(cl % NI, cl % NG)
        g_wait((cl + 1) % NI, (cl + 1) % NG)
        g_wait((cl + 2) % NI, (cl + 2) % NG)
        i_wait(cl + 3, (cl + 3) % NI)
        i_wait(cl + 4, (cl + 4) % NI)
        i_wait(cl + 5, (cl + 5) % NI)
        plsc.subcore_barrier()

        pltpu.sync_copy(
            agg.at[pl.ds(row0, ROWS_PER_TILE)],
            out_hbm.at[cid, pl.ds(row0, ROWS_PER_TILE)],
        )

    return sc_agg(x, rows_flat, cols_flat)


def _tc_project(partials, w, b2):
    bm = 5000

    def body(a0_ref, a1_ref, w_ref, b_ref, o_ref):
        acc = a0_ref[0] + a1_ref[0]
        prod = lax.dot_general(
            acc, w_ref[...], (((1,), (1,)), ((), ())),
            preferred_element_type=jnp.float32,
        )
        o_ref[...] = prod + b_ref[...]

    return pl.pallas_call(
        body,
        grid=(N_NODES // bm,),
        in_specs=[
            pl.BlockSpec((1, bm, D), lambda i: (0, i, 0)),
            pl.BlockSpec((1, bm, D), lambda i: (1, i, 0)),
            pl.BlockSpec((D, D), lambda i: (0, 0)),
            pl.BlockSpec((1, D), lambda i: (0, 0)),
        ],
        out_specs=pl.BlockSpec((bm, D), lambda i: (i, 0)),
        out_shape=jax.ShapeDtypeStruct((N_NODES, D), jnp.float32),
    )(partials, partials, w, b2)


def kernel(x, edge_index, W, b):
    rows = edge_index[0].astype(jnp.int32)
    cols = edge_index[1].astype(jnp.int32)
    partials = _sc_aggregate(x, rows, cols)
    return _tc_project(partials, W, b.reshape(1, D))

# --- scband reference (transcript-rebuilt; emitter-appended) ---
"""Pipeline reference for scband-gcnlayer-89240830476477 (READ-ONLY COPY).

The authoritative reference and input builder live on the scoring server;
editing this copy changes nothing except your own understanding.
"""

import jax, jax.numpy as jnp
import numpy as np

N_NODES = 10000
N_EDGES = 320000
D_IN = 128
D_OUT = 128

def setup_inputs(seed: int = 0) -> dict:
    key = jax.random.key(seed)
    k1, k2, k3, k4 = jax.random.split(key, 4)
    x = jax.random.normal(k1, (N_NODES, D_IN), dtype=jnp.float32)
    edge_index = jax.random.randint(k2, (2, N_EDGES), 0, N_NODES, dtype=jnp.int64)
    # Linear layer parameters (torch.nn.Linear: W [out, in], b [out])
    bound = 1.0 / np.sqrt(D_IN)
    W = jax.random.uniform(k3, (D_OUT, D_IN), minval=-bound, maxval=bound, dtype=jnp.float32)
    b = jax.random.uniform(k4, (D_OUT,), minval=-bound, maxval=bound, dtype=jnp.float32)
    return {"x": x, "edge_index": edge_index, "W": W, "b": b}

def reference(x, edge_index, W, b):
    # torch.sparse.mm(adj, x): adj is an [N, N] sparse matrix whose nonzeros
    # (value 1.0) are given by edge_index (row=edge_index[0], col=edge_index[1]).
    # Equivalent: out[r] = sum over edges (r, c) of x[c]  -> gather + scatter-add.
    rows = edge_index[0]
    cols = edge_index[1]
    gathered = jnp.take(x, cols, axis=0)                      # [E, D_IN] gather
    agg = jax.ops.segment_sum(gathered, rows, num_segments=N_NODES)  # scatter-add
    out = agg @ W.T + b
    return out

if __name__ == "__main__":
    import jax
    _d = setup_inputs()
    print(jax.jit(kernel)(*tuple(_d.values())))

</pallas_src>

<mosaic_0001>
#map = affine_map<(d0, d1) -> (0, 0)>
#map1 = affine_map<(d0, d1) -> (0)>
#map2 = affine_map<(d0, d1) -> (0, 0, 0)>
module attributes {stable_mosaic.version = 14 : i64} {
  func.func @sc_agg(%arg0: i32, %arg1: i32, %arg2: memref<10000x128xf32, #tpu.memory_space<hbm>>, %arg3: memref<320000xi32, #tpu.memory_space<hbm>>, %arg4: memref<320000xi32, #tpu.memory_space<hbm>>, %arg5: memref<2x10240x128xf32, #tpu.memory_space<hbm>>, %arg6: memref<80xi32, #tpu.memory_space<vmem>>, %arg7: memref<80xi32, #tpu.memory_space<vmem>>, %arg8: memref<80xi32, #tpu.memory_space<vmem>>, %arg9: memref<80xi32, #tpu.memory_space<vmem>>, %arg10: memref<80xi32, #tpu.memory_space<vmem>>, %arg11: memref<80xi32, #tpu.memory_space<vmem>>, %arg12: memref<80xi32, #tpu.memory_space<vmem>>, %arg13: memref<80xi32, #tpu.memory_space<vmem>>, %arg14: memref<80xi32, #tpu.memory_space<vmem>>, %arg15: memref<80xi32, #tpu.memory_space<vmem>>, %arg16: memref<80xi32, #tpu.memory_space<vmem>>, %arg17: memref<80xi32, #tpu.memory_space<vmem>>, %arg18: memref<80x128xf32, #tpu.memory_space<vmem>>, %arg19: memref<80x128xf32, #tpu.memory_space<vmem>>, %arg20: memref<80x128xf32, #tpu.memory_space<vmem>>, %arg21: memref<16x128xf32, #tpu.memory_space<vmem>>, %arg22: memref<10240x128xf32, #tpu.memory_space<vmem_shared>>, %arg23: memref<!tpu.dma_semaphore, #tpu.memory_space<semaphore_mem>>, %arg24: memref<!tpu.dma_semaphore, #tpu.memory_space<semaphore_mem>>, %arg25: memref<!tpu.dma_semaphore, #tpu.memory_space<semaphore_mem>>, %arg26: memref<!tpu.dma_semaphore, #tpu.memory_space<semaphore_mem>>, %arg27: memref<!tpu.dma_semaphore, #tpu.memory_space<semaphore_mem>>, %arg28: memref<!tpu.dma_semaphore, #tpu.memory_space<semaphore_mem>>, %arg29: memref<!tpu.dma_semaphore, #tpu.memory_space<semaphore_mem>>, %arg30: memref<!tpu.dma_semaphore, #tpu.memory_space<semaphore_mem>>, %arg31: memref<!tpu.dma_semaphore, #tpu.memory_space<semaphore_mem>>, %arg32: memref<!tpu.dma_semaphore, #tpu.memory_space<semaphore_mem>>, %arg33: memref<!tpu.dma_semaphore, #tpu.memory_space<semaphore_mem>>, %arg34: memref<!tpu.dma_semaphore, #tpu.memory_space<semaphore_mem>>, %arg35: memref<!tpu.dma_semaphore, #tpu.memory_space<semaphore_mem>>) attributes {dimension_semantics = [#tpu.dimension_semantics<core_parallel>, #tpu.dimension_semantics<subcore_parallel>], iteration_bounds = array<i64: 2, 16>, scalar_prefetch = 0 : i64, scratch_operands = 30 : i64, tpu.core_type = #tpu.core_type<sc_vector_subcore>, window_params = [{transform_indices = #map}, {transform_indices = #map1}, {transform_indices = #map1}, {transform_indices = #map2}]} {
    %mul3A = arith.constant 2 : i32
    %mul3A_0 = arith.muli %arg1, %mul3A : i32
    %add3A = arith.addi %mul3A_0, %arg0 : i32
    %jit3A = arith.constant false
    %jit3A_1 = arith.constant 0 : i32
    %jit3A_2 = arith.constant 0 : i32
    %select_n3A = arith.select %jit3A, %jit3A_1, %jit3A_2 : i32
    %mul3A_3 = arith.constant 10000 : i32
    %mul3A_4 = arith.muli %add3A, %mul3A_3 : i32
    %mul3A_5 = arith.constant 80 : i32
    %mul3A_6 = arith.muli %select_n3A, %mul3A_5 : i32
    %add3A_7 = arith.addi %mul3A_4, %mul3A_6 : i32
    %dma_start3A = tpu.memref_slice %arg4[%add3A_7] : memref<320000xi32, #tpu.memory_space<hbm>> -> memref<80xi32, #tpu.memory_space<hbm>>
    %dma_start3A_8 = tpu.memref_slice %arg4[%add3A_7] : memref<320000xi32, #tpu.memory_space<hbm>> -> memref<80xi32, #tpu.memory_space<hbm>>
    tpu.enqueue_dma source(%dma_start3A_8 : memref<80xi32, #tpu.memory_space<hbm>>) target(%arg6 : memref<80xi32, #tpu.memory_space<vmem>>) target_semaphore(%arg23 : memref<!tpu.dma_semaphore, #tpu.memory_space<semaphore_mem>>)
    %jit3A_9 = arith.constant false
    %jit3A_10 = arith.constant 0 : i32
    %jit3A_11 = arith.constant 0 : i32
    %select_n3A_12 = arith.select %jit3A_9, %jit3A_10, %jit3A_11 : i32
    %mul3A_13 = arith.constant 10000 : i32
    %mul3A_14 = arith.muli %add3A, %mul3A_13 : i32
    %mul3A_15 = arith.constant 80 : i32
    %mul3A_16 = arith.muli %select_n3A_12, %mul3A_15 : i32
    %add3A_17 = arith.addi %mul3A_14, %mul3A_16 : i32
    %dma_start3A_18 = tpu.memref_slice %arg3[%add3A_17] : memref<320000xi32, #tpu.memory_space<hbm>> -> memref<80xi32, #tpu.memory_space<hbm>>
    %dma_start3A_19 = tpu.memref_slice %arg3[%add3A_17] : memref<320000xi32, #tpu.memory_space<hbm>> -> memref<80xi32, #tpu.memory_space<hbm>>
    tpu.enqueue_dma source(%dma_start3A_19 : memref<80xi32, #tpu.memory_space<hbm>>) target(%arg12 : memref<80xi32, #tpu.memory_space<vmem>>) target_semaphore(%arg23 : memref<!tpu.dma_semaphore, #tpu.memory_space<semaphore_mem>>)
    %jit3A_20 = arith.constant false
    %jit3A_21 = arith.constant 0 : i32
    %jit3A_22 = arith.constant 1 : i32
    %select_n3A_23 = arith.select %jit3A_20, %jit3A_21, %jit3A_22 : i32
    %mul3A_24 = arith.constant 10000 : i32
    %mul3A_25 = arith.muli %add3A, %mul3A_24 : i32
    %mul3A_26 = arith.constant 80 : i32
    %mul3A_27 = arith.muli %select_n3A_23, %mul3A_26 : i32
    %add3A_28 = arith.addi %mul3A_25, %mul3A_27 : i32
    %dma_start3A_29 = tpu.memref_slice %arg4[%add3A_28] : memref<320000xi32, #tpu.memory_space<hbm>> -> memref<80xi32, #tpu.memory_space<hbm>>
    %dma_start3A_30 = tpu.memref_slice %arg4[%add3A_28] : memref<320000xi32, #tpu.memory_space<hbm>> -> memref<80xi32, #tpu.memory_space<hbm>>
    tpu.enqueue_dma source(%dma_start3A_30 : memref<80xi32, #tpu.memory_space<hbm>>) target(%arg7 : memref<80xi32, #tpu.memory_space<vmem>>) target_semaphore(%arg24 : memref<!tpu.dma_semaphore, #tpu.memory_space<semaphore_mem>>)
    %jit3A_31 = arith.constant false
    %jit3A_32 = arith.constant 0 : i32
    %jit3A_33 = arith.constant 1 : i32
    %select_n3A_34 = arith.select %jit3A_31, %jit3A_32, %jit3A_33 : i32
    %mul3A_35 = arith.constant 10000 : i32
    %mul3A_36 = arith.muli %add3A, %mul3A_35 : i32
    %mul3A_37 = arith.constant 80 : i32
    %mul3A_38 = arith.muli %select_n3A_34, %mul3A_37 : i32
    %add3A_39 = arith.addi %mul3A_36, %mul3A_38 : i32
    %dma_start3A_40 = tpu.memref_slice %arg3[%add3A_39] : memref<320000xi32, #tpu.memory_space<hbm>> -> memref<80xi32, #tpu.memory_space<hbm>>
    %dma_start3A_41 = tpu.memref_slice %arg3[%add3A_39] : memref<320000xi32, #tpu.memory_space<hbm>> -> memref<80xi32, #tpu.memory_space<hbm>>
    tpu.enqueue_dma source(%dma_start3A_41 : memref<80xi32, #tpu.memory_space<hbm>>) target(%arg13 : memref<80xi32, #tpu.memory_space<vmem>>) target_semaphore(%arg24 : memref<!tpu.dma_semaphore, #tpu.memory_space<semaphore_mem>>)
    %jit3A_42 = arith.constant false
    %jit3A_43 = arith.constant 0 : i32
    %jit3A_44 = arith.constant 2 : i32
    %select_n3A_45 = arith.select %jit3A_42, %jit3A_43, %jit3A_44 : i32
    %mul3A_46 = arith.constant 10000 : i32
    %mul3A_47 = arith.muli %add3A, %mul3A_46 : i32
    %mul3A_48 = arith.constant 80 : i32
    %mul3A_49 = arith.muli %select_n3A_45, %mul3A_48 : i32
    %add3A_50 = arith.addi %mul3A_47, %mul3A_49 : i32
    %dma_start3A_51 = tpu.memref_slice %arg4[%add3A_50] : memref<320000xi32, #tpu.memory_space<hbm>> -> memref<80xi32, #tpu.memory_space<hbm>>
    %dma_start3A_52 = tpu.memref_slice %arg4[%add3A_50] : memref<320000xi32, #tpu.memory_space<hbm>> -> memref<80xi32, #tpu.memory_space<hbm>>
    tpu.enqueue_dma source(%dma_start3A_52 : memref<80xi32, #tpu.memory_space<hbm>>) target(%arg8 : memref<80xi32, #tpu.memory_space<vmem>>) target_semaphore(%arg25 : memref<!tpu.dma_semaphore, #tpu.memory_space<semaphore_mem>>)
    %jit3A_53 = arith.constant false
    %jit3A_54 = arith.constant 0 : i32
    %jit3A_55 = arith.constant 2 : i32
    %select_n3A_56 = arith.select %jit3A_53, %jit3A_54, %jit3A_55 : i32
    %mul3A_57 = arith.constant 10000 : i32
    %mul3A_58 = arith.muli %add3A, %mul3A_57 : i32
    %mul3A_59 = arith.constant 80 : i32
    %mul3A_60 = arith.muli %select_n3A_56, %mul3A_59 : i32
    %add3A_61 = arith.addi %mul3A_58, %mul3A_60 : i32
    %dma_start3A_62 = tpu.memref_slice %arg3[%add3A_61] : memref<320000xi32, #tpu.memory_space<hbm>> -> memref<80xi32, #tpu.memory_space<hbm>>
    %dma_start3A_63 = tpu.memref_slice %arg3[%add3A_61] : memref<320000xi32, #tpu.memory_space<hbm>> -> memref<80xi32, #tpu.memory_space<hbm>>
    tpu.enqueue_dma source(%dma_start3A_63 : memref<80xi32, #tpu.memory_space<hbm>>) target(%arg14 : memref<80xi32, #tpu.memory_space<vmem>>) target_semaphore(%arg25 : memref<!tpu.dma_semaphore, #tpu.memory_space<semaphore_mem>>)
    %jit3A_64 = arith.constant false
    %jit3A_65 = arith.constant 0 : i32
    %jit3A_66 = arith.constant 3 : i32
    %select_n3A_67 = arith.select %jit3A_64, %jit3A_65, %jit3A_66 : i32
    %mul3A_68 = arith.constant 10000 : i32
    %mul3A_69 = arith.muli %add3A, %mul3A_68 : i32
    %mul3A_70 = arith.constant 80 : i32
    %mul3A_71 = arith.muli %select_n3A_67, %mul3A_70 : i32
    %add3A_72 = arith.addi %mul3A_69, %mul3A_71 : i32
    %dma_start3A_73 = tpu.memref_slice %arg4[%add3A_72] : memref<320000xi32, #tpu.memory_space<hbm>> -> memref<80xi32, #tpu.memory_space<hbm>>
    %dma_start3A_74 = tpu.memref_slice %arg4[%add3A_72] : memref<320000xi32, #tpu.memory_space<hbm>> -> memref<80xi32, #tpu.memory_space<hbm>>
    tpu.enqueue_dma source(%dma_start3A_74 : memref<80xi32, #tpu.memory_space<hbm>>) target(%arg9 : memref<80xi32, #tpu.memory_space<vmem>>) target_semaphore(%arg26 : memref<!tpu.dma_semaphore, #tpu.memory_space<semaphore_mem>>)
    %jit3A_75 = arith.constant false
    %jit3A_76 = arith.constant 0 : i32
    %jit3A_77 = arith.constant 3 : i32
    %select_n3A_78 = arith.select %jit3A_75, %jit3A_76, %jit3A_77 : i32
    %mul3A_79 = arith.constant 10000 : i32
    %mul3A_80 = arith.muli %add3A, %mul3A_79 : i32
    %mul3A_81 = arith.constant 80 : i32
    %mul3A_82 = arith.muli %select_n3A_78, %mul3A_81 : i32
    %add3A_83 = arith.addi %mul3A_80, %mul3A_82 : i32
    %dma_start3A_84 = tpu.memref_slice %arg3[%add3A_83] : memref<320000xi32, #tpu.memory_space<hbm>> -> memref<80xi32, #tpu.memory_space<hbm>>
    %dma_start3A_85 = tpu.memref_slice %arg3[%add3A_83] : memref<320000xi32, #tpu.memory_space<hbm>> -> memref<80xi32, #tpu.memory_space<hbm>>
    tpu.enqueue_dma source(%dma_start3A_85 : memref<80xi32, #tpu.memory_space<hbm>>) target(%arg15 : memref<80xi32, #tpu.memory_space<vmem>>) target_semaphore(%arg26 : memref<!tpu.dma_semaphore, #tpu.memory_space<semaphore_mem>>)
    %jit3A_86 = arith.constant false
    %jit3A_87 = arith.constant 0 : i32
    %jit3A_88 = arith.constant 4 : i32
    %select_n3A_89 = arith.select %jit3A_86, %jit3A_87, %jit3A_88 : i32
    %mul3A_90 = arith.constant 10000 : i32
    %mul3A_91 = arith.muli %add3A, %mul3A_90 : i32
    %mul3A_92 = arith.constant 80 : i32
    %mul3A_93 = arith.muli %select_n3A_89, %mul3A_92 : i32
    %add3A_94 = arith.addi %mul3A_91, %mul3A_93 : i32
    %dma_start3A_95 = tpu.memref_slice %arg4[%add3A_94] : memref<320000xi32, #tpu.memory_space<hbm>> -> memref<80xi32, #tpu.memory_space<hbm>>
    %dma_start3A_96 = tpu.memref_slice %arg4[%add3A_94] : memref<320000xi32, #tpu.memory_space<hbm>> -> memref<80xi32, #tpu.memory_space<hbm>>
    tpu.enqueue_dma source(%dma_start3A_96 : memref<80xi32, #tpu.memory_space<hbm>>) target(%arg10 : memref<80xi32, #tpu.memory_space<vmem>>) target_semaphore(%arg27 : memref<!tpu.dma_semaphore, #tpu.memory_space<semaphore_mem>>)
    %jit3A_97 = arith.constant false
    %jit3A_98 = arith.constant 0 : i32
    %jit3A_99 = arith.constant 4 : i32
    %select_n3A_100 = arith.select %jit3A_97, %jit3A_98, %jit3A_99 : i32
    %mul3A_101 = arith.constant 10000 : i32
    %mul3A_102 = arith.muli %add3A, %mul3A_101 : i32
    %mul3A_103 = arith.constant 80 : i32
    %mul3A_104 = arith.muli %select_n3A_100, %mul3A_103 : i32
    %add3A_105 = arith.addi %mul3A_102, %mul3A_104 : i32
    %dma_start3A_106 = tpu.memref_slice %arg3[%add3A_105] : memref<320000xi32, #tpu.memory_space<hbm>> -> memref<80xi32, #tpu.memory_space<hbm>>
    %dma_start3A_107 = tpu.memref_slice %arg3[%add3A_105] : memref<320000xi32, #tpu.memory_space<hbm>> -> memref<80xi32, #tpu.memory_space<hbm>>
    tpu.enqueue_dma source(%dma_start3A_107 : memref<80xi32, #tpu.memory_space<hbm>>) target(%arg16 : memref<80xi32, #tpu.memory_space<vmem>>) target_semaphore(%arg27 : memref<!tpu.dma_semaphore, #tpu.memory_space<semaphore_mem>>)
    %broadcast_in_dim3A = arith.constant 0.000000e+00 : f32
    %broadcast_in_dim3A_108 = vector.broadcast %broadcast_in_dim3A : f32 to vector<16xf32>
    %scan3A = arith.constant 0 : i32
    %scan3A_109 = arith.constant 0 : i32
    %scan3A_110 = arith.constant 16 : i32
    %scan3A_111 = arith.addi %scan3A_109, %scan3A_110 : i32
    %scan3A_112 = arith.constant 1 : i32
    scf.for %scan3A_1004 = %scan3A_109 to %scan3A_111 step %scan3A_112  : i32 {
      %swap3A = arith.index_cast %scan3A_1004 : i32 to index
      %swap3A_1005 = arith.constant 0 : index
      %swap3A_1006 = tpu.vector_load %arg21[%swap3A, %swap3A_1005] {strides = array<i32>} : memref<16x128xf32, #tpu.memory_space<vmem>>, vector<1x16xf32>,
      %swap3A_1007 = vector.shape_cast %swap3A_1006 : vector<1x16xf32> to vector<16xf32>
      %swap3A_1008 = vector.shape_cast %broadcast_in_dim3A_108 : vector<16xf32> to vector<1x16xf32>
      tpu.vector_store %arg21[%swap3A, %swap3A_1005], %swap3A_1008 {strides = array<i32>} : memref<16x128xf32, #tpu.memory_space<vmem>>, vector<1x16xf32>,
      %swap3A_1009 = arith.index_cast %scan3A_1004 : i32 to index
      %swap3A_1010 = arith.constant 16 : index
      %swap3A_1011 = tpu.vector_load %arg21[%swap3A_1009, %swap3A_1010] {strides = array<i32>} : memref<16x128xf32, #tpu.memory_space<vmem>>, vector<1x16xf32>,
      %swap3A_1012 = vector.shape_cast %swap3A_1011 : vector<1x16xf32> to vector<16xf32>
      %swap3A_1013 = vector.shape_cast %broadcast_in_dim3A_108 : vector<16xf32> to vector<1x16xf32>
      tpu.vector_store %arg21[%swap3A_1009, %swap3A_1010], %swap3A_1013 {strides = array<i32>} : memref<16x128xf32, #tpu.memory_space<vmem>>, vector<1x16xf32>,
      %swap3A_1014 = arith.index_cast %scan3A_1004 : i32 to index
      %swap3A_1015 = arith.constant 32 : index
      %swap3A_1016 = tpu.vector_load %arg21[%swap3A_1014, %swap3A_1015] {strides = array<i32>} : memref<16x128xf32, #tpu.memory_space<vmem>>, vector<1x16xf32>,
      %swap3A_1017 = vector.shape_cast %swap3A_1016 : vector<1x16xf32> to vector<16xf32>
      %swap3A_1018 = vector.shape_cast %broadcast_in_dim3A_108 : vector<16xf32> to vector<1x16xf32>
      tpu.vector_store %arg21[%swap3A_1014, %swap3A_1015], %swap3A_1018 {strides = array<i32>} : memref<16x128xf32, #tpu.memory_space<vmem>>, vector<1x16xf32>,
      %swap3A_1019 = arith.index_cast %scan3A_1004 : i32 to index
      %swap3A_1020 = arith.constant 48 : index
      %swap3A_1021 = tpu.vector_load %arg21[%swap3A_1019, %swap3A_1020] {strides = array<i32>} : memref<16x128xf32, #tpu.memory_space<vmem>>, vector<1x16xf32>,
      %swap3A_1022 = vector.shape_cast %swap3A_1021 : vector<1x16xf32> to vector<16xf32>
      %swap3A_1023 = vector.shape_cast %broadcast_in_dim3A_108 : vector<16xf32> to vector<1x16xf32>
      tpu.vector_store %arg21[%swap3A_1019, %swap3A_1020], %swap3A_1023 {strides = array<i32>} : memref<16x128xf32, #tpu.memory_space<vmem>>, vector<1x16xf32>,
      %swap3A_1024 = arith.index_cast %scan3A_1004 : i32 to index
      %swap3A_1025 = arith.constant 64 : index
      %swap3A_1026 = tpu.vector_load %arg21[%swap3A_1024, %swap3A_1025] {strides = array<i32>} : memref<16x128xf32, #tpu.memory_space<vmem>>, vector<1x16xf32>,
      %swap3A_1027 = vector.shape_cast %swap3A_1026 : vector<1x16xf32> to vector<16xf32>
      %swap3A_1028 = vector.shape_cast %broadcast_in_dim3A_108 : vector<16xf32> to vector<1x16xf32>
      tpu.vector_store %arg21[%swap3A_1024, %swap3A_1025], %swap3A_1028 {strides = array<i32>} : memref<16x128xf32, #tpu.memory_space<vmem>>, vector<1x16xf32>,
      %swap3A_1029 = arith.index_cast %scan3A_1004 : i32 to index
      %swap3A_1030 = arith.constant 80 : index
      %swap3A_1031 = tpu.vector_load %arg21[%swap3A_1029, %swap3A_1030] {strides = array<i32>} : memref<16x128xf32, #tpu.memory_space<vmem>>, vector<1x16xf32>,
      %swap3A_1032 = vector.shape_cast %swap3A_1031 : vector<1x16xf32> to vector<16xf32>
      %swap3A_1033 = vector.shape_cast %broadcast_in_dim3A_108 : vector<16xf32> to vector<1x16xf32>
      tpu.vector_store %arg21[%swap3A_1029, %swap3A_1030], %swap3A_1033 {strides = array<i32>} : memref<16x128xf32, #tpu.memory_space<vmem>>, vector<1x16xf32>,
      %swap3A_1034 = arith.index_cast %scan3A_1004 : i32 to index
      %swap3A_1035 = arith.constant 96 : index
      %swap3A_1036 = tpu.vector_load %arg21[%swap3A_1034, %swap3A_1035] {strides = array<i32>} : memref<16x128xf32, #tpu.memory_space<vmem>>, vector<1x16xf32>,
      %swap3A_1037 = vector.shape_cast %swap3A_1036 : vector<1x16xf32> to vector<16xf32>
      %swap3A_1038 = vector.shape_cast %broadcast_in_dim3A_108 : vector<16xf32> to vector<1x16xf32>
      tpu.vector_store %arg21[%swap3A_1034, %swap3A_1035], %swap3A_1038 {strides = array<i32>} : memref<16x128xf32, #tpu.memory_space<vmem>>, vector<1x16xf32>,
      %swap3A_1039 = arith.index_cast %scan3A_1004 : i32 to index
      %swap3A_1040 = arith.constant 112 : index
      %swap3A_1041 = tpu.vector_load %arg21[%swap3A_1039, %swap3A_1040] {strides = array<i32>} : memref<16x128xf32, #tpu.memory_space<vmem>>, vector<1x16xf32>,
      %swap3A_1042 = vector.shape_cast %swap3A_1041 : vector<1x16xf32> to vector<16xf32>
      %swap3A_1043 = vector.shape_cast %broadcast_in_dim3A_108 : vector<16xf32> to vector<1x16xf32>
      tpu.vector_store %arg21[%swap3A_1039, %swap3A_1040], %swap3A_1043 {strides = array<i32>} : memref<16x128xf32, #tpu.memory_space<vmem>>, vector<1x16xf32>,
    }
    %scan3A_113 = arith.constant 16 : i32
    %jit3A_114 = arith.constant false
    %jit3A_115 = arith.constant 0 : i32
    %jit3A_116 = arith.constant 0 : i32
    %select_n3A_117 = arith.select %jit3A_114, %jit3A_115, %jit3A_116 : i32
    %mul3A_118 = arith.constant 10000 : i32
    %mul3A_119 = arith.muli %add3A, %mul3A_118 : i32
    %mul3A_120 = arith.constant 80 : i32
    %mul3A_121 = arith.muli %select_n3A_117, %mul3A_120 : i32
    %add3A_122 = arith.addi %mul3A_119, %mul3A_121 : i32
    %dma_wait3A = tpu.memref_slice %arg4[%add3A_122] : memref<320000xi32, #tpu.memory_space<hbm>> -> memref<80xi32, #tpu.memory_space<hbm>>
    %dma_wait3A_123 = tpu.memref_slice %arg4[%add3A_122] : memref<320000xi32, #tpu.memory_space<hbm>> -> memref<80xi32, #tpu.memory_space<hbm>>
    tpu.wait_dma2 semaphore(%arg23 : memref<!tpu.dma_semaphore, #tpu.memory_space<semaphore_mem>>) src(%dma_wait3A_123 : memref<80xi32, #tpu.memory_space<hbm>>) dst(%arg6 : memref<80xi32, #tpu.memory_space<vmem>>)
    %jit3A_124 = arith.constant false
    %jit3A_125 = arith.constant 0 : i32
    %jit3A_126 = arith.constant 0 : i32
    %select_n3A_127 = arith.select %jit3A_124, %jit3A_125, %jit3A_126 : i32
    %mul3A_128 = arith.constant 10000 : i32
    %mul3A_129 = arith.muli %add3A, %mul3A_128 : i32
    %mul3A_130 = arith.constant 80 : i32
    %mul3A_131 = arith.muli %select_n3A_127, %mul3A_130 : i32
    %add3A_132 = arith.addi %mul3A_129, %mul3A_131 : i32
    %dma_wait3A_133 = tpu.memref_slice %arg3[%add3A_132] : memref<320000xi32, #tpu.memory_space<hbm>> -> memref<80xi32, #tpu.memory_space<hbm>>
    %dma_wait3A_134 = tpu.memref_slice %arg3[%add3A_132] : memref<320000xi32, #tpu.memory_space<hbm>> -> memref<80xi32, #tpu.memory_space<hbm>>
    tpu.wait_dma2 semaphore(%arg23 : memref<!tpu.dma_semaphore, #tpu.memory_space<semaphore_mem>>) src(%dma_wait3A_134 : memref<80xi32, #tpu.memory_space<hbm>>) dst(%arg12 : memref<80xi32, #tpu.memory_space<vmem>>)
    %dma_start3A_135 = arith.constant 0 : i32
    %dma_start3A_136 = arith.constant 0 : i32
    %dma_start3A_137 = tpu.memref_slice %arg2[%dma_start3A_135, %dma_start3A_136] : memref<10000x128xf32, #tpu.memory_space<hbm>> -> memref<10000x128xf32, #tpu.memory_space<hbm>>
    tpu.enqueue_indirect_dma source(%dma_start3A_137 : memref<10000x128xf32, #tpu.memory_space<hbm>>) target(%arg18 : memref<80x128xf32, #tpu.memory_space<vmem>>) offsets(%arg6 : memref<80xi32, #tpu.memory_space<vmem>>) semaphore(%arg29 : memref<!tpu.dma_semaphore, #tpu.memory_space<semaphore_mem>>)
    %jit3A_138 = arith.constant false
    %jit3A_139 = arith.constant 0 : i32
    %jit3A_140 = arith.constant 1 : i32
    %select_n3A_141 = arith.select %jit3A_138, %jit3A_139, %jit3A_140 : i32
    %mul3A_142 = arith.constant 10000 : i32
    %mul3A_143 = arith.muli %add3A, %mul3A_142 : i32
    %mul3A_144 = arith.constant 80 : i32
    %mul3A_145 = arith.muli %select_n3A_141, %mul3A_144 : i32
    %add3A_146 = arith.addi %mul3A_143, %mul3A_145 : i32
    %dma_wait3A_147 = tpu.memref_slice %arg4[%add3A_146] : memref<320000xi32, #tpu.memory_space<hbm>> -> memref<80xi32, #tpu.memory_space<hbm>>
    %dma_wait3A_148 = tpu.memref_slice %arg4[%add3A_146] : memref<320000xi32, #tpu.memory_space<hbm>> -> memref<80xi32, #tpu.memory_space<hbm>>
    tpu.wait_dma2 semaphore(%arg24 : memref<!tpu.dma_semaphore, #tpu.memory_space<semaphore_mem>>) src(%dma_wait3A_148 : memref<80xi32, #tpu.memory_space<hbm>>) dst(%arg7 : memref<80xi32, #tpu.memory_space<vmem>>)
    %jit3A_149 = arith.constant false
    %jit3A_150 = arith.constant 0 : i32
    %jit3A_151 = arith.constant 1 : i32
    %select_n3A_152 = arith.select %jit3A_149, %jit3A_150, %jit3A_151 : i32
    %mul3A_153 = arith.constant 10000 : i32
    %mul3A_154 = arith.muli %add3A, %mul3A_153 : i32
    %mul3A_155 = arith.constant 80 : i32
    %mul3A_156 = arith.muli %select_n3A_152, %mul3A_155 : i32
    %add3A_157 = arith.addi %mul3A_154, %mul3A_156 : i32
    %dma_wait3A_158 = tpu.memref_slice %arg3[%add3A_157] : memref<320000xi32, #tpu.memory_space<hbm>> -> memref<80xi32, #tpu.memory_space<hbm>>
    %dma_wait3A_159 = tpu.memref_slice %arg3[%add3A_157] : memref<320000xi32, #tpu.memory_space<hbm>> -> memref<80xi32, #tpu.memory_space<hbm>>
    tpu.wait_dma2 semaphore(%arg24 : memref<!tpu.dma_semaphore, #tpu.memory_space<semaphore_mem>>) src(%dma_wait3A_159 : memref<80xi32, #tpu.memory_space<hbm>>) dst(%arg13 : memref<80xi32, #tpu.memory_space<vmem>>)
    %dma_start3A_160 = arith.constant 0 : i32
    %dma_start3A_161 = arith.constant 0 : i32
    %dma_start3A_162 = tpu.memref_slice %arg2[%dma_start3A_160, %dma_start3A_161] : memref<10000x128xf32, #tpu.memory_space<hbm>> -> memref<10000x128xf32, #tpu.memory_space<hbm>>
    tpu.enqueue_indirect_dma source(%dma_start3A_162 : memref<10000x128xf32, #tpu.memory_space<hbm>>) target(%arg19 : memref<80x128xf32, #tpu.memory_space<vmem>>) offsets(%arg7 : memref<80xi32, #tpu.memory_space<vmem>>) semaphore(%arg30 : memref<!tpu.dma_semaphore, #tpu.memory_space<semaphore_mem>>)
    %mul3A_163 = arith.constant 640 : i32
    %mul3A_164 = arith.muli %arg1, %mul3A_163 : i32
    %add3A_165 = arith.constant 0 : i32
    %add3A_166 = arith.addi %mul3A_164, %add3A_165 : i32
    %dma_start3A_167 = arith.constant 0 : i32
    %dma_start3A_168 = tpu.memref_slice %arg22[%add3A_166, %dma_start3A_167] : memref<10240x128xf32, #tpu.memory_space<vmem_shared>> -> memref<16x128xf32, #tpu.memory_space<vmem_shared>>
    %dma_start3A_169 = arith.constant 0 : i32
    %dma_start3A_170 = tpu.memref_slice %arg22[%add3A_166, %dma_start3A_169] : memref<10240x128xf32, #tpu.memory_space<vmem_shared>> -> memref<16x128xf32, #tpu.memory_space<vmem_shared>>
    tpu.enqueue_dma source(%arg21 : memref<16x128xf32, #tpu.memory_space<vmem>>) target(%dma_start3A_170 : memref<16x128xf32, #tpu.memory_space<vmem_shared>>) target_semaphore(%arg35 : memref<!tpu.dma_semaphore, #tpu.memory_space<semaphore_mem>>)
    %add3A_171 = arith.constant 16 : i32
    %add3A_172 = arith.addi %mul3A_164, %add3A_171 : i32
    %dma_start3A_173 = arith.constant 0 : i32
    %dma_start3A_174 = tpu.memref_slice %arg22[%add3A_172, %dma_start3A_173] : memref<10240x128xf32, #tpu.memory_space<vmem_shared>> -> memref<16x128xf32, #tpu.memory_space<vmem_shared>>
    %dma_start3A_175 = arith.constant 0 : i32
    %dma_start3A_176 = tpu.memref_slice %arg22[%add3A_172, %dma_start3A_175] : memref<10240x128xf32, #tpu.memory_space<vmem_shared>> -> memref<16x128xf32, #tpu.memory_space<vmem_shared>>
    tpu.enqueue_dma source(%arg21 : memref<16x128xf32, #tpu.memory_space<vmem>>) target(%dma_start3A_176 : memref<16x128xf32, #tpu.memory_space<vmem_shared>>) target_semaphore(%arg35 : memref<!tpu.dma_semaphore, #tpu.memory_space<semaphore_mem>>)
    %add3A_177 = arith.constant 32 : i32
    %add3A_178 = arith.addi %mul3A_164, %add3A_177 : i32
    %dma_start3A_179 = arith.constant 0 : i32
    %dma_start3A_180 = tpu.memref_slice %arg22[%add3A_178, %dma_start3A_179] : memref<10240x128xf32, #tpu.memory_space<vmem_shared>> -> memref<16x128xf32, #tpu.memory_space<vmem_shared>>
    %dma_start3A_181 = arith.constant 0 : i32
    %dma_start3A_182 = tpu.memref_slice %arg22[%add3A_178, %dma_start3A_181] : memref<10240x128xf32, #tpu.memory_space<vmem_shared>> -> memref<16x128xf32, #tpu.memory_space<vmem_shared>>
    tpu.enqueue_dma source(%arg21 : memref<16x128xf32, #tpu.memory_space<vmem>>) target(%dma_start3A_182 : memref<16x128xf32, #tpu.memory_space<vmem_shared>>) target_semaphore(%arg35 : memref<!tpu.dma_semaphore, #tpu.memory_space<semaphore_mem>>)
    %add3A_183 = arith.constant 48 : i32
    %add3A_184 = arith.addi %mul3A_164, %add3A_183 : i32
    %dma_start3A_185 = arith.constant 0 : i32
    %dma_start3A_186 = tpu.memref_slice %arg22[%add3A_184, %dma_start3A_185] : memref<10240x128xf32, #tpu.memory_space<vmem_shared>> -> memref<16x128xf32, #tpu.memory_space<vmem_shared>>
    %dma_start3A_187 = arith.constant 0 : i32
    %dma_start3A_188 = tpu.memref_slice %arg22[%add3A_184, %dma_start3A_187] : memref<10240x128xf32, #tpu.memory_space<vmem_shared>> -> memref<16x128xf32, #tpu.memory_space<vmem_shared>>
    tpu.enqueue_dma source(%arg21 : memref<16x128xf32, #tpu.memory_space<vmem>>) target(%dma_start3A_188 : memref<16x128xf32, #tpu.memory_space<vmem_shared>>) target_semaphore(%arg35 : memref<!tpu.dma_semaphore, #tpu.memory_space<semaphore_mem>>)
    %add3A_189 = arith.constant 64 : i32
    %add3A_190 = arith.addi %mul3A_164, %add3A_189 : i32
    %dma_start3A_191 = arith.constant 0 : i32
    %dma_start3A_192 = tpu.memref_slice %arg22[%add3A_190, %dma_start3A_191] : memref<10240x128xf32, #tpu.memory_space<vmem_shared>> -> memref<16x128xf32, #tpu.memory_space<vmem_shared>>
    %dma_start3A_193 = arith.constant 0 : i32
    %dma_start3A_194 = tpu.memref_slice %arg22[%add3A_190, %dma_start3A_193] : memref<10240x128xf32, #tpu.memory_space<vmem_shared>> -> memref<16x128xf32, #tpu.memory_space<vmem_shared>>
    tpu.enqueue_dma source(%arg21 : memref<16x128xf32, #tpu.memory_space<vmem>>) target(%dma_start3A_194 : memref<16x128xf32, #tpu.memory_space<vmem_shared>>) target_semaphore(%arg35 : memref<!tpu.dma_semaphore, #tpu.memory_space<semaphore_mem>>)
    %add3A_195 = arith.constant 80 : i32
    %add3A_196 = arith.addi %mul3A_164, %add3A_195 : i32
    %dma_start3A_197 = arith.constant 0 : i32
    %dma_start3A_198 = tpu.memref_slice %arg22[%add3A_196, %dma_start3A_197] : memref<10240x128xf32, #tpu.memory_space<vmem_shared>> -> memref<16x128xf32, #tpu.memory_space<vmem_shared>>
    %dma_start3A_199 = arith.constant 0 : i32
    %dma_start3A_200 = tpu.memref_slice %arg22[%add3A_196, %dma_start3A_199] : memref<10240x128xf32, #tpu.memory_space<vmem_shared>> -> memref<16x128xf32, #tpu.memory_space<vmem_shared>>
    tpu.enqueue_dma source(%arg21 : memref<16x128xf32, #tpu.memory_space<vmem>>) target(%dma_start3A_200 : memref<16x128xf32, #tpu.memory_space<vmem_shared>>) target_semaphore(%arg35 : memref<!tpu.dma_semaphore, #tpu.memory_space<semaphore_mem>>)
    %add3A_201 = arith.constant 96 : i32
    %add3A_202 = arith.addi %mul3A_164, %add3A_201 : i32
    %dma_start3A_203 = arith.constant 0 : i32
    %dma_start3A_204 = tpu.memref_slice %arg22[%add3A_202, %dma_start3A_203] : memref<10240x128xf32, #tpu.memory_space<vmem_shared>> -> memref<16x128xf32, #tpu.memory_space<vmem_shared>>
    %dma_start3A_205 = arith.constant 0 : i32
    %dma_start3A_206 = tpu.memref_slice %arg22[%add3A_202, %dma_start3A_205] : memref<10240x128xf32, #tpu.memory_space<vmem_shared>> -> memref<16x128xf32, #tpu.memory_space<vmem_shared>>
    tpu.enqueue_dma source(%arg21 : memref<16x128xf32, #tpu.memory_space<vmem>>) target(%dma_start3A_206 : memref<16x128xf32, #tpu.memory_space<vmem_shared>>) target_semaphore(%arg35 : memref<!tpu.dma_semaphore, #tpu.memory_space<semaphore_mem>>)
    %add3A_207 = arith.constant 112 : i32
    %add3A_208 = arith.addi %mul3A_164, %add3A_207 : i32
    %dma_start3A_209 = arith.constant 0 : i32
    %dma_start3A_210 = tpu.memref_slice %arg22[%add3A_208, %dma_start3A_209] : memref<10240x128xf32, #tpu.memory_space<vmem_shared>> -> memref<16x128xf32, #tpu.memory_space<vmem_shared>>
    %dma_start3A_211 = arith.constant 0 : i32
    %dma_start3A_212 = tpu.memref_slice %arg22[%add3A_208, %dma_start3A_211] : memref<10240x128xf32, #tpu.memory_space<vmem_shared>> -> memref<16x128xf32, #tpu.memory_space<vmem_shared>>
    tpu.enqueue_dma source(%arg21 : memref<16x128xf32, #tpu.memory_space<vmem>>) target(%dma_start3A_212 : memref<16x128xf32, #tpu.memory_space<vmem_shared>>) target_semaphore(%arg35 : memref<!tpu.dma_semaphore, #tpu.memory_space<semaphore_mem>>)
    %add3A_213 = arith.constant 128 : i32
    %add3A_214 = arith.addi %mul3A_164, %add3A_213 : i32
    %dma_start3A_215 = arith.constant 0 : i32
    %dma_start3A_216 = tpu.memref_slice %arg22[%add3A_214, %dma_start3A_215] : memref<10240x128xf32, #tpu.memory_space<vmem_shared>> -> memref<16x128xf32, #tpu.memory_space<vmem_shared>>
    %dma_start3A_217 = arith.constant 0 : i32
    %dma_start3A_218 = tpu.memref_slice %arg22[%add3A_214, %dma_start3A_217] : memref<10240x128xf32, #tpu.memory_space<vmem_shared>> -> memref<16x128xf32, #tpu.memory_space<vmem_shared>>
    tpu.enqueue_dma source(%arg21 : memref<16x128xf32, #tpu.memory_space<vmem>>) target(%dma_start3A_218 : memref<16x128xf32, #tpu.memory_space<vmem_shared>>) target_semaphore(%arg35 : memref<!tpu.dma_semaphore, #tpu.memory_space<semaphore_mem>>)
    %add3A_219 = arith.constant 144 : i32
    %add3A_220 = arith.addi %mul3A_164, %add3A_219 : i32
    %dma_start3A_221 = arith.constant 0 : i32
    %dma_start3A_222 = tpu.memref_slice %arg22[%add3A_220, %dma_start3A_221] : memref<10240x128xf32, #tpu.memory_space<vmem_shared>> -> memref<16x128xf32, #tpu.memory_space<vmem_shared>>
    %dma_start3A_223 = arith.constant 0 : i32
    %dma_start3A_224 = tpu.memref_slice %arg22[%add3A_220, %dma_start3A_223] : memref<10240x128xf32, #tpu.memory_space<vmem_shared>> -> memref<16x128xf32, #tpu.memory_space<vmem_shared>>
    tpu.enqueue_dma source(%arg21 : memref<16x128xf32, #tpu.memory_space<vmem>>) target(%dma_start3A_224 : memref<16x128xf32, #tpu.memory_space<vmem_shared>>) target_semaphore(%arg35 : memref<!tpu.dma_semaphore, #tpu.memory_space<semaphore_mem>>)
    %add3A_225 = arith.constant 160 : i32
    %add3A_226 = arith.addi %mul3A_164, %add3A_225 : i32
    %dma_start3A_227 = arith.constant 0 : i32
    %dma_start3A_228 = tpu.memref_slice %arg22[%add3A_226, %dma_start3A_227] : memref<10240x128xf32, #tpu.memory_space<vmem_shared>> -> memref<16x128xf32, #tpu.memory_space<vmem_shared>>
    %dma_start3A_229 = arith.constant 0 : i32
    %dma_start3A_230 = tpu.memref_slice %arg22[%add3A_226, %dma_start3A_229] : memref<10240x128xf32, #tpu.memory_space<vmem_shared>> -> memref<16x128xf32, #tpu.memory_space<vmem_shared>>
    tpu.enqueue_dma source(%arg21 : memref<16x128xf32, #tpu.memory_space<vmem>>) target(%dma_start3A_230 : memref<16x128xf32, #tpu.memory_space<vmem_shared>>) target_semaphore(%arg35 : memref<!tpu.dma_semaphore, #tpu.memory_space<semaphore_mem>>)
    %add3A_231 = arith.constant 176 : i32
    %add3A_232 = arith.addi %mul3A_164, %add3A_231 : i32
    %dma_start3A_233 = arith.constant 0 : i32
    %dma_start3A_234 = tpu.memref_slice %arg22[%add3A_232, %dma_start3A_233] : memref<10240x128xf32, #tpu.memory_space<vmem_shared>> -> memref<16x128xf32, #tpu.memory_space<vmem_shared>>
    %dma_start3A_235 = arith.constant 0 : i32
    %dma_start3A_236 = tpu.memref_slice %arg22[%add3A_232, %dma_start3A_235] : memref<10240x128xf32, #tpu.memory_space<vmem_shared>> -> memref<16x128xf32, #tpu.memory_space<vmem_shared>>
    tpu.enqueue_dma source(%arg21 : memref<16x128xf32, #tpu.memory_space<vmem>>) target(%dma_start3A_236 : memref<16x128xf32, #tpu.memory_space<vmem_shared>>) target_semaphore(%arg35 : memref<!tpu.dma_semaphore, #tpu.memory_space<semaphore_mem>>)
    %add3A_237 = arith.constant 192 : i32
    %add3A_238 = arith.addi %mul3A_164, %add3A_237 : i32
    %dma_start3A_239 = arith.constant 0 : i32
    %dma_start3A_240 = tpu.memref_slice %arg22[%add3A_238, %dma_start3A_239] : memref<10240x128xf32, #tpu.memory_space<vmem_shared>> -> memref<16x128xf32, #tpu.memory_space<vmem_shared>>
    %dma_start3A_241 = arith.constant 0 : i32
    %dma_start3A_242 = tpu.memref_slice %arg22[%add3A_238, %dma_start3A_241] : memref<10240x128xf32, #tpu.memory_space<vmem_shared>> -> memref<16x128xf32, #tpu.memory_space<vmem_shared>>
    tpu.enqueue_dma source(%arg21 : memref<16x128xf32, #tpu.memory_space<vmem>>) target(%dma_start3A_242 : memref<16x128xf32, #tpu.memory_space<vmem_shared>>) target_semaphore(%arg35 : memref<!tpu.dma_semaphore, #tpu.memory_space<semaphore_mem>>)
    %add3A_243 = arith.constant 208 : i32
    %add3A_244 = arith.addi %mul3A_164, %add3A_243 : i32
    %dma_start3A_245 = arith.constant 0 : i32
    %dma_start3A_246 = tpu.memref_slice %arg22[%add3A_244, %dma_start3A_245] : memref<10240x128xf32, #tpu.memory_space<vmem_shared>> -> memref<16x128xf32, #tpu.memory_space<vmem_shared>>
    %dma_start3A_247 = arith.constant 0 : i32
    %dma_start3A_248 = tpu.memref_slice %arg22[%add3A_244, %dma_start3A_247] : memref<10240x128xf32, #tpu.memory_space<vmem_shared>> -> memref<16x128xf32, #tpu.memory_space<vmem_shared>>
    tpu.enqueue_dma source(%arg21 : memref<16x128xf32, #tpu.memory_space<vmem>>) target(%dma_start3A_248 : memref<16x128xf32, #tpu.memory_space<vmem_shared>>) target_semaphore(%arg35 : memref<!tpu.dma_semaphore, #tpu.memory_space<semaphore_mem>>)
    %add3A_249 = arith.constant 224 : i32
    %add3A_250 = arith.addi %mul3A_164, %add3A_249 : i32
    %dma_start3A_251 = arith.constant 0 : i32
    %dma_start3A_252 = tpu.memref_slice %arg22[%add3A_250, %dma_start3A_251] : memref<10240x128xf32, #tpu.memory_space<vmem_shared>> -> memref<16x128xf32, #tpu.memory_space<vmem_shared>>
    %dma_start3A_253 = arith.constant 0 : i32
    %dma_start3A_254 = tpu.memref_slice %arg22[%add3A_250, %dma_start3A_253] : memref<10240x128xf32, #tpu.memory_space<vmem_shared>> -> memref<16x128xf32, #tpu.memory_space<vmem_shared>>
    tpu.enqueue_dma source(%arg21 : memref<16x128xf32, #tpu.memory_space<vmem>>) target(%dma_start3A_254 : memref<16x128xf32, #tpu.memory_space<vmem_shared>>) target_semaphore(%arg35 : memref<!tpu.dma_semaphore, #tpu.memory_space<semaphore_mem>>)
    %add3A_255 = arith.constant 240 : i32
    %add3A_256 = arith.addi %mul3A_164, %add3A_255 : i32
    %dma_start3A_257 = arith.constant 0 : i32
    %dma_start3A_258 = tpu.memref_slice %arg22[%add3A_256, %dma_start3A_257] : memref<10240x128xf32, #tpu.memory_space<vmem_shared>> -> memref<16x128xf32, #tpu.memory_space<vmem_shared>>
    %dma_start3A_259 = arith.constant 0 : i32
    %dma_start3A_260 = tpu.memref_slice %arg22[%add3A_256, %dma_start3A_259] : memref<10240x128xf32, #tpu.memory_space<vmem_shared>> -> memref<16x128xf32, #tpu.memory_space<vmem_shared>>
    tpu.enqueue_dma source(%arg21 : memref<16x128xf32, #tpu.memory_space<vmem>>) target(%dma_start3A_260 : memref<16x128xf32, #tpu.memory_space<vmem_shared>>) target_semaphore(%arg35 : memref<!tpu.dma_semaphore, #tpu.memory_space<semaphore_mem>>)
    %add3A_261 = arith.constant 256 : i32
    %add3A_262 = arith.addi %mul3A_164, %add3A_261 : i32
    %dma_start3A_263 = arith.constant 0 : i32
    %dma_start3A_264 = tpu.memref_slice %arg22[%add3A_262, %dma_start3A_263] : memref<10240x128xf32, #tpu.memory_space<vmem_shared>> -> memref<16x128xf32, #tpu.memory_space<vmem_shared>>
    %dma_start3A_265 = arith.constant 0 : i32
    %dma_start3A_266 = tpu.memref_slice %arg22[%add3A_262, %dma_start3A_265] : memref<10240x128xf32, #tpu.memory_space<vmem_shared>> -> memref<16x128xf32, #tpu.memory_space<vmem_shared>>
    tpu.enqueue_dma source(%arg21 : memref<16x128xf32, #tpu.memory_space<vmem>>) target(%dma_start3A_266 : memref<16x128xf32, #tpu.memory_space<vmem_shared>>) target_semaphore(%arg35 : memref<!tpu.dma_semaphore, #tpu.memory_space<semaphore_mem>>)
    %add3A_267 = arith.constant 272 : i32
    %add3A_268 = arith.addi %mul3A_164, %add3A_267 : i32
    %dma_start3A_269 = arith.constant 0 : i32
    %dma_start3A_270 = tpu.memref_slice %arg22[%add3A_268, %dma_start3A_269] : memref<10240x128xf32, #tpu.memory_space<vmem_shared>> -> memref<16x128xf32, #tpu.memory_space<vmem_shared>>
    %dma_start3A_271 = arith.constant 0 : i32
    %dma_start3A_272 = tpu.memref_slice %arg22[%add3A_268, %dma_start3A_271] : memref<10240x128xf32, #tpu.memory_space<vmem_shared>> -> memref<16x128xf32, #tpu.memory_space<vmem_shared>>
    tpu.enqueue_dma source(%arg21 : memref<16x128xf32, #tpu.memory_space<vmem>>) target(%dma_start3A_272 : memref<16x128xf32, #tpu.memory_space<vmem_shared>>) target_semaphore(%arg35 : memref<!tpu.dma_semaphore, #tpu.memory_space<semaphore_mem>>)
    %add3A_273 = arith.constant 288 : i32
    %add3A_274 = arith.addi %mul3A_164, %add3A_273 : i32
    %dma_start3A_275 = arith.constant 0 : i32
    %dma_start3A_276 = tpu.memref_slice %arg22[%add3A_274, %dma_start3A_275] : memref<10240x128xf32, #tpu.memory_space<vmem_shared>> -> memref<16x128xf32, #tpu.memory_space<vmem_shared>>
    %dma_start3A_277 = arith.constant 0 : i32
    %dma_start3A_278 = tpu.memref_slice %arg22[%add3A_274, %dma_start3A_277] : memref<10240x128xf32, #tpu.memory_space<vmem_shared>> -> memref<16x128xf32, #tpu.memory_space<vmem_shared>>
    tpu.enqueue_dma source(%arg21 : memref<16x128xf32, #tpu.memory_space<vmem>>) target(%dma_start3A_278 : memref<16x128xf32, #tpu.memory_space<vmem_shared>>) target_semaphore(%arg35 : memref<!tpu.dma_semaphore, #tpu.memory_space<semaphore_mem>>)
    %add3A_279 = arith.constant 304 : i32
    %add3A_280 = arith.addi %mul3A_164, %add3A_279 : i32
    %dma_start3A_281 = arith.constant 0 : i32
    %dma_start3A_282 = tpu.memref_slice %arg22[%add3A_280, %dma_start3A_281] : memref<10240x128xf32, #tpu.memory_space<vmem_shared>> -> memref<16x128xf32, #tpu.memory_space<vmem_shared>>
    %dma_start3A_283 = arith.constant 0 : i32
    %dma_start3A_284 = tpu.memref_slice %arg22[%add3A_280, %dma_start3A_283] : memref<10240x128xf32, #tpu.memory_space<vmem_shared>> -> memref<16x128xf32, #tpu.memory_space<vmem_shared>>
    tpu.enqueue_dma source(%arg21 : memref<16x128xf32, #tpu.memory_space<vmem>>) target(%dma_start3A_284 : memref<16x128xf32, #tpu.memory_space<vmem_shared>>) target_semaphore(%arg35 : memref<!tpu.dma_semaphore, #tpu.memory_space<semaphore_mem>>)
    %add3A_285 = arith.constant 320 : i32
    %add3A_286 = arith.addi %mul3A_164, %add3A_285 : i32
    %dma_start3A_287 = arith.constant 0 : i32
    %dma_start3A_288 = tpu.memref_slice %arg22[%add3A_286, %dma_start3A_287] : memref<10240x128xf32, #tpu.memory_space<vmem_shared>> -> memref<16x128xf32, #tpu.memory_space<vmem_shared>>
    %dma_start3A_289 = arith.constant 0 : i32
    %dma_start3A_290 = tpu.memref_slice %arg22[%add3A_286, %dma_start3A_289] : memref<10240x128xf32, #tpu.memory_space<vmem_shared>> -> memref<16x128xf32, #tpu.memory_space<vmem_shared>>
    tpu.enqueue_dma source(%arg21 : memref<16x128xf32, #tpu.memory_space<vmem>>) target(%dma_start3A_290 : memref<16x128xf32, #tpu.memory_space<vmem_shared>>) target_semaphore(%arg35 : memref<!tpu.dma_semaphore, #tpu.memory_space<semaphore_mem>>)
    %add3A_291 = arith.constant 336 : i32
    %add3A_292 = arith.addi %mul3A_164, %add3A_291 : i32
    %dma_start3A_293 = arith.constant 0 : i32
    %dma_start3A_294 = tpu.memref_slice %arg22[%add3A_292, %dma_start3A_293] : memref<10240x128xf32, #tpu.memory_space<vmem_shared>> -> memref<16x128xf32, #tpu.memory_space<vmem_shared>>
    %dma_start3A_295 = arith.constant 0 : i32
    %dma_start3A_296 = tpu.memref_slice %arg22[%add3A_292, %dma_start3A_295] : memref<10240x128xf32, #tpu.memory_space<vmem_shared>> -> memref<16x128xf32, #tpu.memory_space<vmem_shared>>
    tpu.enqueue_dma source(%arg21 : memref<16x128xf32, #tpu.memory_space<vmem>>) target(%dma_start3A_296 : memref<16x128xf32, #tpu.memory_space<vmem_shared>>) target_semaphore(%arg35 : memref<!tpu.dma_semaphore, #tpu.memory_space<semaphore_mem>>)
    %add3A_297 = arith.constant 352 : i32
    %add3A_298 = arith.addi %mul3A_164, %add3A_297 : i32
    %dma_start3A_299 = arith.constant 0 : i32
    %dma_start3A_300 = tpu.memref_slice %arg22[%add3A_298, %dma_start3A_299] : memref<10240x128xf32, #tpu.memory_space<vmem_shared>> -> memref<16x128xf32, #tpu.memory_space<vmem_shared>>
    %dma_start3A_301 = arith.constant 0 : i32
    %dma_start3A_302 = tpu.memref_slice %arg22[%add3A_298, %dma_start3A_301] : memref<10240x128xf32, #tpu.memory_space<vmem_shared>> -> memref<16x128xf32, #tpu.memory_space<vmem_shared>>
    tpu.enqueue_dma source(%arg21 : memref<16x128xf32, #tpu.memory_space<vmem>>) target(%dma_start3A_302 : memref<16x128xf32, #tpu.memory_space<vmem_shared>>) target_semaphore(%arg35 : memref<!tpu.dma_semaphore, #tpu.memory_space<semaphore_mem>>)
    %add3A_303 = arith.constant 368 : i32
    %add3A_304 = arith.addi %mul3A_164, %add3A_303 : i32
    %dma_start3A_305 = arith.constant 0 : i32
    %dma_start3A_306 = tpu.memref_slice %arg22[%add3A_304, %dma_start3A_305] : memref<10240x128xf32, #tpu.memory_space<vmem_shared>> -> memref<16x128xf32, #tpu.memory_space<vmem_shared>>
    %dma_start3A_307 = arith.constant 0 : i32
    %dma_start3A_308 = tpu.memref_slice %arg22[%add3A_304, %dma_start3A_307] : memref<10240x128xf32, #tpu.memory_space<vmem_shared>> -> memref<16x128xf32, #tpu.memory_space<vmem_shared>>
    tpu.enqueue_dma source(%arg21 : memref<16x128xf32, #tpu.memory_space<vmem>>) target(%dma_start3A_308 : memref<16x128xf32, #tpu.memory_space<vmem_shared>>) target_semaphore(%arg35 : memref<!tpu.dma_semaphore, #tpu.memory_space<semaphore_mem>>)
    %add3A_309 = arith.constant 384 : i32
    %add3A_310 = arith.addi %mul3A_164, %add3A_309 : i32
    %dma_start3A_311 = arith.constant 0 : i32
    %dma_start3A_312 = tpu.memref_slice %arg22[%add3A_310, %dma_start3A_311] : memref<10240x128xf32, #tpu.memory_space<vmem_shared>> -> memref<16x128xf32, #tpu.memory_space<vmem_shared>>
    %dma_start3A_313 = arith.constant 0 : i32
    %dma_start3A_314 = tpu.memref_slice %arg22[%add3A_310, %dma_start3A_313] : memref<10240x128xf32, #tpu.memory_space<vmem_shared>> -> memref<16x128xf32, #tpu.memory_space<vmem_shared>>
    tpu.enqueue_dma source(%arg21 : memref<16x128xf32, #tpu.memory_space<vmem>>) target(%dma_start3A_314 : memref<16x128xf32, #tpu.memory_space<vmem_shared>>) target_semaphore(%arg35 : memref<!tpu.dma_semaphore, #tpu.memory_space<semaphore_mem>>)
    %add3A_315 = arith.constant 400 : i32
    %add3A_316 = arith.addi %mul3A_164, %add3A_315 : i32
    %dma_start3A_317 = arith.constant 0 : i32
    %dma_start3A_318 = tpu.memref_slice %arg22[%add3A_316, %dma_start3A_317] : memref<10240x128xf32, #tpu.memory_space<vmem_shared>> -> memref<16x128xf32, #tpu.memory_space<vmem_shared>>
    %dma_start3A_319 = arith.constant 0 : i32
    %dma_start3A_320 = tpu.memref_slice %arg22[%add3A_316, %dma_start3A_319] : memref<10240x128xf32, #tpu.memory_space<vmem_shared>> -> memref<16x128xf32, #tpu.memory_space<vmem_shared>>
    tpu.enqueue_dma source(%arg21 : memref<16x128xf32, #tpu.memory_space<vmem>>) target(%dma_start3A_320 : memref<16x128xf32, #tpu.memory_space<vmem_shared>>) target_semaphore(%arg35 : memref<!tpu.dma_semaphore, #tpu.memory_space<semaphore_mem>>)
    %add3A_321 = arith.constant 416 : i32
    %add3A_322 = arith.addi %mul3A_164, %add3A_321 : i32
    %dma_start3A_323 = arith.constant 0 : i32
    %dma_start3A_324 = tpu.memref_slice %arg22[%add3A_322, %dma_start3A_323] : memref<10240x128xf32, #tpu.memory_space<vmem_shared>> -> memref<16x128xf32, #tpu.memory_space<vmem_shared>>
    %dma_start3A_325 = arith.constant 0 : i32
    %dma_start3A_326 = tpu.memref_slice %arg22[%add3A_322, %dma_start3A_325] : memref<10240x128xf32, #tpu.memory_space<vmem_shared>> -> memref<16x128xf32, #tpu.memory_space<vmem_shared>>
    tpu.enqueue_dma source(%arg21 : memref<16x128xf32, #tpu.memory_space<vmem>>) target(%dma_start3A_326 : memref<16x128xf32, #tpu.memory_space<vmem_shared>>) target_semaphore(%arg35 : memref<!tpu.dma_semaphore, #tpu.memory_space<semaphore_mem>>)
    %add3A_327 = arith.constant 432 : i32
    %add3A_328 = arith.addi %mul3A_164, %add3A_327 : i32
    %dma_start3A_329 = arith.constant 0 : i32
    %dma_start3A_330 = tpu.memref_slice %arg22[%add3A_328, %dma_start3A_329] : memref<10240x128xf32, #tpu.memory_space<vmem_shared>> -> memref<16x128xf32, #tpu.memory_space<vmem_shared>>
    %dma_start3A_331 = arith.constant 0 : i32
    %dma_start3A_332 = tpu.memref_slice %arg22[%add3A_328, %dma_start3A_331] : memref<10240x128xf32, #tpu.memory_space<vmem_shared>> -> memref<16x128xf32, #tpu.memory_space<vmem_shared>>
    tpu.enqueue_dma source(%arg21 : memref<16x128xf32, #tpu.memory_space<vmem>>) target(%dma_start3A_332 : memref<16x128xf32, #tpu.memory_space<vmem_shared>>) target_semaphore(%arg35 : memref<!tpu.dma_semaphore, #tpu.memory_space<semaphore_mem>>)
    %add3A_333 = arith.constant 448 : i32
    %add3A_334 = arith.addi %mul3A_164, %add3A_333 : i32
    %dma_start3A_335 = arith.constant 0 : i32
    %dma_start3A_336 = tpu.memref_slice %arg22[%add3A_334, %dma_start3A_335] : memref<10240x128xf32, #tpu.memory_space<vmem_shared>> -> memref<16x128xf32, #tpu.memory_space<vmem_shared>>
    %dma_start3A_337 = arith.constant 0 : i32
    %dma_start3A_338 = tpu.memref_slice %arg22[%add3A_334, %dma_start3A_337] : memref<10240x128xf32, #tpu.memory_space<vmem_shared>> -> memref<16x128xf32, #tpu.memory_space<vmem_shared>>
    tpu.enqueue_dma source(%arg21 : memref<16x128xf32, #tpu.memory_space<vmem>>) target(%dma_start3A_338 : memref<16x128xf32, #tpu.memory_space<vmem_shared>>) target_semaphore(%arg35 : memref<!tpu.dma_semaphore, #tpu.memory_space<semaphore_mem>>)
    %add3A_339 = arith.constant 464 : i32
    %add3A_340 = arith.addi %mul3A_164, %add3A_339 : i32
    %dma_start3A_341 = arith.constant 0 : i32
    %dma_start3A_342 = tpu.memref_slice %arg22[%add3A_340, %dma_start3A_341] : memref<10240x128xf32, #tpu.memory_space<vmem_shared>> -> memref<16x128xf32, #tpu.memory_space<vmem_shared>>
    %dma_start3A_343 = arith.constant 0 : i32
    %dma_start3A_344 = tpu.memref_slice %arg22[%add3A_340, %dma_start3A_343] : memref<10240x128xf32, #tpu.memory_space<vmem_shared>> -> memref<16x128xf32, #tpu.memory_space<vmem_shared>>
    tpu.enqueue_dma source(%arg21 : memref<16x128xf32, #tpu.memory_space<vmem>>) target(%dma_start3A_344 : memref<16x128xf32, #tpu.memory_space<vmem_shared>>) target_semaphore(%arg35 : memref<!tpu.dma_semaphore, #tpu.memory_space<semaphore_mem>>)
    %add3A_345 = arith.constant 480 : i32
    %add3A_346 = arith.addi %mul3A_164, %add3A_345 : i32
    %dma_start3A_347 = arith.constant 0 : i32
    %dma_start3A_348 = tpu.memref_slice %arg22[%add3A_346, %dma_start3A_347] : memref<10240x128xf32, #tpu.memory_space<vmem_shared>> -> memref<16x128xf32, #tpu.memory_space<vmem_shared>>
    %dma_start3A_349 = arith.constant 0 : i32
    %dma_start3A_350 = tpu.memref_slice %arg22[%add3A_346, %dma_start3A_349] : memref<10240x128xf32, #tpu.memory_space<vmem_shared>> -> memref<16x128xf32, #tpu.memory_space<vmem_shared>>
    tpu.enqueue_dma source(%arg21 : memref<16x128xf32, #tpu.memory_space<vmem>>) target(%dma_start3A_350 : memref<16x128xf32, #tpu.memory_space<vmem_shared>>) target_semaphore(%arg35 : memref<!tpu.dma_semaphore, #tpu.memory_space<semaphore_mem>>)
    %add3A_351 = arith.constant 496 : i32
    %add3A_352 = arith.addi %mul3A_164, %add3A_351 : i32
    %dma_start3A_353 = arith.constant 0 : i32
    %dma_start3A_354 = tpu.memref_slice %arg22[%add3A_352, %dma_start3A_353] : memref<10240x128xf32, #tpu.memory_space<vmem_shared>> -> memref<16x128xf32, #tpu.memory_space<vmem_shared>>
    %dma_start3A_355 = arith.constant 0 : i32
    %dma_start3A_356 = tpu.memref_slice %arg22[%add3A_352, %dma_start3A_355] : memref<10240x128xf32, #tpu.memory_space<vmem_shared>> -> memref<16x128xf32, #tpu.memory_space<vmem_shared>>
    tpu.enqueue_dma source(%arg21 : memref<16x128xf32, #tpu.memory_space<vmem>>) target(%dma_start3A_356 : memref<16x128xf32, #tpu.memory_space<vmem_shared>>) target_semaphore(%arg35 : memref<!tpu.dma_semaphore, #tpu.memory_space<semaphore_mem>>)
    %add3A_357 = arith.constant 512 : i32
    %add3A_358 = arith.addi %mul3A_164, %add3A_357 : i32
    %dma_start3A_359 = arith.constant 0 : i32
    %dma_start3A_360 = tpu.memref_slice %arg22[%add3A_358, %dma_start3A_359] : memref<10240x128xf32, #tpu.memory_space<vmem_shared>> -> memref<16x128xf32, #tpu.memory_space<vmem_shared>>
    %dma_start3A_361 = arith.constant 0 : i32
    %dma_start3A_362 = tpu.memref_slice %arg22[%add3A_358, %dma_start3A_361] : memref<10240x128xf32, #tpu.memory_space<vmem_shared>> -> memref<16x128xf32, #tpu.memory_space<vmem_shared>>
    tpu.enqueue_dma source(%arg21 : memref<16x128xf32, #tpu.memory_space<vmem>>) target(%dma_start3A_362 : memref<16x128xf32, #tpu.memory_space<vmem_shared>>) target_semaphore(%arg35 : memref<!tpu.dma_semaphore, #tpu.memory_space<semaphore_mem>>)
    %add3A_363 = arith.constant 528 : i32
    %add3A_364 = arith.addi %mul3A_164, %add3A_363 : i32
    %dma_start3A_365 = arith.constant 0 : i32
    %dma_start3A_366 = tpu.memref_slice %arg22[%add3A_364, %dma_start3A_365] : memref<10240x128xf32, #tpu.memory_space<vmem_shared>> -> memref<16x128xf32, #tpu.memory_space<vmem_shared>>
    %dma_start3A_367 = arith.constant 0 : i32
    %dma_start3A_368 = tpu.memref_slice %arg22[%add3A_364, %dma_start3A_367] : memref<10240x128xf32, #tpu.memory_space<vmem_shared>> -> memref<16x128xf32, #tpu.memory_space<vmem_shared>>
    tpu.enqueue_dma source(%arg21 : memref<16x128xf32, #tpu.memory_space<vmem>>) target(%dma_start3A_368 : memref<16x128xf32, #tpu.memory_space<vmem_shared>>) target_semaphore(%arg35 : memref<!tpu.dma_semaphore, #tpu.memory_space<semaphore_mem>>)
    %add3A_369 = arith.constant 544 : i32
    %add3A_370 = arith.addi %mul3A_164, %add3A_369 : i32
    %dma_start3A_371 = arith.constant 0 : i32
    %dma_start3A_372 = tpu.memref_slice %arg22[%add3A_370, %dma_start3A_371] : memref<10240x128xf32, #tpu.memory_space<vmem_shared>> -> memref<16x128xf32, #tpu.memory_space<vmem_shared>>
    %dma_start3A_373 = arith.constant 0 : i32
    %dma_start3A_374 = tpu.memref_slice %arg22[%add3A_370, %dma_start3A_373] : memref<10240x128xf32, #tpu.memory_space<vmem_shared>> -> memref<16x128xf32, #tpu.memory_space<vmem_shared>>
    tpu.enqueue_dma source(%arg21 : memref<16x128xf32, #tpu.memory_space<vmem>>) target(%dma_start3A_374 : memref<16x128xf32, #tpu.memory_space<vmem_shared>>) target_semaphore(%arg35 : memref<!tpu.dma_semaphore, #tpu.memory_space<semaphore_mem>>)
    %add3A_375 = arith.constant 560 : i32
    %add3A_376 = arith.addi %mul3A_164, %add3A_375 : i32
    %dma_start3A_377 = arith.constant 0 : i32
    %dma_start3A_378 = tpu.memref_slice %arg22[%add3A_376, %dma_start3A_377] : memref<10240x128xf32, #tpu.memory_space<vmem_shared>> -> memref<16x128xf32, #tpu.memory_space<vmem_shared>>
    %dma_start3A_379 = arith.constant 0 : i32
    %dma_start3A_380 = tpu.memref_slice %arg22[%add3A_376, %dma_start3A_379] : memref<10240x128xf32, #tpu.memory_space<vmem_shared>> -> memref<16x128xf32, #tpu.memory_space<vmem_shared>>
    tpu.enqueue_dma source(%arg21 : memref<16x128xf32, #tpu.memory_space<vmem>>) target(%dma_start3A_380 : memref<16x128xf32, #tpu.memory_space<vmem_shared>>) target_semaphore(%arg35 : memref<!tpu.dma_semaphore, #tpu.memory_space<semaphore_mem>>)
    %add3A_381 = arith.constant 576 : i32
    %add3A_382 = arith.addi %mul3A_164, %add3A_381 : i32
    %dma_start3A_383 = arith.constant 0 : i32
    %dma_start3A_384 = tpu.memref_slice %arg22[%add3A_382, %dma_start3A_383] : memref<10240x128xf32, #tpu.memory_space<vmem_shared>> -> memref<16x128xf32, #tpu.memory_space<vmem_shared>>
    %dma_start3A_385 = arith.constant 0 : i32
    %dma_start3A_386 = tpu.memref_slice %arg22[%add3A_382, %dma_start3A_385] : memref<10240x128xf32, #tpu.memory_space<vmem_shared>> -> memref<16x128xf32, #tpu.memory_space<vmem_shared>>
    tpu.enqueue_dma source(%arg21 : memref<16x128xf32, #tpu.memory_space<vmem>>) target(%dma_start3A_386 : memref<16x128xf32, #tpu.memory_space<vmem_shared>>) target_semaphore(%arg35 : memref<!tpu.dma_semaphore, #tpu.memory_space<semaphore_mem>>)
    %add3A_387 = arith.constant 592 : i32
    %add3A_388 = arith.addi %mul3A_164, %add3A_387 : i32
    %dma_start3A_389 = arith.constant 0 : i32
    %dma_start3A_390 = tpu.memref_slice %arg22[%add3A_388, %dma_start3A_389] : memref<10240x128xf32, #tpu.memory_space<vmem_shared>> -> memref<16x128xf32, #tpu.memory_space<vmem_shared>>
    %dma_start3A_391 = arith.constant 0 : i32
    %dma_start3A_392 = tpu.memref_slice %arg22[%add3A_388, %dma_start3A_391] : memref<10240x128xf32, #tpu.memory_space<vmem_shared>> -> memref<16x128xf32, #tpu.memory_space<vmem_shared>>
    tpu.enqueue_dma source(%arg21 : memref<16x128xf32, #tpu.memory_space<vmem>>) target(%dma_start3A_392 : memref<16x128xf32, #tpu.memory_space<vmem_shared>>) target_semaphore(%arg35 : memref<!tpu.dma_semaphore, #tpu.memory_space<semaphore_mem>>)
    %add3A_393 = arith.constant 608 : i32
    %add3A_394 = arith.addi %mul3A_164, %add3A_393 : i32
    %dma_start3A_395 = arith.constant 0 : i32
    %dma_start3A_396 = tpu.memref_slice %arg22[%add3A_394, %dma_start3A_395] : memref<10240x128xf32, #tpu.memory_space<vmem_shared>> -> memref<16x128xf32, #tpu.memory_space<vmem_shared>>
    %dma_start3A_397 = arith.constant 0 : i32
    %dma_start3A_398 = tpu.memref_slice %arg22[%add3A_394, %dma_start3A_397] : memref<10240x128xf32, #tpu.memory_space<vmem_shared>> -> memref<16x128xf32, #tpu.memory_space<vmem_shared>>
    tpu.enqueue_dma source(%arg21 : memref<16x128xf32, #tpu.memory_space<vmem>>) target(%dma_start3A_398 : memref<16x128xf32, #tpu.memory_space<vmem_shared>>) target_semaphore(%arg35 : memref<!tpu.dma_semaphore, #tpu.memory_space<semaphore_mem>>)
    %add3A_399 = arith.constant 624 : i32
    %add3A_400 = arith.addi %mul3A_164, %add3A_399 : i32
    %dma_start3A_401 = arith.constant 0 : i32
    %dma_start3A_402 = tpu.memref_slice %arg22[%add3A_400, %dma_start3A_401] : memref<10240x128xf32, #tpu.memory_space<vmem_shared>> -> memref<16x128xf32, #tpu.memory_space<vmem_shared>>
    %dma_start3A_403 = arith.constant 0 : i32
    %dma_start3A_404 = tpu.memref_slice %arg22[%add3A_400, %dma_start3A_403] : memref<10240x128xf32, #tpu.memory_space<vmem_shared>> -> memref<16x128xf32, #tpu.memory_space<vmem_shared>>
    tpu.enqueue_dma source(%arg21 : memref<16x128xf32, #tpu.memory_space<vmem>>) target(%dma_start3A_404 : memref<16x128xf32, #tpu.memory_space<vmem_shared>>) target_semaphore(%arg35 : memref<!tpu.dma_semaphore, #tpu.memory_space<semaphore_mem>>)
    %add3A_405 = arith.constant 0 : i32
    %add3A_406 = arith.addi %mul3A_164, %add3A_405 : i32
    %dma_wait3A_407 = arith.constant 0 : i32
    %dma_wait3A_408 = tpu.memref_slice %arg22[%add3A_406, %dma_wait3A_407] : memref<10240x128xf32, #tpu.memory_space<vmem_shared>> -> memref<16x128xf32, #tpu.memory_space<vmem_shared>>
    %dma_wait3A_409 = arith.constant 0 : i32
    %dma_wait3A_410 = tpu.memref_slice %arg22[%add3A_406, %dma_wait3A_409] : memref<10240x128xf32, #tpu.memory_space<vmem_shared>> -> memref<16x128xf32, #tpu.memory_space<vmem_shared>>
    tpu.wait_dma2 semaphore(%arg35 : memref<!tpu.dma_semaphore, #tpu.memory_space<semaphore_mem>>) src(%arg21 : memref<16x128xf32, #tpu.memory_space<vmem>>) dst(%dma_wait3A_410 : memref<16x128xf32, #tpu.memory_space<vmem_shared>>)
    %add3A_411 = arith.constant 16 : i32
    %add3A_412 = arith.addi %mul3A_164, %add3A_411 : i32
    %dma_wait3A_413 = arith.constant 0 : i32
    %dma_wait3A_414 = tpu.memref_slice %arg22[%add3A_412, %dma_wait3A_413] : memref<10240x128xf32, #tpu.memory_space<vmem_shared>> -> memref<16x128xf32, #tpu.memory_space<vmem_shared>>
    %dma_wait3A_415 = arith.constant 0 : i32
    %dma_wait3A_416 = tpu.memref_slice %arg22[%add3A_412, %dma_wait3A_415] : memref<10240x128xf32, #tpu.memory_space<vmem_shared>> -> memref<16x128xf32, #tpu.memory_space<vmem_shared>>
    tpu.wait_dma2 semaphore(%arg35 : memref<!tpu.dma_semaphore, #tpu.memory_space<semaphore_mem>>) src(%arg21 : memref<16x128xf32, #tpu.memory_space<vmem>>) dst(%dma_wait3A_416 : memref<16x128xf32, #tpu.memory_space<vmem_shared>>)
    %add3A_417 = arith.constant 32 : i32
    %add3A_418 = arith.addi %mul3A_164, %add3A_417 : i32
    %dma_wait3A_419 = arith.constant 0 : i32
    %dma_wait3A_420 = tpu.memref_slice %arg22[%add3A_418, %dma_wait3A_419] : memref<10240x128xf32, #tpu.memory_space<vmem_shared>> -> memref<16x128xf32, #tpu.memory_space<vmem_shared>>
    %dma_wait3A_421 = arith.constant 0 : i32
    %dma_wait3A_422 = tpu.memref_slice %arg22[%add3A_418, %dma_wait3A_421] : memref<10240x128xf32, #tpu.memory_space<vmem_shared>> -> memref<16x128xf32, #tpu.memory_space<vmem_shared>>
    tpu.wait_dma2 semaphore(%arg35 : memref<!tpu.dma_semaphore, #tpu.memory_space<semaphore_mem>>) src(%arg21 : memref<16x128xf32, #tpu.memory_space<vmem>>) dst(%dma_wait3A_422 : memref<16x128xf32, #tpu.memory_space<vmem_shared>>)
    %add3A_423 = arith.constant 48 : i32
    %add3A_424 = arith.addi %mul3A_164, %add3A_423 : i32
    %dma_wait3A_425 = arith.constant 0 : i32
    %dma_wait3A_426 = tpu.memref_slice %arg22[%add3A_424, %dma_wait3A_425] : memref<10240x128xf32, #tpu.memory_space<vmem_shared>> -> memref<16x128xf32, #tpu.memory_space<vmem_shared>>
    %dma_wait3A_427 = arith.constant 0 : i32
    %dma_wait3A_428 = tpu.memref_slice %arg22[%add3A_424, %dma_wait3A_427] : memref<10240x128xf32, #tpu.memory_space<vmem_shared>> -> memref<16x128xf32, #tpu.memory_space<vmem_shared>>
    tpu.wait_dma2 semaphore(%arg35 : memref<!tpu.dma_semaphore, #tpu.memory_space<semaphore_mem>>) src(%arg21 : memref<16x128xf32, #tpu.memory_space<vmem>>) dst(%dma_wait3A_428 : memref<16x128xf32, #tpu.memory_space<vmem_shared>>)
    %add3A_429 = arith.constant 64 : i32
    %add3A_430 = arith.addi %mul3A_164, %add3A_429 : i32
    %dma_wait3A_431 = arith.constant 0 : i32
    %dma_wait3A_432 = tpu.memref_slice %arg22[%add3A_430, %dma_wait3A_431] : memref<10240x128xf32, #tpu.memory_space<vmem_shared>> -> memref<16x128xf32, #tpu.memory_space<vmem_shared>>
    %dma_wait3A_433 = arith.constant 0 : i32
    %dma_wait3A_434 = tpu.memref_slice %arg22[%add3A_430, %dma_wait3A_433] : memref<10240x128xf32, #tpu.memory_space<vmem_shared>> -> memref<16x128xf32, #tpu.memory_space<vmem_shared>>
    tpu.wait_dma2 semaphore(%arg35 : memref<!tpu.dma_semaphore, #tpu.memory_space<semaphore_mem>>) src(%arg21 : memref<16x128xf32, #tpu.memory_space<vmem>>) dst(%dma_wait3A_434 : memref<16x128xf32, #tpu.memory_space<vmem_shared>>)
    %add3A_435 = arith.constant 80 : i32
    %add3A_436 = arith.addi %mul3A_164, %add3A_435 : i32
    %dma_wait3A_437 = arith.constant 0 : i32
    %dma_wait3A_438 = tpu.memref_slice %arg22[%add3A_436, %dma_wait3A_437] : memref<10240x128xf32, #tpu.memory_space<vmem_shared>> -> memref<16x128xf32, #tpu.memory_space<vmem_shared>>
    %dma_wait3A_439 = arith.constant 0 : i32
    %dma_wait3A_440 = tpu.memref_slice %arg22[%add3A_436, %dma_wait3A_439] : memref<10240x128xf32, #tpu.memory_space<vmem_shared>> -> memref<16x128xf32, #tpu.memory_space<vmem_shared>>
    tpu.wait_dma2 semaphore(%arg35 : memref<!tpu.dma_semaphore, #tpu.memory_space<semaphore_mem>>) src(%arg21 : memref<16x128xf32, #tpu.memory_space<vmem>>) dst(%dma_wait3A_440 : memref<16x128xf32, #tpu.memory_space<vmem_shared>>)
    %add3A_441 = arith.constant 96 : i32
    %add3A_442 = arith.addi %mul3A_164, %add3A_441 : i32
    %dma_wait3A_443 = arith.constant 0 : i32
    %dma_wait3A_444 = tpu.memref_slice %arg22[%add3A_442, %dma_wait3A_443] : memref<10240x128xf32, #tpu.memory_space<vmem_shared>> -> memref<16x128xf32, #tpu.memory_space<vmem_shared>>
    %dma_wait3A_445 = arith.constant 0 : i32
    %dma_wait3A_446 = tpu.memref_slice %arg22[%add3A_442, %dma_wait3A_445] : memref<10240x128xf32, #tpu.memory_space<vmem_shared>> -> memref<16x128xf32, #tpu.memory_space<vmem_shared>>
    tpu.wait_dma2 semaphore(%arg35 : memref<!tpu.dma_semaphore, #tpu.memory_space<semaphore_mem>>) src(%arg21 : memref<16x128xf32, #tpu.memory_space<vmem>>) dst(%dma_wait3A_446 : memref<16x128xf32, #tpu.memory_space<vmem_shared>>)
    %add3A_447 = arith.constant 112 : i32
    %add3A_448 = arith.addi %mul3A_164, %add3A_447 : i32
    %dma_wait3A_449 = arith.constant 0 : i32
    %dma_wait3A_450 = tpu.memref_slice %arg22[%add3A_448, %dma_wait3A_449] : memref<10240x128xf32, #tpu.memory_space<vmem_shared>> -> memref<16x128xf32, #tpu.memory_space<vmem_shared>>
    %dma_wait3A_451 = arith.constant 0 : i32
    %dma_wait3A_452 = tpu.memref_slice %arg22[%add3A_448, %dma_wait3A_451] : memref<10240x128xf32, #tpu.memory_space<vmem_shared>> -> memref<16x128xf32, #tpu.memory_space<vmem_shared>>
    tpu.wait_dma2 semaphore(%arg35 : memref<!tpu.dma_semaphore, #tpu.memory_space<semaphore_mem>>) src(%arg21 : memref<16x128xf32, #tpu.memory_space<vmem>>) dst(%dma_wait3A_452 : memref<16x128xf32, #tpu.memory_space<vmem_shared>>)
    %add3A_453 = arith.constant 128 : i32
    %add3A_454 = arith.addi %mul3A_164, %add3A_453 : i32
    %dma_wait3A_455 = arith.constant 0 : i32
    %dma_wait3A_456 = tpu.memref_slice %arg22[%add3A_454, %dma_wait3A_455] : memref<10240x128xf32, #tpu.memory_space<vmem_shared>> -> memref<16x128xf32, #tpu.memory_space<vmem_shared>>
    %dma_wait3A_457 = arith.constant 0 : i32
    %dma_wait3A_458 = tpu.memref_slice %arg22[%add3A_454, %dma_wait3A_457] : memref<10240x128xf32, #tpu.memory_space<vmem_shared>> -> memref<16x128xf32, #tpu.memory_space<vmem_shared>>
    tpu.wait_dma2 semaphore(%arg35 : memref<!tpu.dma_semaphore, #tpu.memory_space<semaphore_mem>>) src(%arg21 : memref<16x128xf32, #tpu.memory_space<vmem>>) dst(%dma_wait3A_458 : memref<16x128xf32, #tpu.memory_space<vmem_shared>>)
    %add3A_459 = arith.constant 144 : i32
    %add3A_460 = arith.addi %mul3A_164, %add3A_459 : i32
    %dma_wait3A_461 = arith.constant 0 : i32
    %dma_wait3A_462 = tpu.memref_slice %arg22[%add3A_460, %dma_wait3A_461] : memref<10240x128xf32, #tpu.memory_space<vmem_shared>> -> memref<16x128xf32, #tpu.memory_space<vmem_shared>>
    %dma_wait3A_463 = arith.constant 0 : i32
    %dma_wait3A_464 = tpu.memref_slice %arg22[%add3A_460, %dma_wait3A_463] : memref<10240x128xf32, #tpu.memory_space<vmem_shared>> -> memref<16x128xf32, #tpu.memory_space<vmem_shared>>
    tpu.wait_dma2 semaphore(%arg35 : memref<!tpu.dma_semaphore, #tpu.memory_space<semaphore_mem>>) src(%arg21 : memref<16x128xf32, #tpu.memory_space<vmem>>) dst(%dma_wait3A_464 : memref<16x128xf32, #tpu.memory_space<vmem_shared>>)
    %add3A_465 = arith.constant 160 : i32
    %add3A_466 = arith.addi %mul3A_164, %add3A_465 : i32
    %dma_wait3A_467 = arith.constant 0 : i32
    %dma_wait3A_468 = tpu.memref_slice %arg22[%add3A_466, %dma_wait3A_467] : memref<10240x128xf32, #tpu.memory_space<vmem_shared>> -> memref<16x128xf32, #tpu.memory_space<vmem_shared>>
    %dma_wait3A_469 = arith.constant 0 : i32
    %dma_wait3A_470 = tpu.memref_slice %arg22[%add3A_466, %dma_wait3A_469] : memref<10240x128xf32, #tpu.memory_space<vmem_shared>> -> memref<16x128xf32, #tpu.memory_space<vmem_shared>>
    tpu.wait_dma2 semaphore(%arg35 : memref<!tpu.dma_semaphore, #tpu.memory_space<semaphore_mem>>) src(%arg21 : memref<16x128xf32, #tpu.memory_space<vmem>>) dst(%dma_wait3A_470 : memref<16x128xf32, #tpu.memory_space<vmem_shared>>)
    %add3A_471 = arith.constant 176 : i32
    %add3A_472 = arith.addi %mul3A_164, %add3A_471 : i32
    %dma_wait3A_473 = arith.constant 0 : i32
    %dma_wait3A_474 = tpu.memref_slice %arg22[%add3A_472, %dma_wait3A_473] : memref<10240x128xf32, #tpu.memory_space<vmem_shared>> -> memref<16x128xf32, #tpu.memory_space<vmem_shared>>
    %dma_wait3A_475 = arith.constant 0 : i32
    %dma_wait3A_476 = tpu.memref_slice %arg22[%add3A_472, %dma_wait3A_475] : memref<10240x128xf32, #tpu.memory_space<vmem_shared>> -> memref<16x128xf32, #tpu.memory_space<vmem_shared>>
    tpu.wait_dma2 semaphore(%arg35 : memref<!tpu.dma_semaphore, #tpu.memory_space<semaphore_mem>>) src(%arg21 : memref<16x128xf32, #tpu.memory_space<vmem>>) dst(%dma_wait3A_476 : memref<16x128xf32, #tpu.memory_space<vmem_shared>>)
    %add3A_477 = arith.constant 192 : i32
    %add3A_478 = arith.addi %mul3A_164, %add3A_477 : i32
    %dma_wait3A_479 = arith.constant 0 : i32
    %dma_wait3A_480 = tpu.memref_slice %arg22[%add3A_478, %dma_wait3A_479] : memref<10240x128xf32, #tpu.memory_space<vmem_shared>> -> memref<16x128xf32, #tpu.memory_space<vmem_shared>>
    %dma_wait3A_481 = arith.constant 0 : i32
    %dma_wait3A_482 = tpu.memref_slice %arg22[%add3A_478, %dma_wait3A_481] : memref<10240x128xf32, #tpu.memory_space<vmem_shared>> -> memref<16x128xf32, #tpu.memory_space<vmem_shared>>
    tpu.wait_dma2 semaphore(%arg35 : memref<!tpu.dma_semaphore, #tpu.memory_space<semaphore_mem>>) src(%arg21 : memref<16x128xf32, #tpu.memory_space<vmem>>) dst(%dma_wait3A_482 : memref<16x128xf32, #tpu.memory_space<vmem_shared>>)
    %add3A_483 = arith.constant 208 : i32
    %add3A_484 = arith.addi %mul3A_164, %add3A_483 : i32
    %dma_wait3A_485 = arith.constant 0 : i32
    %dma_wait3A_486 = tpu.memref_slice %arg22[%add3A_484, %dma_wait3A_485] : memref<10240x128xf32, #tpu.memory_space<vmem_shared>> -> memref<16x128xf32, #tpu.memory_space<vmem_shared>>
    %dma_wait3A_487 = arith.constant 0 : i32
    %dma_wait3A_488 = tpu.memref_slice %arg22[%add3A_484, %dma_wait3A_487] : memref<10240x128xf32, #tpu.memory_space<vmem_shared>> -> memref<16x128xf32, #tpu.memory_space<vmem_shared>>
    tpu.wait_dma2 semaphore(%arg35 : memref<!tpu.dma_semaphore, #tpu.memory_space<semaphore_mem>>) src(%arg21 : memref<16x128xf32, #tpu.memory_space<vmem>>) dst(%dma_wait3A_488 : memref<16x128xf32, #tpu.memory_space<vmem_shared>>)
    %add3A_489 = arith.constant 224 : i32
    %add3A_490 = arith.addi %mul3A_164, %add3A_489 : i32
    %dma_wait3A_491 = arith.constant 0 : i32
    %dma_wait3A_492 = tpu.memref_slice %arg22[%add3A_490, %dma_wait3A_491] : memref<10240x128xf32, #tpu.memory_space<vmem_shared>> -> memref<16x128xf32, #tpu.memory_space<vmem_shared>>
    %dma_wait3A_493 = arith.constant 0 : i32
    %dma_wait3A_494 = tpu.memref_slice %arg22[%add3A_490, %dma_wait3A_493] : memref<10240x128xf32, #tpu.memory_space<vmem_shared>> -> memref<16x128xf32, #tpu.memory_space<vmem_shared>>
    tpu.wait_dma2 semaphore(%arg35 : memref<!tpu.dma_semaphore, #tpu.memory_space<semaphore_mem>>) src(%arg21 : memref<16x128xf32, #tpu.memory_space<vmem>>) dst(%dma_wait3A_494 : memref<16x128xf32, #tpu.memory_space<vmem_shared>>)
    %add3A_495 = arith.constant 240 : i32
    %add3A_496 = arith.addi %mul3A_164, %add3A_495 : i32
    %dma_wait3A_497 = arith.constant 0 : i32
    %dma_wait3A_498 = tpu.memref_slice %arg22[%add3A_496, %dma_wait3A_497] : memref<10240x128xf32, #tpu.memory_space<vmem_shared>> -> memref<16x128xf32, #tpu.memory_space<vmem_shared>>
    %dma_wait3A_499 = arith.constant 0 : i32
    %dma_wait3A_500 = tpu.memref_slice %arg22[%add3A_496, %dma_wait3A_499] : memref<10240x128xf32, #tpu.memory_space<vmem_shared>> -> memref<16x128xf32, #tpu.memory_space<vmem_shared>>
    tpu.wait_dma2 semaphore(%arg35 : memref<!tpu.dma_semaphore, #tpu.memory_space<semaphore_mem>>) src(%arg21 : memref<16x128xf32, #tpu.memory_space<vmem>>) dst(%dma_wait3A_500 : memref<16x128xf32, #tpu.memory_space<vmem_shared>>)
    %add3A_501 = arith.constant 256 : i32
    %add3A_502 = arith.addi %mul3A_164, %add3A_501 : i32
    %dma_wait3A_503 = arith.constant 0 : i32
    %dma_wait3A_504 = tpu.memref_slice %arg22[%add3A_502, %dma_wait3A_503] : memref<10240x128xf32, #tpu.memory_space<vmem_shared>> -> memref<16x128xf32, #tpu.memory_space<vmem_shared>>
    %dma_wait3A_505 = arith.constant 0 : i32
    %dma_wait3A_506 = tpu.memref_slice %arg22[%add3A_502, %dma_wait3A_505] : memref<10240x128xf32, #tpu.memory_space<vmem_shared>> -> memref<16x128xf32, #tpu.memory_space<vmem_shared>>
    tpu.wait_dma2 semaphore(%arg35 : memref<!tpu.dma_semaphore, #tpu.memory_space<semaphore_mem>>) src(%arg21 : memref<16x128xf32, #tpu.memory_space<vmem>>) dst(%dma_wait3A_506 : memref<16x128xf32, #tpu.memory_space<vmem_shared>>)
    %add3A_507 = arith.constant 272 : i32
    %add3A_508 = arith.addi %mul3A_164, %add3A_507 : i32
    %dma_wait3A_509 = arith.constant 0 : i32
    %dma_wait3A_510 = tpu.memref_slice %arg22[%add3A_508, %dma_wait3A_509] : memref<10240x128xf32, #tpu.memory_space<vmem_shared>> -> memref<16x128xf32, #tpu.memory_space<vmem_shared>>
    %dma_wait3A_511 = arith.constant 0 : i32
    %dma_wait3A_512 = tpu.memref_slice %arg22[%add3A_508, %dma_wait3A_511] : memref<10240x128xf32, #tpu.memory_space<vmem_shared>> -> memref<16x128xf32, #tpu.memory_space<vmem_shared>>
    tpu.wait_dma2 semaphore(%arg35 : memref<!tpu.dma_semaphore, #tpu.memory_space<semaphore_mem>>) src(%arg21 : memref<16x128xf32, #tpu.memory_space<vmem>>) dst(%dma_wait3A_512 : memref<16x128xf32, #tpu.memory_space<vmem_shared>>)
    %add3A_513 = arith.constant 288 : i32
    %add3A_514 = arith.addi %mul3A_164, %add3A_513 : i32
    %dma_wait3A_515 = arith.constant 0 : i32
    %dma_wait3A_516 = tpu.memref_slice %arg22[%add3A_514, %dma_wait3A_515] : memref<10240x128xf32, #tpu.memory_space<vmem_shared>> -> memref<16x128xf32, #tpu.memory_space<vmem_shared>>
    %dma_wait3A_517 = arith.constant 0 : i32
    %dma_wait3A_518 = tpu.memref_slice %arg22[%add3A_514, %dma_wait3A_517] : memref<10240x128xf32, #tpu.memory_space<vmem_shared>> -> memref<16x128xf32, #tpu.memory_space<vmem_shared>>
    tpu.wait_dma2 semaphore(%arg35 : memref<!tpu.dma_semaphore, #tpu.memory_space<semaphore_mem>>) src(%arg21 : memref<16x128xf32, #tpu.memory_space<vmem>>) dst(%dma_wait3A_518 : memref<16x128xf32, #tpu.memory_space<vmem_shared>>)
    %add3A_519 = arith.constant 304 : i32
    %add3A_520 = arith.addi %mul3A_164, %add3A_519 : i32
    %dma_wait3A_521 = arith.constant 0 : i32
    %dma_wait3A_522 = tpu.memref_slice %arg22[%add3A_520, %dma_wait3A_521] : memref<10240x128xf32, #tpu.memory_space<vmem_shared>> -> memref<16x128xf32, #tpu.memory_space<vmem_shared>>
    %dma_wait3A_523 = arith.constant 0 : i32
    %dma_wait3A_524 = tpu.memref_slice %arg22[%add3A_520, %dma_wait3A_523] : memref<10240x128xf32, #tpu.memory_space<vmem_shared>> -> memref<16x128xf32, #tpu.memory_space<vmem_shared>>
    tpu.wait_dma2 semaphore(%arg35 : memref<!tpu.dma_semaphore, #tpu.memory_space<semaphore_mem>>) src(%arg21 : memref<16x128xf32, #tpu.memory_space<vmem>>) dst(%dma_wait3A_524 : memref<16x128xf32, #tpu.memory_space<vmem_shared>>)
    %add3A_525 = arith.constant 320 : i32
    %add3A_526 = arith.addi %mul3A_164, %add3A_525 : i32
    %dma_wait3A_527 = arith.constant 0 : i32
    %dma_wait3A_528 = tpu.memref_slice %arg22[%add3A_526, %dma_wait3A_527] : memref<10240x128xf32, #tpu.memory_space<vmem_shared>> -> memref<16x128xf32, #tpu.memory_space<vmem_shared>>
    %dma_wait3A_529 = arith.constant 0 : i32
    %dma_wait3A_530 = tpu.memref_slice %arg22[%add3A_526, %dma_wait3A_529] : memref<10240x128xf32, #tpu.memory_space<vmem_shared>> -> memref<16x128xf32, #tpu.memory_space<vmem_shared>>
    tpu.wait_dma2 semaphore(%arg35 : memref<!tpu.dma_semaphore, #tpu.memory_space<semaphore_mem>>) src(%arg21 : memref<16x128xf32, #tpu.memory_space<vmem>>) dst(%dma_wait3A_530 : memref<16x128xf32, #tpu.memory_space<vmem_shared>>)
    %add3A_531 = arith.constant 336 : i32
    %add3A_532 = arith.addi %mul3A_164, %add3A_531 : i32
    %dma_wait3A_533 = arith.constant 0 : i32
    %dma_wait3A_534 = tpu.memref_slice %arg22[%add3A_532, %dma_wait3A_533] : memref<10240x128xf32, #tpu.memory_space<vmem_shared>> -> memref<16x128xf32, #tpu.memory_space<vmem_shared>>
    %dma_wait3A_535 = arith.constant 0 : i32
    %dma_wait3A_536 = tpu.memref_slice %arg22[%add3A_532, %dma_wait3A_535] : memref<10240x128xf32, #tpu.memory_space<vmem_shared>> -> memref<16x128xf32, #tpu.memory_space<vmem_shared>>
    tpu.wait_dma2 semaphore(%arg35 : memref<!tpu.dma_semaphore, #tpu.memory_space<semaphore_mem>>) src(%arg21 : memref<16x128xf32, #tpu.memory_space<vmem>>) dst(%dma_wait3A_536 : memref<16x128xf32, #tpu.memory_space<vmem_shared>>)
    %add3A_537 = arith.constant 352 : i32
    %add3A_538 = arith.addi %mul3A_164, %add3A_537 : i32
    %dma_wait3A_539 = arith.constant 0 : i32
    %dma_wait3A_540 = tpu.memref_slice %arg22[%add3A_538, %dma_wait3A_539] : memref<10240x128xf32, #tpu.memory_space<vmem_shared>> -> memref<16x128xf32, #tpu.memory_space<vmem_shared>>
    %dma_wait3A_541 = arith.constant 0 : i32
    %dma_wait3A_542 = tpu.memref_slice %arg22[%add3A_538, %dma_wait3A_541] : memref<10240x128xf32, #tpu.memory_space<vmem_shared>> -> memref<16x128xf32, #tpu.memory_space<vmem_shared>>
    tpu.wait_dma2 semaphore(%arg35 : memref<!tpu.dma_semaphore, #tpu.memory_space<semaphore_mem>>) src(%arg21 : memref<16x128xf32, #tpu.memory_space<vmem>>) dst(%dma_wait3A_542 : memref<16x128xf32, #tpu.memory_space<vmem_shared>>)
    %add3A_543 = arith.constant 368 : i32
    %add3A_544 = arith.addi %mul3A_164, %add3A_543 : i32
    %dma_wait3A_545 = arith.constant 0 : i32
    %dma_wait3A_546 = tpu.memref_slice %arg22[%add3A_544, %dma_wait3A_545] : memref<10240x128xf32, #tpu.memory_space<vmem_shared>> -> memref<16x128xf32, #tpu.memory_space<vmem_shared>>
    %dma_wait3A_547 = arith.constant 0 : i32
    %dma_wait3A_548 = tpu.memref_slice %arg22[%add3A_544, %dma_wait3A_547] : memref<10240x128xf32, #tpu.memory_space<vmem_shared>> -> memref<16x128xf32, #tpu.memory_space<vmem_shared>>
    tpu.wait_dma2 semaphore(%arg35 : memref<!tpu.dma_semaphore, #tpu.memory_space<semaphore_mem>>) src(%arg21 : memref<16x128xf32, #tpu.memory_space<vmem>>) dst(%dma_wait3A_548 : memref<16x128xf32, #tpu.memory_space<vmem_shared>>)
    %add3A_549 = arith.constant 384 : i32
    %add3A_550 = arith.addi %mul3A_164, %add3A_549 : i32
    %dma_wait3A_551 = arith.constant 0 : i32
    %dma_wait3A_552 = tpu.memref_slice %arg22[%add3A_550, %dma_wait3A_551] : memref<10240x128xf32, #tpu.memory_space<vmem_shared>> -> memref<16x128xf32, #tpu.memory_space<vmem_shared>>
    %dma_wait3A_553 = arith.constant 0 : i32
    %dma_wait3A_554 = tpu.memref_slice %arg22[%add3A_550, %dma_wait3A_553] : memref<10240x128xf32, #tpu.memory_space<vmem_shared>> -> memref<16x128xf32, #tpu.memory_space<vmem_shared>>
    tpu.wait_dma2 semaphore(%arg35 : memref<!tpu.dma_semaphore, #tpu.memory_space<semaphore_mem>>) src(%arg21 : memref<16x128xf32, #tpu.memory_space<vmem>>) dst(%dma_wait3A_554 : memref<16x128xf32, #tpu.memory_space<vmem_shared>>)
    %add3A_555 = arith.constant 400 : i32
    %add3A_556 = arith.addi %mul3A_164, %add3A_555 : i32
    %dma_wait3A_557 = arith.constant 0 : i32
    %dma_wait3A_558 = tpu.memref_slice %arg22[%add3A_556, %dma_wait3A_557] : memref<10240x128xf32, #tpu.memory_space<vmem_shared>> -> memref<16x128xf32, #tpu.memory_space<vmem_shared>>
    %dma_wait3A_559 = arith.constant 0 : i32
    %dma_wait3A_560 = tpu.memref_slice %arg22[%add3A_556, %dma_wait3A_559] : memref<10240x128xf32, #tpu.memory_space<vmem_shared>> -> memref<16x128xf32, #tpu.memory_space<vmem_shared>>
    tpu.wait_dma2 semaphore(%arg35 : memref<!tpu.dma_semaphore, #tpu.memory_space<semaphore_mem>>) src(%arg21 : memref<16x128xf32, #tpu.memory_space<vmem>>) dst(%dma_wait3A_560 : memref<16x128xf32, #tpu.memory_space<vmem_shared>>)
    %add3A_561 = arith.constant 416 : i32
    %add3A_562 = arith.addi %mul3A_164, %add3A_561 : i32
    %dma_wait3A_563 = arith.constant 0 : i32
    %dma_wait3A_564 = tpu.memref_slice %arg22[%add3A_562, %dma_wait3A_563] : memref<10240x128xf32, #tpu.memory_space<vmem_shared>> -> memref<16x128xf32, #tpu.memory_space<vmem_shared>>
    %dma_wait3A_565 = arith.constant 0 : i32
    %dma_wait3A_566 = tpu.memref_slice %arg22[%add3A_562, %dma_wait3A_565] : memref<10240x128xf32, #tpu.memory_space<vmem_shared>> -> memref<16x128xf32, #tpu.memory_space<vmem_shared>>
    tpu.wait_dma2 semaphore(%arg35 : memref<!tpu.dma_semaphore, #tpu.memory_space<semaphore_mem>>) src(%arg21 : memref<16x128xf32, #tpu.memory_space<vmem>>) dst(%dma_wait3A_566 : memref<16x128xf32, #tpu.memory_space<vmem_shared>>)
    %add3A_567 = arith.constant 432 : i32
    %add3A_568 = arith.addi %mul3A_164, %add3A_567 : i32
    %dma_wait3A_569 = arith.constant 0 : i32
    %dma_wait3A_570 = tpu.memref_slice %arg22[%add3A_568, %dma_wait3A_569] : memref<10240x128xf32, #tpu.memory_space<vmem_shared>> -> memref<16x128xf32, #tpu.memory_space<vmem_shared>>
    %dma_wait3A_571 = arith.constant 0 : i32
    %dma_wait3A_572 = tpu.memref_slice %arg22[%add3A_568, %dma_wait3A_571] : memref<10240x128xf32, #tpu.memory_space<vmem_shared>> -> memref<16x128xf32, #tpu.memory_space<vmem_shared>>
    tpu.wait_dma2 semaphore(%arg35 : memref<!tpu.dma_semaphore, #tpu.memory_space<semaphore_mem>>) src(%arg21 : memref<16x128xf32, #tpu.memory_space<vmem>>) dst(%dma_wait3A_572 : memref<16x128xf32, #tpu.memory_space<vmem_shared>>)
    %add3A_573 = arith.constant 448 : i32
    %add3A_574 = arith.addi %mul3A_164, %add3A_573 : i32
    %dma_wait3A_575 = arith.constant 0 : i32
    %dma_wait3A_576 = tpu.memref_slice %arg22[%add3A_574, %dma_wait3A_575] : memref<10240x128xf32, #tpu.memory_space<vmem_shared>> -> memref<16x128xf32, #tpu.memory_space<vmem_shared>>
    %dma_wait3A_577 = arith.constant 0 : i32
    %dma_wait3A_578 = tpu.memref_slice %arg22[%add3A_574, %dma_wait3A_577] : memref<10240x128xf32, #tpu.memory_space<vmem_shared>> -> memref<16x128xf32, #tpu.memory_space<vmem_shared>>
    tpu.wait_dma2 semaphore(%arg35 : memref<!tpu.dma_semaphore, #tpu.memory_space<semaphore_mem>>) src(%arg21 : memref<16x128xf32, #tpu.memory_space<vmem>>) dst(%dma_wait3A_578 : memref<16x128xf32, #tpu.memory_space<vmem_shared>>)
    %add3A_579 = arith.constant 464 : i32
    %add3A_580 = arith.addi %mul3A_164, %add3A_579 : i32
    %dma_wait3A_581 = arith.constant 0 : i32
    %dma_wait3A_582 = tpu.memref_slice %arg22[%add3A_580, %dma_wait3A_581] : memref<10240x128xf32, #tpu.memory_space<vmem_shared>> -> memref<16x128xf32, #tpu.memory_space<vmem_shared>>
    %dma_wait3A_583 = arith.constant 0 : i32
    %dma_wait3A_584 = tpu.memref_slice %arg22[%add3A_580, %dma_wait3A_583] : memref<10240x128xf32, #tpu.memory_space<vmem_shared>> -> memref<16x128xf32, #tpu.memory_space<vmem_shared>>
    tpu.wait_dma2 semaphore(%arg35 : memref<!tpu.dma_semaphore, #tpu.memory_space<semaphore_mem>>) src(%arg21 : memref<16x128xf32, #tpu.memory_space<vmem>>) dst(%dma_wait3A_584 : memref<16x128xf32, #tpu.memory_space<vmem_shared>>)
    %add3A_585 = arith.constant 480 : i32
    %add3A_586 = arith.addi %mul3A_164, %add3A_585 : i32
    %dma_wait3A_587 = arith.constant 0 : i32
    %dma_wait3A_588 = tpu.memref_slice %arg22[%add3A_586, %dma_wait3A_587] : memref<10240x128xf32, #tpu.memory_space<vmem_shared>> -> memref<16x128xf32, #tpu.memory_space<vmem_shared>>
    %dma_wait3A_589 = arith.constant 0 : i32
    %dma_wait3A_590 = tpu.memref_slice %arg22[%add3A_586, %dma_wait3A_589] : memref<10240x128xf32, #tpu.memory_space<vmem_shared>> -> memref<16x128xf32, #tpu.memory_space<vmem_shared>>
    tpu.wait_dma2 semaphore(%arg35 : memref<!tpu.dma_semaphore, #tpu.memory_space<semaphore_mem>>) src(%arg21 : memref<16x128xf32, #tpu.memory_space<vmem>>) dst(%dma_wait3A_590 : memref<16x128xf32, #tpu.memory_space<vmem_shared>>)
    %add3A_591 = arith.constant 496 : i32
    %add3A_592 = arith.addi %mul3A_164, %add3A_591 : i32
    %dma_wait3A_593 = arith.constant 0 : i32
    %dma_wait3A_594 = tpu.memref_slice %arg22[%add3A_592, %dma_wait3A_593] : memref<10240x128xf32, #tpu.memory_space<vmem_shared>> -> memref<16x128xf32, #tpu.memory_space<vmem_shared>>
    %dma_wait3A_595 = arith.constant 0 : i32
    %dma_wait3A_596 = tpu.memref_slice %arg22[%add3A_592, %dma_wait3A_595] : memref<10240x128xf32, #tpu.memory_space<vmem_shared>> -> memref<16x128xf32, #tpu.memory_space<vmem_shared>>
    tpu.wait_dma2 semaphore(%arg35 : memref<!tpu.dma_semaphore, #tpu.memory_space<semaphore_mem>>) src(%arg21 : memref<16x128xf32, #tpu.memory_space<vmem>>) dst(%dma_wait3A_596 : memref<16x128xf32, #tpu.memory_space<vmem_shared>>)
    %add3A_597 = arith.constant 512 : i32
    %add3A_598 = arith.addi %mul3A_164, %add3A_597 : i32
    %dma_wait3A_599 = arith.constant 0 : i32
    %dma_wait3A_600 = tpu.memref_slice %arg22[%add3A_598, %dma_wait3A_599] : memref<10240x128xf32, #tpu.memory_space<vmem_shared>> -> memref<16x128xf32, #tpu.memory_space<vmem_shared>>
    %dma_wait3A_601 = arith.constant 0 : i32
    %dma_wait3A_602 = tpu.memref_slice %arg22[%add3A_598, %dma_wait3A_601] : memref<10240x128xf32, #tpu.memory_space<vmem_shared>> -> memref<16x128xf32, #tpu.memory_space<vmem_shared>>
    tpu.wait_dma2 semaphore(%arg35 : memref<!tpu.dma_semaphore, #tpu.memory_space<semaphore_mem>>) src(%arg21 : memref<16x128xf32, #tpu.memory_space<vmem>>) dst(%dma_wait3A_602 : memref<16x128xf32, #tpu.memory_space<vmem_shared>>)
    %add3A_603 = arith.constant 528 : i32
    %add3A_604 = arith.addi %mul3A_164, %add3A_603 : i32
    %dma_wait3A_605 = arith.constant 0 : i32
    %dma_wait3A_606 = tpu.memref_slice %arg22[%add3A_604, %dma_wait3A_605] : memref<10240x128xf32, #tpu.memory_space<vmem_shared>> -> memref<16x128xf32, #tpu.memory_space<vmem_shared>>
    %dma_wait3A_607 = arith.constant 0 : i32
    %dma_wait3A_608 = tpu.memref_slice %arg22[%add3A_604, %dma_wait3A_607] : memref<10240x128xf32, #tpu.memory_space<vmem_shared>> -> memref<16x128xf32, #tpu.memory_space<vmem_shared>>
    tpu.wait_dma2 semaphore(%arg35 : memref<!tpu.dma_semaphore, #tpu.memory_space<semaphore_mem>>) src(%arg21 : memref<16x128xf32, #tpu.memory_space<vmem>>) dst(%dma_wait3A_608 : memref<16x128xf32, #tpu.memory_space<vmem_shared>>)
    %add3A_609 = arith.constant 544 : i32
    %add3A_610 = arith.addi %mul3A_164, %add3A_609 : i32
    %dma_wait3A_611 = arith.constant 0 : i32
    %dma_wait3A_612 = tpu.memref_slice %arg22[%add3A_610, %dma_wait3A_611] : memref<10240x128xf32, #tpu.memory_space<vmem_shared>> -> memref<16x128xf32, #tpu.memory_space<vmem_shared>>
    %dma_wait3A_613 = arith.constant 0 : i32
    %dma_wait3A_614 = tpu.memref_slice %arg22[%add3A_610, %dma_wait3A_613] : memref<10240x128xf32, #tpu.memory_space<vmem_shared>> -> memref<16x128xf32, #tpu.memory_space<vmem_shared>>
    tpu.wait_dma2 semaphore(%arg35 : memref<!tpu.dma_semaphore, #tpu.memory_space<semaphore_mem>>) src(%arg21 : memref<16x128xf32, #tpu.memory_space<vmem>>) dst(%dma_wait3A_614 : memref<16x128xf32, #tpu.memory_space<vmem_shared>>)
    %add3A_615 = arith.constant 560 : i32
    %add3A_616 = arith.addi %mul3A_164, %add3A_615 : i32
    %dma_wait3A_617 = arith.constant 0 : i32
    %dma_wait3A_618 = tpu.memref_slice %arg22[%add3A_616, %dma_wait3A_617] : memref<10240x128xf32, #tpu.memory_space<vmem_shared>> -> memref<16x128xf32, #tpu.memory_space<vmem_shared>>
    %dma_wait3A_619 = arith.constant 0 : i32
    %dma_wait3A_620 = tpu.memref_slice %arg22[%add3A_616, %dma_wait3A_619] : memref<10240x128xf32, #tpu.memory_space<vmem_shared>> -> memref<16x128xf32, #tpu.memory_space<vmem_shared>>
    tpu.wait_dma2 semaphore(%arg35 : memref<!tpu.dma_semaphore, #tpu.memory_space<semaphore_mem>>) src(%arg21 : memref<16x128xf32, #tpu.memory_space<vmem>>) dst(%dma_wait3A_620 : memref<16x128xf32, #tpu.memory_space<vmem_shared>>)
    %add3A_621 = arith.constant 576 : i32
    %add3A_622 = arith.addi %mul3A_164, %add3A_621 : i32
    %dma_wait3A_623 = arith.constant 0 : i32
    %dma_wait3A_624 = tpu.memref_slice %arg22[%add3A_622, %dma_wait3A_623] : memref<10240x128xf32, #tpu.memory_space<vmem_shared>> -> memref<16x128xf32, #tpu.memory_space<vmem_shared>>
    %dma_wait3A_625 = arith.constant 0 : i32
    %dma_wait3A_626 = tpu.memref_slice %arg22[%add3A_622, %dma_wait3A_625] : memref<10240x128xf32, #tpu.memory_space<vmem_shared>> -> memref<16x128xf32, #tpu.memory_space<vmem_shared>>
    tpu.wait_dma2 semaphore(%arg35 : memref<!tpu.dma_semaphore, #tpu.memory_space<semaphore_mem>>) src(%arg21 : memref<16x128xf32, #tpu.memory_space<vmem>>) dst(%dma_wait3A_626 : memref<16x128xf32, #tpu.memory_space<vmem_shared>>)
    %add3A_627 = arith.constant 592 : i32
    %add3A_628 = arith.addi %mul3A_164, %add3A_627 : i32
    %dma_wait3A_629 = arith.constant 0 : i32
    %dma_wait3A_630 = tpu.memref_slice %arg22[%add3A_628, %dma_wait3A_629] : memref<10240x128xf32, #tpu.memory_space<vmem_shared>> -> memref<16x128xf32, #tpu.memory_space<vmem_shared>>
    %dma_wait3A_631 = arith.constant 0 : i32
    %dma_wait3A_632 = tpu.memref_slice %arg22[%add3A_628, %dma_wait3A_631] : memref<10240x128xf32, #tpu.memory_space<vmem_shared>> -> memref<16x128xf32, #tpu.memory_space<vmem_shared>>
    tpu.wait_dma2 semaphore(%arg35 : memref<!tpu.dma_semaphore, #tpu.memory_space<semaphore_mem>>) src(%arg21 : memref<16x128xf32, #tpu.memory_space<vmem>>) dst(%dma_wait3A_632 : memref<16x128xf32, #tpu.memory_space<vmem_shared>>)
    %add3A_633 = arith.constant 608 : i32
    %add3A_634 = arith.addi %mul3A_164, %add3A_633 : i32
    %dma_wait3A_635 = arith.constant 0 : i32
    %dma_wait3A_636 = tpu.memref_slice %arg22[%add3A_634, %dma_wait3A_635] : memref<10240x128xf32, #tpu.memory_space<vmem_shared>> -> memref<16x128xf32, #tpu.memory_space<vmem_shared>>
    %dma_wait3A_637 = arith.constant 0 : i32
    %dma_wait3A_638 = tpu.memref_slice %arg22[%add3A_634, %dma_wait3A_637] : memref<10240x128xf32, #tpu.memory_space<vmem_shared>> -> memref<16x128xf32, #tpu.memory_space<vmem_shared>>
    tpu.wait_dma2 semaphore(%arg35 : memref<!tpu.dma_semaphore, #tpu.memory_space<semaphore_mem>>) src(%arg21 : memref<16x128xf32, #tpu.memory_space<vmem>>) dst(%dma_wait3A_638 : memref<16x128xf32, #tpu.memory_space<vmem_shared>>)
    %add3A_639 = arith.constant 624 : i32
    %add3A_640 = arith.addi %mul3A_164, %add3A_639 : i32
    %dma_wait3A_641 = arith.constant 0 : i32
    %dma_wait3A_642 = tpu.memref_slice %arg22[%add3A_640, %dma_wait3A_641] : memref<10240x128xf32, #tpu.memory_space<vmem_shared>> -> memref<16x128xf32, #tpu.memory_space<vmem_shared>>
    %dma_wait3A_643 = arith.constant 0 : i32
    %dma_wait3A_644 = tpu.memref_slice %arg22[%add3A_640, %dma_wait3A_643] : memref<10240x128xf32, #tpu.memory_space<vmem_shared>> -> memref<16x128xf32, #tpu.memory_space<vmem_shared>>
    tpu.wait_dma2 semaphore(%arg35 : memref<!tpu.dma_semaphore, #tpu.memory_space<semaphore_mem>>) src(%arg21 : memref<16x128xf32, #tpu.memory_space<vmem>>) dst(%dma_wait3A_644 : memref<16x128xf32, #tpu.memory_space<vmem_shared>>)
    %barrier3A = arith.constant 0 : index
    tpu.barrier barrier_id(%barrier3A)
    %jit3A_645 = arith.constant false
    %jit3A_646 = arith.constant 0 : i32
    %jit3A_647 = arith.constant 2 : i32
    %select_n3A_648 = arith.select %jit3A_645, %jit3A_646, %jit3A_647 : i32
    %mul3A_649 = arith.constant 10000 : i32
    %mul3A_650 = arith.muli %add3A, %mul3A_649 : i32
    %mul3A_651 = arith.constant 80 : i32
    %mul3A_652 = arith.muli %select_n3A_648, %mul3A_651 : i32
    %add3A_653 = arith.addi %mul3A_650, %mul3A_652 : i32
    %dma_wait3A_654 = tpu.memref_slice %arg4[%add3A_653] : memref<320000xi32, #tpu.memory_space<hbm>> -> memref<80xi32, #tpu.memory_space<hbm>>
    %dma_wait3A_655 = tpu.memref_slice %arg4[%add3A_653] : memref<320000xi32, #tpu.memory_space<hbm>> -> memref<80xi32, #tpu.memory_space<hbm>>
    tpu.wait_dma2 semaphore(%arg25 : memref<!tpu.dma_semaphore, #tpu.memory_space<semaphore_mem>>) src(%dma_wait3A_655 : memref<80xi32, #tpu.memory_space<hbm>>) dst(%arg8 : memref<80xi32, #tpu.memory_space<vmem>>)
    %jit3A_656 = arith.constant false
    %jit3A_657 = arith.constant 0 : i32
    %jit3A_658 = arith.constant 2 : i32
    %select_n3A_659 = arith.select %jit3A_656, %jit3A_657, %jit3A_658 : i32
    %mul3A_660 = arith.constant 10000 : i32
    %mul3A_661 = arith.muli %add3A, %mul3A_660 : i32
    %mul3A_662 = arith.constant 80 : i32
    %mul3A_663 = arith.muli %select_n3A_659, %mul3A_662 : i32
    %add3A_664 = arith.addi %mul3A_661, %mul3A_663 : i32
    %dma_wait3A_665 = tpu.memref_slice %arg3[%add3A_664] : memref<320000xi32, #tpu.memory_space<hbm>> -> memref<80xi32, #tpu.memory_space<hbm>>
    %dma_wait3A_666 = tpu.memref_slice %arg3[%add3A_664] : memref<320000xi32, #tpu.memory_space<hbm>> -> memref<80xi32, #tpu.memory_space<hbm>>
    tpu.wait_dma2 semaphore(%arg25 : memref<!tpu.dma_semaphore, #tpu.memory_space<semaphore_mem>>) src(%dma_wait3A_666 : memref<80xi32, #tpu.memory_space<hbm>>) dst(%arg14 : memref<80xi32, #tpu.memory_space<vmem>>)
    %dma_start3A_667 = arith.constant 0 : i32
    %dma_start3A_668 = arith.constant 0 : i32
    %dma_start3A_669 = tpu.memref_slice %arg2[%dma_start3A_667, %dma_start3A_668] : memref<10000x128xf32, #tpu.memory_space<hbm>> -> memref<10000x128xf32, #tpu.memory_space<hbm>>
    tpu.enqueue_indirect_dma source(%dma_start3A_669 : memref<10000x128xf32, #tpu.memory_space<hbm>>) target(%arg20 : memref<80x128xf32, #tpu.memory_space<vmem>>) offsets(%arg8 : memref<80xi32, #tpu.memory_space<vmem>>) semaphore(%arg31 : memref<!tpu.dma_semaphore, #tpu.memory_space<semaphore_mem>>)
    %jit3A_670 = arith.constant false
    %jit3A_671 = arith.constant 0 : i32
    %jit3A_672 = arith.constant 5 : i32
    %select_n3A_673 = arith.select %jit3A_670, %jit3A_671, %jit3A_672 : i32
    %mul3A_674 = arith.constant 10000 : i32
    %mul3A_675 = arith.muli %add3A, %mul3A_674 : i32
    %mul3A_676 = arith.constant 80 : i32
    %mul3A_677 = arith.muli %select_n3A_673, %mul3A_676 : i32
    %add3A_678 = arith.addi %mul3A_675, %mul3A_677 : i32
    %dma_start3A_679 = tpu.memref_slice %arg4[%add3A_678] : memref<320000xi32, #tpu.memory_space<hbm>> -> memref<80xi32, #tpu.memory_space<hbm>>
    %dma_start3A_680 = tpu.memref_slice %arg4[%add3A_678] : memref<320000xi32, #tpu.memory_space<hbm>> -> memref<80xi32, #tpu.memory_space<hbm>>
    tpu.enqueue_dma source(%dma_start3A_680 : memref<80xi32, #tpu.memory_space<hbm>>) target(%arg11 : memref<80xi32, #tpu.memory_space<vmem>>) target_semaphore(%arg28 : memref<!tpu.dma_semaphore, #tpu.memory_space<semaphore_mem>>)
    %jit3A_681 = arith.constant false
    %jit3A_682 = arith.constant 0 : i32
    %jit3A_683 = arith.constant 5 : i32
    %select_n3A_684 = arith.select %jit3A_681, %jit3A_682, %jit3A_683 : i32
    %mul3A_685 = arith.constant 10000 : i32
    %mul3A_686 = arith.muli %add3A, %mul3A_685 : i32
    %mul3A_687 = arith.constant 80 : i32
    %mul3A_688 = arith.muli %select_n3A_684, %mul3A_687 : i32
    %add3A_689 = arith.addi %mul3A_686, %mul3A_688 : i32
    %dma_start3A_690 = tpu.memref_slice %arg3[%add3A_689] : memref<320000xi32, #tpu.memory_space<hbm>> -> memref<80xi32, #tpu.memory_space<hbm>>
    %dma_start3A_691 = tpu.memref_slice %arg3[%add3A_689] : memref<320000xi32, #tpu.memory_space<hbm>> -> memref<80xi32, #tpu.memory_space<hbm>>
    tpu.enqueue_dma source(%dma_start3A_691 : memref<80xi32, #tpu.memory_space<hbm>>) target(%arg17 : memref<80xi32, #tpu.memory_space<vmem>>) target_semaphore(%arg28 : memref<!tpu.dma_semaphore, #tpu.memory_space<semaphore_mem>>)
    %dma_wait3A_692 = arith.constant 0 : i32
    %dma_wait3A_693 = arith.constant 0 : i32
    %dma_wait3A_694 = tpu.memref_slice %arg2[%dma_wait3A_692, %dma_wait3A_693] : memref<10000x128xf32, #tpu.memory_space<hbm>> -> memref<10000x128xf32, #tpu.memory_space<hbm>>
    tpu.wait_indirect_dma semaphore(%arg29 : memref<!tpu.dma_semaphore, #tpu.memory_space<semaphore_mem>>) src(%dma_wait3A_694 : memref<10000x128xf32, #tpu.memory_space<hbm>>) dst(%arg18 : memref<80x128xf32, #tpu.memory_space<vmem>>)
    %dma_start3A_695 = arith.constant 0 : i32
    %dma_start3A_696 = arith.constant 0 : i32
    %dma_start3A_697 = tpu.memref_slice %arg22[%dma_start3A_695, %dma_start3A_696] : memref<10240x128xf32, #tpu.memory_space<vmem_shared>> -> memref<10240x128xf32, #tpu.memory_space<vmem_shared>>
    tpu.enqueue_indirect_dma source(%arg18 : memref<80x128xf32, #tpu.memory_space<vmem>>) target(%dma_start3A_697 : memref<10240x128xf32, #tpu.memory_space<vmem_shared>>) offsets(%arg12 : memref<80xi32, #tpu.memory_space<vmem>>) semaphore(%arg32 : memref<!tpu.dma_semaphore, #tpu.memory_space<semaphore_mem>>) {add = true}
    %dma_wait3A_698 = arith.constant 0 : i32
    %dma_wait3A_699 = arith.constant 0 : i32
    %dma_wait3A_700 = tpu.memref_slice %arg22[%dma_wait3A_698, %dma_wait3A_699] : memref<10240x128xf32, #tpu.memory_space<vmem_shared>> -> memref<10240x128xf32, #tpu.memory_space<vmem_shared>>
    tpu.wait_indirect_dma semaphore(%arg32 : memref<!tpu.dma_semaphore, #tpu.memory_space<semaphore_mem>>) src(%arg18 : memref<80x128xf32, #tpu.memory_space<vmem>>) dst(%dma_wait3A_700 : memref<10240x128xf32, #tpu.memory_space<vmem_shared>>)
    %jit3A_701 = arith.constant false
    %jit3A_702 = arith.constant 0 : i32
    %jit3A_703 = arith.constant 3 : i32
    %select_n3A_704 = arith.select %jit3A_701, %jit3A_702, %jit3A_703 : i32
    %mul3A_705 = arith.constant 10000 : i32
    %mul3A_706 = arith.muli %add3A, %mul3A_705 : i32
    %mul3A_707 = arith.constant 80 : i32
    %mul3A_708 = arith.muli %select_n3A_704, %mul3A_707 : i32
    %add3A_709 = arith.addi %mul3A_706, %mul3A_708 : i32
    %dma_wait3A_710 = tpu.memref_slice %arg4[%add3A_709] : memref<320000xi32, #tpu.memory_space<hbm>> -> memref<80xi32, #tpu.memory_space<hbm>>
    %dma_wait3A_711 = tpu.memref_slice %arg4[%add3A_709] : memref<320000xi32, #tpu.memory_space<hbm>> -> memref<80xi32, #tpu.memory_space<hbm>>
    tpu.wait_dma2 semaphore(%arg26 : memref<!tpu.dma_semaphore, #tpu.memory_space<semaphore_mem>>) src(%dma_wait3A_711 : memref<80xi32, #tpu.memory_space<hbm>>) dst(%arg9 : memref<80xi32, #tpu.memory_space<vmem>>)
    %jit3A_712 = arith.constant false
    %jit3A_713 = arith.constant 0 : i32
    %jit3A_714 = arith.constant 3 : i32
    %select_n3A_715 = arith.select %jit3A_712, %jit3A_713, %jit3A_714 : i32
    %mul3A_716 = arith.constant 10000 : i32
    %mul3A_717 = arith.muli %add3A, %mul3A_716 : i32
    %mul3A_718 = arith.constant 80 : i32
    %mul3A_719 = arith.muli %select_n3A_715, %mul3A_718 : i32
    %add3A_720 = arith.addi %mul3A_717, %mul3A_719 : i32
    %dma_wait3A_721 = tpu.memref_slice %arg3[%add3A_720] : memref<320000xi32, #tpu.memory_space<hbm>> -> memref<80xi32, #tpu.memory_space<hbm>>
    %dma_wait3A_722 = tpu.memref_slice %arg3[%add3A_720] : memref<320000xi32, #tpu.memory_space<hbm>> -> memref<80xi32, #tpu.memory_space<hbm>>
    tpu.wait_dma2 semaphore(%arg26 : memref<!tpu.dma_semaphore, #tpu.memory_space<semaphore_mem>>) src(%dma_wait3A_722 : memref<80xi32, #tpu.memory_space<hbm>>) dst(%arg15 : memref<80xi32, #tpu.memory_space<vmem>>)
    %dma_start3A_723 = arith.constant 0 : i32
    %dma_start3A_724 = arith.constant 0 : i32
    %dma_start3A_725 = tpu.memref_slice %arg2[%dma_start3A_723, %dma_start3A_724] : memref<10000x128xf32, #tpu.memory_space<hbm>> -> memref<10000x128xf32, #tpu.memory_space<hbm>>
    tpu.enqueue_indirect_dma source(%dma_start3A_725 : memref<10000x128xf32, #tpu.memory_space<hbm>>) target(%arg18 : memref<80x128xf32, #tpu.memory_space<vmem>>) offsets(%arg9 : memref<80xi32, #tpu.memory_space<vmem>>) semaphore(%arg29 : memref<!tpu.dma_semaphore, #tpu.memory_space<semaphore_mem>>)
    %jit3A_726 = arith.constant false
    %jit3A_727 = arith.constant 0 : i32
    %jit3A_728 = arith.constant 6 : i32
    %select_n3A_729 = arith.select %jit3A_726, %jit3A_727, %jit3A_728 : i32
    %mul3A_730 = arith.constant 10000 : i32
    %mul3A_731 = arith.muli %add3A, %mul3A_730 : i32
    %mul3A_732 = arith.constant 80 : i32
    %mul3A_733 = arith.muli %select_n3A_729, %mul3A_732 : i32
    %add3A_734 = arith.addi %mul3A_731, %mul3A_733 : i32
    %dma_start3A_735 = tpu.memref_slice %arg4[%add3A_734] : memref<320000xi32, #tpu.memory_space<hbm>> -> memref<80xi32, #tpu.memory_space<hbm>>
    %dma_start3A_736 = tpu.memref_slice %arg4[%add3A_734] : memref<320000xi32, #tpu.memory_space<hbm>> -> memref<80xi32, #tpu.memory_space<hbm>>
    tpu.enqueue_dma source(%dma_start3A_736 : memref<80xi32, #tpu.memory_space<hbm>>) target(%arg6 : memref<80xi32, #tpu.memory_space<vmem>>) target_semaphore(%arg23 : memref<!tpu.dma_semaphore, #tpu.memory_space<semaphore_mem>>)
    %jit3A_737 = arith.constant false
    %jit3A_738 = arith.constant 0 : i32
    %jit3A_739 = arith.constant 6 : i32
    %select_n3A_740 = arith.select %jit3A_737, %jit3A_738, %jit3A_739 : i32
    %mul3A_741 = arith.constant 10000 : i32
    %mul3A_742 = arith.muli %add3A, %mul3A_741 : i32
    %mul3A_743 = arith.constant 80 : i32
    %mul3A_744 = arith.muli %select_n3A_740, %mul3A_743 : i32
    %add3A_745 = arith.addi %mul3A_742, %mul3A_744 : i32
    %dma_start3A_746 = tpu.memref_slice %arg3[%add3A_745] : memref<320000xi32, #tpu.memory_space<hbm>> -> memref<80xi32, #tpu.memory_space<hbm>>
    %dma_start3A_747 = tpu.memref_slice %arg3[%add3A_745] : memref<320000xi32, #tpu.memory_space<hbm>> -> memref<80xi32, #tpu.memory_space<hbm>>
    tpu.enqueue_dma source(%dma_start3A_747 : memref<80xi32, #tpu.memory_space<hbm>>) target(%arg12 : memref<80xi32, #tpu.memory_space<vmem>>) target_semaphore(%arg23 : memref<!tpu.dma_semaphore, #tpu.memory_space<semaphore_mem>>)
    %dma_wait3A_748 = arith.constant 0 : i32
    %dma_wait3A_749 = arith.constant 0 : i32
    %dma_wait3A_750 = tpu.memref_slice %arg2[%dma_wait3A_748, %dma_wait3A_749] : memref<10000x128xf32, #tpu.memory_space<hbm>> -> memref<10000x128xf32, #tpu.memory_space<hbm>>
    tpu.wait_indirect_dma semaphore(%arg30 : memref<!tpu.dma_semaphore, #tpu.memory_space<semaphore_mem>>) src(%dma_wait3A_750 : memref<10000x128xf32, #tpu.memory_space<hbm>>) dst(%arg19 : memref<80x128xf32, #tpu.memory_space<vmem>>)
    %dma_start3A_751 = arith.constant 0 : i32
    %dma_start3A_752 = arith.constant 0 : i32
    %dma_start3A_753 = tpu.memref_slice %arg22[%dma_start3A_751, %dma_start3A_752] : memref<10240x128xf32, #tpu.memory_space<vmem_shared>> -> memref<10240x128xf32, #tpu.memory_space<vmem_shared>>
    tpu.enqueue_indirect_dma source(%arg19 : memref<80x128xf32, #tpu.memory_space<vmem>>) target(%dma_start3A_753 : memref<10240x128xf32, #tpu.memory_space<vmem_shared>>) offsets(%arg13 : memref<80xi32, #tpu.memory_space<vmem>>) semaphore(%arg33 : memref<!tpu.dma_semaphore, #tpu.memory_space<semaphore_mem>>) {add = true}
    %dma_wait3A_754 = arith.constant 0 : i32
    %dma_wait3A_755 = arith.constant 0 : i32
    %dma_wait3A_756 = tpu.memref_slice %arg22[%dma_wait3A_754, %dma_wait3A_755] : memref<10240x128xf32, #tpu.memory_space<vmem_shared>> -> memref<10240x128xf32, #tpu.memory_space<vmem_shared>>
    tpu.wait_indirect_dma semaphore(%arg33 : memref<!tpu.dma_semaphore, #tpu.memory_space<semaphore_mem>>) src(%arg19 : memref<80x128xf32, #tpu.memory_space<vmem>>) dst(%dma_wait3A_756 : memref<10240x128xf32, #tpu.memory_space<vmem_shared>>)
    %jit3A_757 = arith.constant false
    %jit3A_758 = arith.constant 0 : i32
    %jit3A_759 = arith.constant 4 : i32
    %select_n3A_760 = arith.select %jit3A_757, %jit3A_758, %jit3A_759 : i32
    %mul3A_761 = arith.constant 10000 : i32
    %mul3A_762 = arith.muli %add3A, %mul3A_761 : i32
    %mul3A_763 = arith.constant 80 : i32
    %mul3A_764 = arith.muli %select_n3A_760, %mul3A_763 : i32
    %add3A_765 = arith.addi %mul3A_762, %mul3A_764 : i32
    %dma_wait3A_766 = tpu.memref_slice %arg4[%add3A_765] : memref<320000xi32, #tpu.memory_space<hbm>> -> memref<80xi32, #tpu.memory_space<hbm>>
    %dma_wait3A_767 = tpu.memref_slice %arg4[%add3A_765] : memref<320000xi32, #tpu.memory_space<hbm>> -> memref<80xi32, #tpu.memory_space<hbm>>
    tpu.wait_dma2 semaphore(%arg27 : memref<!tpu.dma_semaphore, #tpu.memory_space<semaphore_mem>>) src(%dma_wait3A_767 : memref<80xi32, #tpu.memory_space<hbm>>) dst(%arg10 : memref<80xi32, #tpu.memory_space<vmem>>)
    %jit3A_768 = arith.constant false
    %jit3A_769 = arith.constant 0 : i32
    %jit3A_770 = arith.constant 4 : i32
    %select_n3A_771 = arith.select %jit3A_768, %jit3A_769, %jit3A_770 : i32
    %mul3A_772 = arith.constant 10000 : i32
    %mul3A_773 = arith.muli %add3A, %mul3A_772 : i32
    %mul3A_774 = arith.constant 80 : i32
    %mul3A_775 = arith.muli %select_n3A_771, %mul3A_774 : i32
    %add3A_776 = arith.addi %mul3A_773, %mul3A_775 : i32
    %dma_wait3A_777 = tpu.memref_slice %arg3[%add3A_776] : memref<320000xi32, #tpu.memory_space<hbm>> -> memref<80xi32, #tpu.memory_space<hbm>>
    %dma_wait3A_778 = tpu.memref_slice %arg3[%add3A_776] : memref<320000xi32, #tpu.memory_space<hbm>> -> memref<80xi32, #tpu.memory_space<hbm>>
    tpu.wait_dma2 semaphore(%arg27 : memref<!tpu.dma_semaphore, #tpu.memory_space<semaphore_mem>>) src(%dma_wait3A_778 : memref<80xi32, #tpu.memory_space<hbm>>) dst(%arg16 : memref<80xi32, #tpu.memory_space<vmem>>)
    %dma_start3A_779 = arith.constant 0 : i32
    %dma_start3A_780 = arith.constant 0 : i32
    %dma_start3A_781 = tpu.memref_slice %arg2[%dma_start3A_779, %dma_start3A_780] : memref<10000x128xf32, #tpu.memory_space<hbm>> -> memref<10000x128xf32, #tpu.memory_space<hbm>>
    tpu.enqueue_indirect_dma source(%dma_start3A_781 : memref<10000x128xf32, #tpu.memory_space<hbm>>) target(%arg19 : memref<80x128xf32, #tpu.memory_space<vmem>>) offsets(%arg10 : memref<80xi32, #tpu.memory_space<vmem>>) semaphore(%arg30 : memref<!tpu.dma_semaphore, #tpu.memory_space<semaphore_mem>>)
    %jit3A_782 = arith.constant false
    %jit3A_783 = arith.constant 0 : i32
    %jit3A_784 = arith.constant 7 : i32
    %select_n3A_785 = arith.select %jit3A_782, %jit3A_783, %jit3A_784 : i32
    %mul3A_786 = arith.constant 10000 : i32
    %mul3A_787 = arith.muli %add3A, %mul3A_786 : i32
    %mul3A_788 = arith.constant 80 : i32
    %mul3A_789 = arith.muli %select_n3A_785, %mul3A_788 : i32
    %add3A_790 = arith.addi %mul3A_787, %mul3A_789 : i32
    %dma_start3A_791 = tpu.memref_slice %arg4[%add3A_790] : memref<320000xi32, #tpu.memory_space<hbm>> -> memref<80xi32, #tpu.memory_space<hbm>>
    %dma_start3A_792 = tpu.memref_slice %arg4[%add3A_790] : memref<320000xi32, #tpu.memory_space<hbm>> -> memref<80xi32, #tpu.memory_space<hbm>>
    tpu.enqueue_dma source(%dma_start3A_792 : memref<80xi32, #tpu.memory_space<hbm>>) target(%arg7 : memref<80xi32, #tpu.memory_space<vmem>>) target_semaphore(%arg24 : memref<!tpu.dma_semaphore, #tpu.memory_space<semaphore_mem>>)
    %jit3A_793 = arith.constant false
    %jit3A_794 = arith.constant 0 : i32
    %jit3A_795 = arith.constant 7 : i32
    %select_n3A_796 = arith.select %jit3A_793, %jit3A_794, %jit3A_795 : i32
    %mul3A_797 = arith.constant 10000 : i32
    %mul3A_798 = arith.muli %add3A, %mul3A_797 : i32
    %mul3A_799 = arith.constant 80 : i32
    %mul3A_800 = arith.muli %select_n3A_796, %mul3A_799 : i32
    %add3A_801 = arith.addi %mul3A_798, %mul3A_800 : i32
    %dma_start3A_802 = tpu.memref_slice %arg3[%add3A_801] : memref<320000xi32, #tpu.memory_space<hbm>> -> memref<80xi32, #tpu.memory_space<hbm>>
    %dma_start3A_803 = tpu.memref_slice %arg3[%add3A_801] : memref<320000xi32, #tpu.memory_space<hbm>> -> memref<80xi32, #tpu.memory_space<hbm>>
    tpu.enqueue_dma source(%dma_start3A_803 : memref<80xi32, #tpu.memory_space<hbm>>) target(%arg13 : memref<80xi32, #tpu.memory_space<vmem>>) target_semaphore(%arg24 : memref<!tpu.dma_semaphore, #tpu.memory_space<semaphore_mem>>)
    %dma_wait3A_804 = arith.constant 0 : i32
    %dma_wait3A_805 = arith.constant 0 : i32
    %dma_wait3A_806 = tpu.memref_slice %arg2[%dma_wait3A_804, %dma_wait3A_805] : memref<10000x128xf32, #tpu.memory_space<hbm>> -> memref<10000x128xf32, #tpu.memory_space<hbm>>
    tpu.wait_indirect_dma semaphore(%arg31 : memref<!tpu.dma_semaphore, #tpu.memory_space<semaphore_mem>>) src(%dma_wait3A_806 : memref<10000x128xf32, #tpu.memory_space<hbm>>) dst(%arg20 : memref<80x128xf32, #tpu.memory_space<vmem>>)
    %dma_start3A_807 = arith.constant 0 : i32
    %dma_start3A_808 = arith.constant 0 : i32
    %dma_start3A_809 = tpu.memref_slice %arg22[%dma_start3A_807, %dma_start3A_808] : memref<10240x128xf32, #tpu.memory_space<vmem_shared>> -> memref<10240x128xf32, #tpu.memory_space<vmem_shared>>
    tpu.enqueue_indirect_dma source(%arg20 : memref<80x128xf32, #tpu.memory_space<vmem>>) target(%dma_start3A_809 : memref<10240x128xf32, #tpu.memory_space<vmem_shared>>) offsets(%arg14 : memref<80xi32, #tpu.memory_space<vmem>>) semaphore(%arg34 : memref<!tpu.dma_semaphore, #tpu.memory_space<semaphore_mem>>) {add = true}
    %dma_wait3A_810 = arith.constant 0 : i32
    %dma_wait3A_811 = arith.constant 0 : i32
    %dma_wait3A_812 = tpu.memref_slice %arg22[%dma_wait3A_810, %dma_wait3A_811] : memref<10240x128xf32, #tpu.memory_space<vmem_shared>> -> memref<10240x128xf32, #tpu.memory_space<vmem_shared>>
    tpu.wait_indirect_dma semaphore(%arg34 : memref<!tpu.dma_semaphore, #tpu.memory_space<semaphore_mem>>) src(%arg20 : memref<80x128xf32, #tpu.memory_space<vmem>>) dst(%dma_wait3A_812 : memref<10240x128xf32, #tpu.memory_space<vmem_shared>>)
    %jit3A_813 = arith.constant false
    %jit3A_814 = arith.constant 0 : i32
    %jit3A_815 = arith.constant 5 : i32
    %select_n3A_816 = arith.select %jit3A_813, %jit3A_814, %jit3A_815 : i32
    %mul3A_817 = arith.constant 10000 : i32
    %mul3A_818 = arith.muli %add3A, %mul3A_817 : i32
    %mul3A_819 = arith.constant 80 : i32
    %mul3A_820 = arith.muli %select_n3A_816, %mul3A_819 : i32
    %add3A_821 = arith.addi %mul3A_818, %mul3A_820 : i32
    %dma_wait3A_822 = tpu.memref_slice %arg4[%add3A_821] : memref<320000xi32, #tpu.memory_space<hbm>> -> memref<80xi32, #tpu.memory_space<hbm>>
    %dma_wait3A_823 = tpu.memref_slice %arg4[%add3A_821] : memref<320000xi32, #tpu.memory_space<hbm>> -> memref<80xi32, #tpu.memory_space<hbm>>
    tpu.wait_dma2 semaphore(%arg28 : memref<!tpu.dma_semaphore, #tpu.memory_space<semaphore_mem>>) src(%dma_wait3A_823 : memref<80xi32, #tpu.memory_space<hbm>>) dst(%arg11 : memref<80xi32, #tpu.memory_space<vmem>>)
    %jit3A_824 = arith.constant false
    %jit3A_825 = arith.constant 0 : i32
    %jit3A_826 = arith.constant 5 : i32
    %select_n3A_827 = arith.select %jit3A_824, %jit3A_825, %jit3A_826 : i32
    %mul3A_828 = arith.constant 10000 : i32
    %mul3A_829 = arith.muli %add3A, %mul3A_828 : i32
    %mul3A_830 = arith.constant 80 : i32
    %mul3A_831 = arith.muli %select_n3A_827, %mul3A_830 : i32
    %add3A_832 = arith.addi %mul3A_829, %mul3A_831 : i32
    %dma_wait3A_833 = tpu.memref_slice %arg3[%add3A_832] : memref<320000xi32, #tpu.memory_space<hbm>> -> memref<80xi32, #tpu.memory_space<hbm>>
    %dma_wait3A_834 = tpu.memref_slice %arg3[%add3A_832] : memref<320000xi32, #tpu.memory_space<hbm>> -> memref<80xi32, #tpu.memory_space<hbm>>
    tpu.wait_dma2 semaphore(%arg28 : memref<!tpu.dma_semaphore, #tpu.memory_space<semaphore_mem>>) src(%dma_wait3A_834 : memref<80xi32, #tpu.memory_space<hbm>>) dst(%arg17 : memref<80xi32, #tpu.memory_space<vmem>>)
    %dma_start3A_835 = arith.constant 0 : i32
    %dma_start3A_836 = arith.constant 0 : i32
    %dma_start3A_837 = tpu.memref_slice %arg2[%dma_start3A_835, %dma_start3A_836] : memref<10000x128xf32, #tpu.memory_space<hbm>> -> memref<10000x128xf32, #tpu.memory_space<hbm>>
    tpu.enqueue_indirect_dma source(%dma_start3A_837 : memref<10000x128xf32, #tpu.memory_space<hbm>>) target(%arg20 : memref<80x128xf32, #tpu.memory_space<vmem>>) offsets(%arg11 : memref<80xi32, #tpu.memory_space<vmem>>) semaphore(%arg31 : memref<!tpu.dma_semaphore, #tpu.memory_space<semaphore_mem>>)
    %jit3A_838 = arith.constant false
    %jit3A_839 = arith.constant 0 : i32
    %jit3A_840 = arith.constant 8 : i32
    %select_n3A_841 = arith.select %jit3A_838, %jit3A_839, %jit3A_840 : i32
    %mul3A_842 = arith.constant 10000 : i32
    %mul3A_843 = arith.muli %add3A, %mul3A_842 : i32
    %mul3A_844 = arith.constant 80 : i32
    %mul3A_845 = arith.muli %select_n3A_841, %mul3A_844 : i32
    %add3A_846 = arith.addi %mul3A_843, %mul3A_845 : i32
    %dma_start3A_847 = tpu.memref_slice %arg4[%add3A_846] : memref<320000xi32, #tpu.memory_space<hbm>> -> memref<80xi32, #tpu.memory_space<hbm>>
    %dma_start3A_848 = tpu.memref_slice %arg4[%add3A_846] : memref<320000xi32, #tpu.memory_space<hbm>> -> memref<80xi32, #tpu.memory_space<hbm>>
    tpu.enqueue_dma source(%dma_start3A_848 : memref<80xi32, #tpu.memory_space<hbm>>) target(%arg8 : memref<80xi32, #tpu.memory_space<vmem>>) target_semaphore(%arg25 : memref<!tpu.dma_semaphore, #tpu.memory_space<semaphore_mem>>)
    %jit3A_849 = arith.constant false
    %jit3A_850 = arith.constant 0 : i32
    %jit3A_851 = arith.constant 8 : i32
    %select_n3A_852 = arith.select %jit3A_849, %jit3A_850, %jit3A_851 : i32
    %mul3A_853 = arith.constant 10000 : i32
    %mul3A_854 = arith.muli %add3A, %mul3A_853 : i32
    %mul3A_855 = arith.constant 80 : i32
    %mul3A_856 = arith.muli %select_n3A_852, %mul3A_855 : i32
    %add3A_857 = arith.addi %mul3A_854, %mul3A_856 : i32
    %dma_start3A_858 = tpu.memref_slice %arg3[%add3A_857] : memref<320000xi32, #tpu.memory_space<hbm>> -> memref<80xi32, #tpu.memory_space<hbm>>
    %dma_start3A_859 = tpu.memref_slice %arg3[%add3A_857] : memref<320000xi32, #tpu.memory_space<hbm>> -> memref<80xi32, #tpu.memory_space<hbm>>
    tpu.enqueue_dma source(%dma_start3A_859 : memref<80xi32, #tpu.memory_space<hbm>>) target(%arg14 : memref<80xi32, #tpu.memory_space<vmem>>) target_semaphore(%arg25 : memref<!tpu.dma_semaphore, #tpu.memory_space<semaphore_mem>>)
    %dma_wait3A_860 = arith.constant 0 : i32
    %dma_wait3A_861 = arith.constant 0 : i32
    %dma_wait3A_862 = tpu.memref_slice %arg2[%dma_wait3A_860, %dma_wait3A_861] : memref<10000x128xf32, #tpu.memory_space<hbm>> -> memref<10000x128xf32, #tpu.memory_space<hbm>>
    tpu.wait_indirect_dma semaphore(%arg29 : memref<!tpu.dma_semaphore, #tpu.memory_space<semaphore_mem>>) src(%dma_wait3A_862 : memref<10000x128xf32, #tpu.memory_space<hbm>>) dst(%arg18 : memref<80x128xf32, #tpu.memory_space<vmem>>)
    %dma_start3A_863 = arith.constant 0 : i32
    %dma_start3A_864 = arith.constant 0 : i32
    %dma_start3A_865 = tpu.memref_slice %arg22[%dma_start3A_863, %dma_start3A_864] : memref<10240x128xf32, #tpu.memory_space<vmem_shared>> -> memref<10240x128xf32, #tpu.memory_space<vmem_shared>>
    tpu.enqueue_indirect_dma source(%arg18 : memref<80x128xf32, #tpu.memory_space<vmem>>) target(%dma_start3A_865 : memref<10240x128xf32, #tpu.memory_space<vmem_shared>>) offsets(%arg15 : memref<80xi32, #tpu.memory_space<vmem>>) semaphore(%arg32 : memref<!tpu.dma_semaphore, #tpu.memory_space<semaphore_mem>>) {add = true}
    %dma_wait3A_866 = arith.constant 0 : i32
    %dma_wait3A_867 = arith.constant 0 : i32
    %dma_wait3A_868 = tpu.memref_slice %arg22[%dma_wait3A_866, %dma_wait3A_867] : memref<10240x128xf32, #tpu.memory_space<vmem_shared>> -> memref<10240x128xf32, #tpu.memory_space<vmem_shared>>
    tpu.wait_indirect_dma semaphore(%arg32 : memref<!tpu.dma_semaphore, #tpu.memory_space<semaphore_mem>>) src(%arg18 : memref<80x128xf32, #tpu.memory_space<vmem>>) dst(%dma_wait3A_868 : memref<10240x128xf32, #tpu.memory_space<vmem_shared>>)
    %jit3A_869 = arith.constant false
    %jit3A_870 = arith.constant 0 : i32
    %jit3A_871 = arith.constant 6 : i32
    %select_n3A_872 = arith.select %jit3A_869, %jit3A_870, %jit3A_871 : i32
    %mul3A_873 = arith.constant 10000 : i32
    %mul3A_874 = arith.muli %add3A, %mul3A_873 : i32
    %mul3A_875 = arith.constant 80 : i32
    %mul3A_876 = arith.muli %select_n3A_872, %mul3A_875 : i32
    %add3A_877 = arith.addi %mul3A_874, %mul3A_876 : i32
    %dma_wait3A_878 = tpu.memref_slice %arg4[%add3A_877] : memref<320000xi32, #tpu.memory_space<hbm>> -> memref<80xi32, #tpu.memory_space<hbm>>
    %dma_wait3A_879 = tpu.memref_slice %arg4[%add3A_877] : memref<320000xi32, #tpu.memory_space<hbm>> -> memref<80xi32, #tpu.memory_space<hbm>>
    tpu.wait_dma2 semaphore(%arg23 : memref<!tpu.dma_semaphore, #tpu.memory_space<semaphore_mem>>) src(%dma_wait3A_879 : memref<80xi32, #tpu.memory_space<hbm>>) dst(%arg6 : memref<80xi32, #tpu.memory_space<vmem>>)
    %jit3A_880 = arith.constant false
    %jit3A_881 = arith.constant 0 : i32
    %jit3A_882 = arith.constant 6 : i32
    %select_n3A_883 = arith.select %jit3A_880, %jit3A_881, %jit3A_882 : i32
    %mul3A_884 = arith.constant 10000 : i32
    %mul3A_885 = arith.muli %add3A, %mul3A_884 : i32
    %mul3A_886 = arith.constant 80 : i32
    %mul3A_887 = arith.muli %select_n3A_883, %mul3A_886 : i32
    %add3A_888 = arith.addi %mul3A_885, %mul3A_887 : i32
    %dma_wait3A_889 = tpu.memref_slice %arg3[%add3A_888] : memref<320000xi32, #tpu.memory_space<hbm>> -> memref<80xi32, #tpu.memory_space<hbm>>
    %dma_wait3A_890 = tpu.memref_slice %arg3[%add3A_888] : memref<320000xi32, #tpu.memory_space<hbm>> -> memref<80xi32, #tpu.memory_space<hbm>>
    tpu.wait_dma2 semaphore(%arg23 : memref<!tpu.dma_semaphore, #tpu.memory_space<semaphore_mem>>) src(%dma_wait3A_890 : memref<80xi32, #tpu.memory_space<hbm>>) dst(%arg12 : memref<80xi32, #tpu.memory_space<vmem>>)
    %dma_start3A_891 = arith.constant 0 : i32
    %dma_start3A_892 = arith.constant 0 : i32
    %dma_start3A_893 = tpu.memref_slice %arg2[%dma_start3A_891, %dma_start3A_892] : memref<10000x128xf32, #tpu.memory_space<hbm>> -> memref<10000x128xf32, #tpu.memory_space<hbm>>
    tpu.enqueue_indirect_dma source(%dma_start3A_893 : memref<10000x128xf32, #tpu.memory_space<hbm>>) target(%arg18 : memref<80x128xf32, #tpu.memory_space<vmem>>) offsets(%arg6 : memref<80xi32, #tpu.memory_space<vmem>>) semaphore(%arg29 : memref<!tpu.dma_semaphore, #tpu.memory_space<semaphore_mem>>)
    %jit3A_894 = arith.constant false
    %jit3A_895 = arith.constant 0 : i32
    %jit3A_896 = arith.constant 9 : i32
    %select_n3A_897 = arith.select %jit3A_894, %jit3A_895, %jit3A_896 : i32
    %mul3A_898 = arith.constant 10000 : i32
    %mul3A_899 = arith.muli %add3A, %mul3A_898 : i32
    %mul3A_900 = arith.constant 80 : i32
    %mul3A_901 = arith.muli %select_n3A_897, %mul3A_900 : i32
    %add3A_902 = arith.addi %mul3A_899, %mul3A_901 : i32
    %dma_start3A_903 = tpu.memref_slice %arg4[%add3A_902] : memref<320000xi32, #tpu.memory_space<hbm>> -> memref<80xi32, #tpu.memory_space<hbm>>
    %dma_start3A_904 = tpu.memref_slice %arg4[%add3A_902] : memref<320000xi32, #tpu.memory_space<hbm>> -> memref<80xi32, #tpu.memory_space<hbm>>
    tpu.enqueue_dma source(%dma_start3A_904 : memref<80xi32, #tpu.memory_space<hbm>>) target(%arg9 : memref<80xi32, #tpu.memory_space<vmem>>) target_semaphore(%arg26 : memref<!tpu.dma_semaphore, #tpu.memory_space<semaphore_mem>>)
    %jit3A_905 = arith.constant false
    %jit3A_906 = arith.constant 0 : i32
    %jit3A_907 = arith.constant 9 : i32
    %select_n3A_908 = arith.select %jit3A_905, %jit3A_906, %jit3A_907 : i32
    %mul3A_909 = arith.constant 10000 : i32
    %mul3A_910 = arith.muli %add3A, %mul3A_909 : i32
    %mul3A_911 = arith.constant 80 : i32
    %mul3A_912 = arith.muli %select_n3A_908, %mul3A_911 : i32
    %add3A_913 = arith.addi %mul3A_910, %mul3A_912 : i32
    %dma_start3A_914 = tpu.memref_slice %arg3[%add3A_913] : memref<320000xi32, #tpu.memory_space<hbm>> -> memref<80xi32, #tpu.memory_space<hbm>>
    %dma_start3A_915 = tpu.memref_slice %arg3[%add3A_913] : memref<320000xi32, #tpu.memory_space<hbm>> -> memref<80xi32, #tpu.memory_space<hbm>>
    tpu.enqueue_dma source(%dma_start3A_915 : memref<80xi32, #tpu.memory_space<hbm>>) target(%arg15 : memref<80xi32, #tpu.memory_space<vmem>>) target_semaphore(%arg26 : memref<!tpu.dma_semaphore, #tpu.memory_space<semaphore_mem>>)
    %dma_wait3A_916 = arith.constant 0 : i32
    %dma_wait3A_917 = arith.constant 0 : i32
    %dma_wait3A_918 = tpu.memref_slice %arg2[%dma_wait3A_916, %dma_wait3A_917] : memref<10000x128xf32, #tpu.memory_space<hbm>> -> memref<10000x128xf32, #tpu.memory_space<hbm>>
    tpu.wait_indirect_dma semaphore(%arg30 : memref<!tpu.dma_semaphore, #tpu.memory_space<semaphore_mem>>) src(%dma_wait3A_918 : memref<10000x128xf32, #tpu.memory_space<hbm>>) dst(%arg19 : memref<80x128xf32, #tpu.memory_space<vmem>>)
    %dma_start3A_919 = arith.constant 0 : i32
    %dma_start3A_920 = arith.constant 0 : i32
    %dma_start3A_921 = tpu.memref_slice %arg22[%dma_start3A_919, %dma_start3A_920] : memref<10240x128xf32, #tpu.memory_space<vmem_shared>> -> memref<10240x128xf32, #tpu.memory_space<vmem_shared>>
    tpu.enqueue_indirect_dma source(%arg19 : memref<80x128xf32, #tpu.memory_space<vmem>>) target(%dma_start3A_921 : memref<10240x128xf32, #tpu.memory_space<vmem_shared>>) offsets(%arg16 : memref<80xi32, #tpu.memory_space<vmem>>) semaphore(%arg33 : memref<!tpu.dma_semaphore, #tpu.memory_space<semaphore_mem>>) {add = true}
    %scan3A_922 = arith.constant 0 : i32
    %scan3A_923 = arith.constant 0 : i32
    %scan3A_924 = arith.constant 20 : i32
    %scan3A_925 = arith.addi %scan3A_923, %scan3A_924 : i32
    %scan3A_926 = arith.constant 1 : i32
    scf.for %scan3A_1004 = %scan3A_923 to %scan3A_925 step %scan3A_926  : i32 {
      %mul3A_1005 = arith.constant 6 : i32
      %mul3A_1006 = arith.muli %mul3A_1005, %scan3A_1004 : i32
      %add3A_1007 = arith.constant 5 : i32
      %add3A_1008 = arith.addi %add3A_1007, %mul3A_1006 : i32
      %add3A_1009 = arith.constant 0 : i32
      %add3A_1010 = arith.addi %add3A_1008, %add3A_1009 : i32
      %dma_wait3A_1011 = arith.constant 0 : i32
      %dma_wait3A_1012 = arith.constant 0 : i32
      %dma_wait3A_1013 = tpu.memref_slice %arg22[%dma_wait3A_1011, %dma_wait3A_1012] : memref<10240x128xf32, #tpu.memory_space<vmem_shared>> -> memref<10240x128xf32, #tpu.memory_space<vmem_shared>>
      tpu.wait_indirect_dma semaphore(%arg33 : memref<!tpu.dma_semaphore, #tpu.memory_space<semaphore_mem>>) src(%arg19 : memref<80x128xf32, #tpu.memory_space<vmem>>) dst(%dma_wait3A_1013 : memref<10240x128xf32, #tpu.memory_space<vmem_shared>>)
      %add3A_1014 = arith.constant 2 : i32
      %add3A_1015 = arith.addi %add3A_1010, %add3A_1014 : i32
      %ge3A = arith.constant 125 : i32
      %ge3A_1016 = arith.cmpi sge, %add3A_1015, %ge3A : i32
      %jit3A_1017 = arith.constant 0 : i32
      %select_n3A_1018 = arith.select %ge3A_1016, %jit3A_1017, %add3A_1015 : i32
      %mul3A_1019 = arith.constant 10000 : i32
      %mul3A_1020 = arith.muli %add3A, %mul3A_1019 : i32
      %mul3A_1021 = arith.constant 80 : i32
      %mul3A_1022 = arith.muli %select_n3A_1018, %mul3A_1021 : i32
      %add3A_1023 = arith.addi %mul3A_1020, %mul3A_1022 : i32
      %dma_wait3A_1024 = tpu.memref_slice %arg4[%add3A_1023] : memref<320000xi32, #tpu.memory_space<hbm>> -> memref<80xi32, #tpu.memory_space<hbm>>
      %dma_wait3A_1025 = tpu.memref_slice %arg4[%add3A_1023] : memref<320000xi32, #tpu.memory_space<hbm>> -> memref<80xi32, #tpu.memory_space<hbm>>
      tpu.wait_dma2 semaphore(%arg24 : memref<!tpu.dma_semaphore, #tpu.memory_space<semaphore_mem>>) src(%dma_wait3A_1025 : memref<80xi32, #tpu.memory_space<hbm>>) dst(%arg7 : memref<80xi32, #tpu.memory_space<vmem>>)
      %ge3A_1026 = arith.constant 125 : i32
      %ge3A_1027 = arith.cmpi sge, %add3A_1015, %ge3A_1026 : i32
      %jit3A_1028 = arith.constant 0 : i32
      %select_n3A_1029 = arith.select %ge3A_1027, %jit3A_1028, %add3A_1015 : i32
      %mul3A_1030 = arith.constant 10000 : i32
      %mul3A_1031 = arith.muli %add3A, %mul3A_1030 : i32
      %mul3A_1032 = arith.constant 80 : i32
      %mul3A_1033 = arith.muli %select_n3A_1029, %mul3A_1032 : i32
      %add3A_1034 = arith.addi %mul3A_1031, %mul3A_1033 : i32
      %dma_wait3A_1035 = tpu.memref_slice %arg3[%add3A_1034] : memref<320000xi32, #tpu.memory_space<hbm>> -> memref<80xi32, #tpu.memory_space<hbm>>
      %dma_wait3A_1036 = tpu.memref_slice %arg3[%add3A_1034] : memref<320000xi32, #tpu.memory_space<hbm>> -> memref<80xi32, #tpu.memory_space<hbm>>
      tpu.wait_dma2 semaphore(%arg24 : memref<!tpu.dma_semaphore, #tpu.memory_space<semaphore_mem>>) src(%dma_wait3A_1036 : memref<80xi32, #tpu.memory_space<hbm>>) dst(%arg13 : memref<80xi32, #tpu.memory_space<vmem>>)
      %dma_start3A_1037 = arith.constant 0 : i32
      %dma_start3A_1038 = arith.constant 0 : i32
      %dma_start3A_1039 = tpu.memref_slice %arg2[%dma_start3A_1037, %dma_start3A_1038] : memref<10000x128xf32, #tpu.memory_space<hbm>> -> memref<10000x128xf32, #tpu.memory_space<hbm>>
      tpu.enqueue_indirect_dma source(%dma_start3A_1039 : memref<10000x128xf32, #tpu.memory_space<hbm>>) target(%arg19 : memref<80x128xf32, #tpu.memory_space<vmem>>) offsets(%arg7 : memref<80xi32, #tpu.memory_space<vmem>>) semaphore(%arg30 : memref<!tpu.dma_semaphore, #tpu.memory_space<semaphore_mem>>)
      %add3A_1040 = arith.constant 5 : i32
      %add3A_1041 = arith.addi %add3A_1010, %add3A_1040 : i32
      %ge3A_1042 = arith.constant 125 : i32
      %ge3A_1043 = arith.cmpi sge, %add3A_1041, %ge3A_1042 : i32
      %jit3A_1044 = arith.constant 0 : i32
      %select_n3A_1045 = arith.select %ge3A_1043, %jit3A_1044, %add3A_1041 : i32
      %mul3A_1046 = arith.constant 10000 : i32
      %mul3A_1047 = arith.muli %add3A, %mul3A_1046 : i32
      %mul3A_1048 = arith.constant 80 : i32
      %mul3A_1049 = arith.muli %select_n3A_1045, %mul3A_1048 : i32
      %add3A_1050 = arith.addi %mul3A_1047, %mul3A_1049 : i32
      %dma_start3A_1051 = tpu.memref_slice %arg4[%add3A_1050] : memref<320000xi32, #tpu.memory_space<hbm>> -> memref<80xi32, #tpu.memory_space<hbm>>
      %dma_start3A_1052 = tpu.memref_slice %arg4[%add3A_1050] : memref<320000xi32, #tpu.memory_space<hbm>> -> memref<80xi32, #tpu.memory_space<hbm>>
      tpu.enqueue_dma source(%dma_start3A_1052 : memref<80xi32, #tpu.memory_space<hbm>>) target(%arg10 : memref<80xi32, #tpu.memory_space<vmem>>) target_semaphore(%arg27 : memref<!tpu.dma_semaphore, #tpu.memory_space<semaphore_mem>>)
      %ge3A_1053 = arith.constant 125 : i32
      %ge3A_1054 = arith.cmpi sge, %add3A_1041, %ge3A_1053 : i32
      %jit3A_1055 = arith.constant 0 : i32
      %select_n3A_1056 = arith.select %ge3A_1054, %jit3A_1055, %add3A_1041 : i32
      %mul3A_1057 = arith.constant 10000 : i32
      %mul3A_1058 = arith.muli %add3A, %mul3A_1057 : i32
      %mul3A_1059 = arith.constant 80 : i32
      %mul3A_1060 = arith.muli %select_n3A_1056, %mul3A_1059 : i32
      %add3A_1061 = arith.addi %mul3A_1058, %mul3A_1060 : i32
      %dma_start3A_1062 = tpu.memref_slice %arg3[%add3A_1061] : memref<320000xi32, #tpu.memory_space<hbm>> -> memref<80xi32, #tpu.memory_space<hbm>>
      %dma_start3A_1063 = tpu.memref_slice %arg3[%add3A_1061] : memref<320000xi32, #tpu.memory_space<hbm>> -> memref<80xi32, #tpu.memory_space<hbm>>
      tpu.enqueue_dma source(%dma_start3A_1063 : memref<80xi32, #tpu.memory_space<hbm>>) target(%arg16 : memref<80xi32, #tpu.memory_space<vmem>>) target_semaphore(%arg27 : memref<!tpu.dma_semaphore, #tpu.memory_space<semaphore_mem>>)
      %dma_wait3A_1064 = arith.constant 0 : i32
      %dma_wait3A_1065 = arith.constant 0 : i32
      %dma_wait3A_1066 = tpu.memref_slice %arg2[%dma_wait3A_1064, %dma_wait3A_1065] : memref<10000x128xf32, #tpu.memory_space<hbm>> -> memref<10000x128xf32, #tpu.memory_space<hbm>>
      tpu.wait_indirect_dma semaphore(%arg31 : memref<!tpu.dma_semaphore, #tpu.memory_space<semaphore_mem>>) src(%dma_wait3A_1066 : memref<10000x128xf32, #tpu.memory_space<hbm>>) dst(%arg20 : memref<80x128xf32, #tpu.memory_space<vmem>>)
      %dma_start3A_1067 = arith.constant 0 : i32
      %dma_start3A_1068 = arith.constant 0 : i32
      %dma_start3A_1069 = tpu.memref_slice %arg22[%dma_start3A_1067, %dma_start3A_1068] : memref<10240x128xf32, #tpu.memory_space<vmem_shared>> -> memref<10240x128xf32, #tpu.memory_space<vmem_shared>>
      tpu.enqueue_indirect_dma source(%arg20 : memref<80x128xf32, #tpu.memory_space<vmem>>) target(%dma_start3A_1069 : memref<10240x128xf32, #tpu.memory_space<vmem_shared>>) offsets(%arg17 : memref<80xi32, #tpu.memory_space<vmem>>) semaphore(%arg34 : memref<!tpu.dma_semaphore, #tpu.memory_space<semaphore_mem>>) {add = true}
      %mul3A_1070 = arith.constant 6 : i32
      %mul3A_1071 = arith.muli %mul3A_1070, %scan3A_1004 : i32
      %add3A_1072 = arith.constant 5 : i32
      %add3A_1073 = arith.addi %add3A_1072, %mul3A_1071 : i32
      %add3A_1074 = arith.constant 1 : i32
      %add3A_1075 = arith.addi %add3A_1073, %add3A_1074 : i32
      %dma_wait3A_1076 = arith.constant 0 : i32
      %dma_wait3A_1077 = arith.constant 0 : i32
      %dma_wait3A_1078 = tpu.memref_slice %arg22[%dma_wait3A_1076, %dma_wait3A_1077] : memref<10240x128xf32, #tpu.memory_space<vmem_shared>> -> memref<10240x128xf32, #tpu.memory_space<vmem_shared>>
      tpu.wait_indirect_dma semaphore(%arg34 : memref<!tpu.dma_semaphore, #tpu.memory_space<semaphore_mem>>) src(%arg20 : memref<80x128xf32, #tpu.memory_space<vmem>>) dst(%dma_wait3A_1078 : memref<10240x128xf32, #tpu.memory_space<vmem_shared>>)
      %add3A_1079 = arith.constant 2 : i32
      %add3A_1080 = arith.addi %add3A_1075, %add3A_1079 : i32
      %ge3A_1081 = arith.constant 125 : i32
      %ge3A_1082 = arith.cmpi sge, %add3A_1080, %ge3A_1081 : i32
      %jit3A_1083 = arith.constant 0 : i32
      %select_n3A_1084 = arith.select %ge3A_1082, %jit3A_1083, %add3A_1080 : i32
      %mul3A_1085 = arith.constant 10000 : i32
      %mul3A_1086 = arith.muli %add3A, %mul3A_1085 : i32
      %mul3A_1087 = arith.constant 80 : i32
      %mul3A_1088 = arith.muli %select_n3A_1084, %mul3A_1087 : i32
      %add3A_1089 = arith.addi %mul3A_1086, %mul3A_1088 : i32
      %dma_wait3A_1090 = tpu.memref_slice %arg4[%add3A_1089] : memref<320000xi32, #tpu.memory_space<hbm>> -> memref<80xi32, #tpu.memory_space<hbm>>
      %dma_wait3A_1091 = tpu.memref_slice %arg4[%add3A_1089] : memref<320000xi32, #tpu.memory_space<hbm>> -> memref<80xi32, #tpu.memory_space<hbm>>
      tpu.wait_dma2 semaphore(%arg25 : memref<!tpu.dma_semaphore, #tpu.memory_space<semaphore_mem>>) src(%dma_wait3A_1091 : memref<80xi32, #tpu.memory_space<hbm>>) dst(%arg8 : memref<80xi32, #tpu.memory_space<vmem>>)
      %ge3A_1092 = arith.constant 125 : i32
      %ge3A_1093 = arith.cmpi sge, %add3A_1080, %ge3A_1092 : i32
      %jit3A_1094 = arith.constant 0 : i32
      %select_n3A_1095 = arith.select %ge3A_1093, %jit3A_1094, %add3A_1080 : i32
      %mul3A_1096 = arith.constant 10000 : i32
      %mul3A_1097 = arith.muli %add3A, %mul3A_1096 : i32
      %mul3A_1098 = arith.constant 80 : i32
      %mul3A_1099 = arith.muli %select_n3A_1095, %mul3A_1098 : i32
      %add3A_1100 = arith.addi %mul3A_1097, %mul3A_1099 : i32
      %dma_wait3A_1101 = tpu.memref_slice %arg3[%add3A_1100] : memref<320000xi32, #tpu.memory_space<hbm>> -> memref<80xi32, #tpu.memory_space<hbm>>
      %dma_wait3A_1102 = tpu.memref_slice %arg3[%add3A_1100] : memref<320000xi32, #tpu.memory_space<hbm>> -> memref<80xi32, #tpu.memory_space<hbm>>
      tpu.wait_dma2 semaphore(%arg25 : memref<!tpu.dma_semaphore, #tpu.memory_space<semaphore_mem>>) src(%dma_wait3A_1102 : memref<80xi32, #tpu.memory_space<hbm>>) dst(%arg14 : memref<80xi32, #tpu.memory_space<vmem>>)
      %dma_start3A_1103 = arith.constant 0 : i32
      %dma_start3A_1104 = arith.constant 0 : i32
      %dma_start3A_1105 = tpu.memref_slice %arg2[%dma_start3A_1103, %dma_start3A_1104] : memref<10000x128xf32, #tpu.memory_space<hbm>> -> memref<10000x128xf32, #tpu.memory_space<hbm>>
      tpu.enqueue_indirect_dma source(%dma_start3A_1105 : memref<10000x128xf32, #tpu.memory_space<hbm>>) target(%arg20 : memref<80x128xf32, #tpu.memory_space<vmem>>) offsets(%arg8 : memref<80xi32, #tpu.memory_space<vmem>>) semaphore(%arg31 : memref<!tpu.dma_semaphore, #tpu.memory_space<semaphore_mem>>)
      %add3A_1106 = arith.constant 5 : i32
      %add3A_1107 = arith.addi %add3A_1075, %add3A_1106 : i32
      %ge3A_1108 = arith.constant 125 : i32
      %ge3A_1109 = arith.cmpi sge, %add3A_1107, %ge3A_1108 : i32
      %jit3A_1110 = arith.constant 0 : i32
      %select_n3A_1111 = arith.select %ge3A_1109, %jit3A_1110, %add3A_1107 : i32
      %mul3A_1112 = arith.constant 10000 : i32
      %mul3A_1113 = arith.muli %add3A, %mul3A_1112 : i32
      %mul3A_1114 = arith.constant 80 : i32
      %mul3A_1115 = arith.muli %select_n3A_1111, %mul3A_1114 : i32
      %add3A_1116 = arith.addi %mul3A_1113, %mul3A_1115 : i32
      %dma_start3A_1117 = tpu.memref_slice %arg4[%add3A_1116] : memref<320000xi32, #tpu.memory_space<hbm>> -> memref<80xi32, #tpu.memory_space<hbm>>
      %dma_start3A_1118 = tpu.memref_slice %arg4[%add3A_1116] : memref<320000xi32, #tpu.memory_space<hbm>> -> memref<80xi32, #tpu.memory_space<hbm>>
      tpu.enqueue_dma source(%dma_start3A_1118 : memref<80xi32, #tpu.memory_space<hbm>>) target(%arg11 : memref<80xi32, #tpu.memory_space<vmem>>) target_semaphore(%arg28 : memref<!tpu.dma_semaphore, #tpu.memory_space<semaphore_mem>>)
      %ge3A_1119 = arith.constant 125 : i32
      %ge3A_1120 = arith.cmpi sge, %add3A_1107, %ge3A_1119 : i32
      %jit3A_1121 = arith.constant 0 : i32
      %select_n3A_1122 = arith.select %ge3A_1120, %jit3A_1121, %add3A_1107 : i32
      %mul3A_1123 = arith.constant 10000 : i32
      %mul3A_1124 = arith.muli %add3A, %mul3A_1123 : i32
      %mul3A_1125 = arith.constant 80 : i32
      %mul3A_1126 = arith.muli %select_n3A_1122, %mul3A_1125 : i32
      %add3A_1127 = arith.addi %mul3A_1124, %mul3A_1126 : i32
      %dma_start3A_1128 = tpu.memref_slice %arg3[%add3A_1127] : memref<320000xi32, #tpu.memory_space<hbm>> -> memref<80xi32, #tpu.memory_space<hbm>>
      %dma_start3A_1129 = tpu.memref_slice %arg3[%add3A_1127] : memref<320000xi32, #tpu.memory_space<hbm>> -> memref<80xi32, #tpu.memory_space<hbm>>
      tpu.enqueue_dma source(%dma_start3A_1129 : memref<80xi32, #tpu.memory_space<hbm>>) target(%arg17 : memref<80xi32, #tpu.memory_space<vmem>>) target_semaphore(%arg28 : memref<!tpu.dma_semaphore, #tpu.memory_space<semaphore_mem>>)
      %dma_wait3A_1130 = arith.constant 0 : i32
      %dma_wait3A_1131 = arith.constant 0 : i32
      %dma_wait3A_1132 = tpu.memref_slice %arg2[%dma_wait3A_1130, %dma_wait3A_1131] : memref<10000x128xf32, #tpu.memory_space<hbm>> -> memref<10000x128xf32, #tpu.memory_space<hbm>>
      tpu.wait_indirect_dma semaphore(%arg29 : memref<!tpu.dma_semaphore, #tpu.memory_space<semaphore_mem>>) src(%dma_wait3A_1132 : memref<10000x128xf32, #tpu.memory_space<hbm>>) dst(%arg18 : memref<80x128xf32, #tpu.memory_space<vmem>>)
      %dma_start3A_1133 = arith.constant 0 : i32
      %dma_start3A_1134 = arith.constant 0 : i32
      %dma_start3A_1135 = tpu.memref_slice %arg22[%dma_start3A_1133, %dma_start3A_1134] : memref<10240x128xf32, #tpu.memory_space<vmem_shared>> -> memref<10240x128xf32, #tpu.memory_space<vmem_shared>>
      tpu.enqueue_indirect_dma source(%arg18 : memref<80x128xf32, #tpu.memory_space<vmem>>) target(%dma_start3A_1135 : memref<10240x128xf32, #tpu.memory_space<vmem_shared>>) offsets(%arg12 : memref<80xi32, #tpu.memory_space<vmem>>) semaphore(%arg32 : memref<!tpu.dma_semaphore, #tpu.memory_space<semaphore_mem>>) {add = true}
      %mul3A_1136 = arith.constant 6 : i32
      %mul3A_1137 = arith.muli %mul3A_1136, %scan3A_1004 : i32
      %add3A_1138 = arith.constant 5 : i32
      %add3A_1139 = arith.addi %add3A_1138, %mul3A_1137 : i32
      %add3A_1140 = arith.constant 2 : i32
      %add3A_1141 = arith.addi %add3A_1139, %add3A_1140 : i32
      %dma_wait3A_1142 = arith.constant 0 : i32
      %dma_wait3A_1143 = arith.constant 0 : i32
      %dma_wait3A_1144 = tpu.memref_slice %arg22[%dma_wait3A_1142, %dma_wait3A_1143] : memref<10240x128xf32, #tpu.memory_space<vmem_shared>> -> memref<10240x128xf32, #tpu.memory_space<vmem_shared>>
      tpu.wait_indirect_dma semaphore(%arg32 : memref<!tpu.dma_semaphore, #tpu.memory_space<semaphore_mem>>) src(%arg18 : memref<80x128xf32, #tpu.memory_space<vmem>>) dst(%dma_wait3A_1144 : memref<10240x128xf32, #tpu.memory_space<vmem_shared>>)
      %add3A_1145 = arith.constant 2 : i32
      %add3A_1146 = arith.addi %add3A_1141, %add3A_1145 : i32
      %ge3A_1147 = arith.constant 125 : i32
      %ge3A_1148 = arith.cmpi sge, %add3A_1146, %ge3A_1147 : i32
      %jit3A_1149 = arith.constant 0 : i32
      %select_n3A_1150 = arith.select %ge3A_1148, %jit3A_1149, %add3A_1146 : i32
      %mul3A_1151 = arith.constant 10000 : i32
      %mul3A_1152 = arith.muli %add3A, %mul3A_1151 : i32
      %mul3A_1153 = arith.constant 80 : i32
      %mul3A_1154 = arith.muli %select_n3A_1150, %mul3A_1153 : i32
      %add3A_1155 = arith.addi %mul3A_1152, %mul3A_1154 : i32
      %dma_wait3A_1156 = tpu.memref_slice %arg4[%add3A_1155] : memref<320000xi32, #tpu.memory_space<hbm>> -> memref<80xi32, #tpu.memory_space<hbm>>
      %dma_wait3A_1157 = tpu.memref_slice %arg4[%add3A_1155] : memref<320000xi32, #tpu.memory_space<hbm>> -> memref<80xi32, #tpu.memory_space<hbm>>
      tpu.wait_dma2 semaphore(%arg26 : memref<!tpu.dma_semaphore, #tpu.memory_space<semaphore_mem>>) src(%dma_wait3A_1157 : memref<80xi32, #tpu.memory_space<hbm>>) dst(%arg9 : memref<80xi32, #tpu.memory_space<vmem>>)
      %ge3A_1158 = arith.constant 125 : i32
      %ge3A_1159 = arith.cmpi sge, %add3A_1146, %ge3A_1158 : i32
      %jit3A_1160 = arith.constant 0 : i32
      %select_n3A_1161 = arith.select %ge3A_1159, %jit3A_1160, %add3A_1146 : i32
      %mul3A_1162 = arith.constant 10000 : i32
      %mul3A_1163 = arith.muli %add3A, %mul3A_1162 : i32
      %mul3A_1164 = arith.constant 80 : i32
      %mul3A_1165 = arith.muli %select_n3A_1161, %mul3A_1164 : i32
      %add3A_1166 = arith.addi %mul3A_1163, %mul3A_1165 : i32
      %dma_wait3A_1167 = tpu.memref_slice %arg3[%add3A_1166] : memref<320000xi32, #tpu.memory_space<hbm>> -> memref<80xi32, #tpu.memory_space<hbm>>
      %dma_wait3A_1168 = tpu.memref_slice %arg3[%add3A_1166] : memref<320000xi32, #tpu.memory_space<hbm>> -> memref<80xi32, #tpu.memory_space<hbm>>
      tpu.wait_dma2 semaphore(%arg26 : memref<!tpu.dma_semaphore, #tpu.memory_space<semaphore_mem>>) src(%dma_wait3A_1168 : memref<80xi32, #tpu.memory_space<hbm>>) dst(%arg15 : memref<80xi32, #tpu.memory_space<vmem>>)
      %dma_start3A_1169 = arith.constant 0 : i32
      %dma_start3A_1170 = arith.constant 0 : i32
      %dma_start3A_1171 = tpu.memref_slice %arg2[%dma_start3A_1169, %dma_start3A_1170] : memref<10000x128xf32, #tpu.memory_space<hbm>> -> memref<10000x128xf32, #tpu.memory_space<hbm>>
      tpu.enqueue_indirect_dma source(%dma_start3A_1171 : memref<10000x128xf32, #tpu.memory_space<hbm>>) target(%arg18 : memref<80x128xf32, #tpu.memory_space<vmem>>) offsets(%arg9 : memref<80xi32, #tpu.memory_space<vmem>>) semaphore(%arg29 : memref<!tpu.dma_semaphore, #tpu.memory_space<semaphore_mem>>)
      %add3A_1172 = arith.constant 5 : i32
      %add3A_1173 = arith.addi %add3A_1141, %add3A_1172 : i32
      %ge3A_1174 = arith.constant 125 : i32
      %ge3A_1175 = arith.cmpi sge, %add3A_1173, %ge3A_1174 : i32
      %jit3A_1176 = arith.constant 0 : i32
      %select_n3A_1177 = arith.select %ge3A_1175, %jit3A_1176, %add3A_1173 : i32
      %mul3A_1178 = arith.constant 10000 : i32
      %mul3A_1179 = arith.muli %add3A, %mul3A_1178 : i32
      %mul3A_1180 = arith.constant 80 : i32
      %mul3A_1181 = arith.muli %select_n3A_1177, %mul3A_1180 : i32
      %add3A_1182 = arith.addi %mul3A_1179, %mul3A_1181 : i32
      %dma_start3A_1183 = tpu.memref_slice %arg4[%add3A_1182] : memref<320000xi32, #tpu.memory_space<hbm>> -> memref<80xi32, #tpu.memory_space<hbm>>
      %dma_start3A_1184 = tpu.memref_slice %arg4[%add3A_1182] : memref<320000xi32, #tpu.memory_space<hbm>> -> memref<80xi32, #tpu.memory_space<hbm>>
      tpu.enqueue_dma source(%dma_start3A_1184 : memref<80xi32, #tpu.memory_space<hbm>>) target(%arg6 : memref<80xi32, #tpu.memory_space<vmem>>) target_semaphore(%arg23 : memref<!tpu.dma_semaphore, #tpu.memory_space<semaphore_mem>>)
      %ge3A_1185 = arith.constant 125 : i32
      %ge3A_1186 = arith.cmpi sge, %add3A_1173, %ge3A_1185 : i32
      %jit3A_1187 = arith.constant 0 : i32
      %select_n3A_1188 = arith.select %ge3A_1186, %jit3A_1187, %add3A_1173 : i32
      %mul3A_1189 = arith.constant 10000 : i32
      %mul3A_1190 = arith.muli %add3A, %mul3A_1189 : i32
      %mul3A_1191 = arith.constant 80 : i32
      %mul3A_1192 = arith.muli %select_n3A_1188, %mul3A_1191 : i32
      %add3A_1193 = arith.addi %mul3A_1190, %mul3A_1192 : i32
      %dma_start3A_1194 = tpu.memref_slice %arg3[%add3A_1193] : memref<320000xi32, #tpu.memory_space<hbm>> -> memref<80xi32, #tpu.memory_space<hbm>>
      %dma_start3A_1195 = tpu.memref_slice %arg3[%add3A_1193] : memref<320000xi32, #tpu.memory_space<hbm>> -> memref<80xi32, #tpu.memory_space<hbm>>
      tpu.enqueue_dma source(%dma_start3A_1195 : memref<80xi32, #tpu.memory_space<hbm>>) target(%arg12 : memref<80xi32, #tpu.memory_space<vmem>>) target_semaphore(%arg23 : memref<!tpu.dma_semaphore, #tpu.memory_space<semaphore_mem>>)
      %dma_wait3A_1196 = arith.constant 0 : i32
      %dma_wait3A_1197 = arith.constant 0 : i32
      %dma_wait3A_1198 = tpu.memref_slice %arg2[%dma_wait3A_1196, %dma_wait3A_1197] : memref<10000x128xf32, #tpu.memory_space<hbm>> -> memref<10000x128xf32, #tpu.memory_space<hbm>>
      tpu.wait_indirect_dma semaphore(%arg30 : memref<!tpu.dma_semaphore, #tpu.memory_space<semaphore_mem>>) src(%dma_wait3A_1198 : memref<10000x128xf32, #tpu.memory_space<hbm>>) dst(%arg19 : memref<80x128xf32, #tpu.memory_space<vmem>>)
      %dma_start3A_1199 = arith.constant 0 : i32
      %dma_start3A_1200 = arith.constant 0 : i32
      %dma_start3A_1201 = tpu.memref_slice %arg22[%dma_start3A_1199, %dma_start3A_1200] : memref<10240x128xf32, #tpu.memory_space<vmem_shared>> -> memref<10240x128xf32, #tpu.memory_space<vmem_shared>>
      tpu.enqueue_indirect_dma source(%arg19 : memref<80x128xf32, #tpu.memory_space<vmem>>) target(%dma_start3A_1201 : memref<10240x128xf32, #tpu.memory_space<vmem_shared>>) offsets(%arg13 : memref<80xi32, #tpu.memory_space<vmem>>) semaphore(%arg33 : memref<!tpu.dma_semaphore, #tpu.memory_space<semaphore_mem>>) {add = true}
      %mul3A_1202 = arith.constant 6 : i32
      %mul3A_1203 = arith.muli %mul3A_1202, %scan3A_1004 : i32
      %add3A_1204 = arith.constant 5 : i32
      %add3A_1205 = arith.addi %add3A_1204, %mul3A_1203 : i32
      %add3A_1206 = arith.constant 3 : i32
      %add3A_1207 = arith.addi %add3A_1205, %add3A_1206 : i32
      %dma_wait3A_1208 = arith.constant 0 : i32
      %dma_wait3A_1209 = arith.constant 0 : i32
      %dma_wait3A_1210 = tpu.memref_slice %arg22[%dma_wait3A_1208, %dma_wait3A_1209] : memref<10240x128xf32, #tpu.memory_space<vmem_shared>> -> memref<10240x128xf32, #tpu.memory_space<vmem_shared>>
      tpu.wait_indirect_dma semaphore(%arg33 : memref<!tpu.dma_semaphore, #tpu.memory_space<semaphore_mem>>) src(%arg19 : memref<80x128xf32, #tpu.memory_space<vmem>>) dst(%dma_wait3A_1210 : memref<10240x128xf32, #tpu.memory_space<vmem_shared>>)
      %add3A_1211 = arith.constant 2 : i32
      %add3A_1212 = arith.addi %add3A_1207, %add3A_1211 : i32
      %ge3A_1213 = arith.constant 125 : i32
      %ge3A_1214 = arith.cmpi sge, %add3A_1212, %ge3A_1213 : i32
      %jit3A_1215 = arith.constant 0 : i32
      %select_n3A_1216 = arith.select %ge3A_1214, %jit3A_1215, %add3A_1212 : i32
      %mul3A_1217 = arith.constant 10000 : i32
      %mul3A_1218 = arith.muli %add3A, %mul3A_1217 : i32
      %mul3A_1219 = arith.constant 80 : i32
      %mul3A_1220 = arith.muli %select_n3A_1216, %mul3A_1219 : i32
      %add3A_1221 = arith.addi %mul3A_1218, %mul3A_1220 : i32
      %dma_wait3A_1222 = tpu.memref_slice %arg4[%add3A_1221] : memref<320000xi32, #tpu.memory_space<hbm>> -> memref<80xi32, #tpu.memory_space<hbm>>
      %dma_wait3A_1223 = tpu.memref_slice %arg4[%add3A_1221] : memref<320000xi32, #tpu.memory_space<hbm>> -> memref<80xi32, #tpu.memory_space<hbm>>
      tpu.wait_dma2 semaphore(%arg27 : memref<!tpu.dma_semaphore, #tpu.memory_space<semaphore_mem>>) src(%dma_wait3A_1223 : memref<80xi32, #tpu.memory_space<hbm>>) dst(%arg10 : memref<80xi32, #tpu.memory_space<vmem>>)
      %ge3A_1224 = arith.constant 125 : i32
      %ge3A_1225 = arith.cmpi sge, %add3A_1212, %ge3A_1224 : i32
      %jit3A_1226 = arith.constant 0 : i32
      %select_n3A_1227 = arith.select %ge3A_1225, %jit3A_1226, %add3A_1212 : i32
      %mul3A_1228 = arith.constant 10000 : i32
      %mul3A_1229 = arith.muli %add3A, %mul3A_1228 : i32
      %mul3A_1230 = arith.constant 80 : i32
      %mul3A_1231 = arith.muli %select_n3A_1227, %mul3A_1230 : i32
      %add3A_1232 = arith.addi %mul3A_1229, %mul3A_1231 : i32
      %dma_wait3A_1233 = tpu.memref_slice %arg3[%add3A_1232] : memref<320000xi32, #tpu.memory_space<hbm>> -> memref<80xi32, #tpu.memory_space<hbm>>
      %dma_wait3A_1234 = tpu.memref_slice %arg3[%add3A_1232] : memref<320000xi32, #tpu.memory_space<hbm>> -> memref<80xi32, #tpu.memory_space<hbm>>
      tpu.wait_dma2 semaphore(%arg27 : memref<!tpu.dma_semaphore, #tpu.memory_space<semaphore_mem>>) src(%dma_wait3A_1234 : memref<80xi32, #tpu.memory_space<hbm>>) dst(%arg16 : memref<80xi32, #tpu.memory_space<vmem>>)
      %dma_start3A_1235 = arith.constant 0 : i32
      %dma_start3A_1236 = arith.constant 0 : i32
      %dma_start3A_1237 = tpu.memref_slice %arg2[%dma_start3A_1235, %dma_start3A_1236] : memref<10000x128xf32, #tpu.memory_space<hbm>> -> memref<10000x128xf32, #tpu.memory_space<hbm>>
      tpu.enqueue_indirect_dma source(%dma_start3A_1237 : memref<10000x128xf32, #tpu.memory_space<hbm>>) target(%arg19 : memref<80x128xf32, #tpu.memory_space<vmem>>) offsets(%arg10 : memref<80xi32, #tpu.memory_space<vmem>>) semaphore(%arg30 : memref<!tpu.dma_semaphore, #tpu.memory_space<semaphore_mem>>)
      %add3A_1238 = arith.constant 5 : i32
      %add3A_1239 = arith.addi %add3A_1207, %add3A_1238 : i32
      %ge3A_1240 = arith.constant 125 : i32
      %ge3A_1241 = arith.cmpi sge, %add3A_1239, %ge3A_1240 : i32
      %jit3A_1242 = arith.constant 0 : i32
      %select_n3A_1243 = arith.select %ge3A_1241, %jit3A_1242, %add3A_1239 : i32
      %mul3A_1244 = arith.constant 10000 : i32
      %mul3A_1245 = arith.muli %add3A, %mul3A_1244 : i32
      %mul3A_1246 = arith.constant 80 : i32
      %mul3A_1247 = arith.muli %select_n3A_1243, %mul3A_1246 : i32
      %add3A_1248 = arith.addi %mul3A_1245, %mul3A_1247 : i32
      %dma_start3A_1249 = tpu.memref_slice %arg4[%add3A_1248] : memref<320000xi32, #tpu.memory_space<hbm>> -> memref<80xi32, #tpu.memory_space<hbm>>
      %dma_start3A_1250 = tpu.memref_slice %arg4[%add3A_1248] : memref<320000xi32, #tpu.memory_space<hbm>> -> memref<80xi32, #tpu.memory_space<hbm>>
      tpu.enqueue_dma source(%dma_start3A_1250 : memref<80xi32, #tpu.memory_space<hbm>>) target(%arg7 : memref<80xi32, #tpu.memory_space<vmem>>) target_semaphore(%arg24 : memref<!tpu.dma_semaphore, #tpu.memory_space<semaphore_mem>>)
      %ge3A_1251 = arith.constant 125 : i32
      %ge3A_1252 = arith.cmpi sge, %add3A_1239, %ge3A_1251 : i32
      %jit3A_1253 = arith.constant 0 : i32
      %select_n3A_1254 = arith.select %ge3A_1252, %jit3A_1253, %add3A_1239 : i32
      %mul3A_1255 = arith.constant 10000 : i32
      %mul3A_1256 = arith.muli %add3A, %mul3A_1255 : i32
      %mul3A_1257 = arith.constant 80 : i32
      %mul3A_1258 = arith.muli %select_n3A_1254, %mul3A_1257 : i32
      %add3A_1259 = arith.addi %mul3A_1256, %mul3A_1258 : i32
      %dma_start3A_1260 = tpu.memref_slice %arg3[%add3A_1259] : memref<320000xi32, #tpu.memory_space<hbm>> -> memref<80xi32, #tpu.memory_space<hbm>>
      %dma_start3A_1261 = tpu.memref_slice %arg3[%add3A_1259] : memref<320000xi32, #tpu.memory_space<hbm>> -> memref<80xi32, #tpu.memory_space<hbm>>
      tpu.enqueue_dma source(%dma_start3A_1261 : memref<80xi32, #tpu.memory_space<hbm>>) target(%arg13 : memref<80xi32, #tpu.memory_space<vmem>>) target_semaphore(%arg24 : memref<!tpu.dma_semaphore, #tpu.memory_space<semaphore_mem>>)
      %dma_wait3A_1262 = arith.constant 0 : i32
      %dma_wait3A_1263 = arith.constant 0 : i32
      %dma_wait3A_1264 = tpu.memref_slice %arg2[%dma_wait3A_1262, %dma_wait3A_1263] : memref<10000x128xf32, #tpu.memory_space<hbm>> -> memref<10000x128xf32, #tpu.memory_space<hbm>>
      tpu.wait_indirect_dma semaphore(%arg31 : memref<!tpu.dma_semaphore, #tpu.memory_space<semaphore_mem>>) src(%dma_wait3A_1264 : memref<10000x128xf32, #tpu.memory_space<hbm>>) dst(%arg20 : memref<80x128xf32, #tpu.memory_space<vmem>>)
      %dma_start3A_1265 = arith.constant 0 : i32
      %dma_start3A_1266 = arith.constant 0 : i32
      %dma_start3A_1267 = tpu.memref_slice %arg22[%dma_start3A_1265, %dma_start3A_1266] : memref<10240x128xf32, #tpu.memory_space<vmem_shared>> -> memref<10240x128xf32, #tpu.memory_space<vmem_shared>>
      tpu.enqueue_indirect_dma source(%arg20 : memref<80x128xf32, #tpu.memory_space<vmem>>) target(%dma_start3A_1267 : memref<10240x128xf32, #tpu.memory_space<vmem_shared>>) offsets(%arg14 : memref<80xi32, #tpu.memory_space<vmem>>) semaphore(%arg34 : memref<!tpu.dma_semaphore, #tpu.memory_space<semaphore_mem>>) {add = true}
      %mul3A_1268 = arith.constant 6 : i32
      %mul3A_1269 = arith.muli %mul3A_1268, %scan3A_1004 : i32
      %add3A_1270 = arith.constant 5 : i32
      %add3A_1271 = arith.addi %add3A_1270, %mul3A_1269 : i32
      %add3A_1272 = arith.constant 4 : i32
      %add3A_1273 = arith.addi %add3A_1271, %add3A_1272 : i32
      %dma_wait3A_1274 = arith.constant 0 : i32
      %dma_wait3A_1275 = arith.constant 0 : i32
      %dma_wait3A_1276 = tpu.memref_slice %arg22[%dma_wait3A_1274, %dma_wait3A_1275] : memref<10240x128xf32, #tpu.memory_space<vmem_shared>> -> memref<10240x128xf32, #tpu.memory_space<vmem_shared>>
      tpu.wait_indirect_dma semaphore(%arg34 : memref<!tpu.dma_semaphore, #tpu.memory_space<semaphore_mem>>) src(%arg20 : memref<80x128xf32, #tpu.memory_space<vmem>>) dst(%dma_wait3A_1276 : memref<10240x128xf32, #tpu.memory_space<vmem_shared>>)
      %add3A_1277 = arith.constant 2 : i32
      %add3A_1278 = arith.addi %add3A_1273, %add3A_1277 : i32
      %ge3A_1279 = arith.constant 125 : i32
      %ge3A_1280 = arith.cmpi sge, %add3A_1278, %ge3A_1279 : i32
      %jit3A_1281 = arith.constant 0 : i32
      %select_n3A_1282 = arith.select %ge3A_1280, %jit3A_1281, %add3A_1278 : i32
      %mul3A_1283 = arith.constant 10000 : i32
      %mul3A_1284 = arith.muli %add3A, %mul3A_1283 : i32
      %mul3A_1285 = arith.constant 80 : i32
      %mul3A_1286 = arith.muli %select_n3A_1282, %mul3A_1285 : i32
      %add3A_1287 = arith.addi %mul3A_1284, %mul3A_1286 : i32
      %dma_wait3A_1288 = tpu.memref_slice %arg4[%add3A_1287] : memref<320000xi32, #tpu.memory_space<hbm>> -> memref<80xi32, #tpu.memory_space<hbm>>
      %dma_wait3A_1289 = tpu.memref_slice %arg4[%add3A_1287] : memref<320000xi32, #tpu.memory_space<hbm>> -> memref<80xi32, #tpu.memory_space<hbm>>
      tpu.wait_dma2 semaphore(%arg28 : memref<!tpu.dma_semaphore, #tpu.memory_space<semaphore_mem>>) src(%dma_wait3A_1289 : memref<80xi32, #tpu.memory_space<hbm>>) dst(%arg11 : memref<80xi32, #tpu.memory_space<vmem>>)
      %ge3A_1290 = arith.constant 125 : i32
      %ge3A_1291 = arith.cmpi sge, %add3A_1278, %ge3A_1290 : i32
      %jit3A_1292 = arith.constant 0 : i32
      %select_n3A_1293 = arith.select %ge3A_1291, %jit3A_1292, %add3A_1278 : i32
      %mul3A_1294 = arith.constant 10000 : i32
      %mul3A_1295 = arith.muli %add3A, %mul3A_1294 : i32
      %mul3A_1296 = arith.constant 80 : i32
      %mul3A_1297 = arith.muli %select_n3A_1293, %mul3A_1296 : i32
      %add3A_1298 = arith.addi %mul3A_1295, %mul3A_1297 : i32
      %dma_wait3A_1299 = tpu.memref_slice %arg3[%add3A_1298] : memref<320000xi32, #tpu.memory_space<hbm>> -> memref<80xi32, #tpu.memory_space<hbm>>
      %dma_wait3A_1300 = tpu.memref_slice %arg3[%add3A_1298] : memref<320000xi32, #tpu.memory_space<hbm>> -> memref<80xi32, #tpu.memory_space<hbm>>
      tpu.wait_dma2 semaphore(%arg28 : memref<!tpu.dma_semaphore, #tpu.memory_space<semaphore_mem>>) src(%dma_wait3A_1300 : memref<80xi32, #tpu.memory_space<hbm>>) dst(%arg17 : memref<80xi32, #tpu.memory_space<vmem>>)
      %dma_start3A_1301 = arith.constant 0 : i32
      %dma_start3A_1302 = arith.constant 0 : i32
      %dma_start3A_1303 = tpu.memref_slice %arg2[%dma_start3A_1301, %dma_start3A_1302] : memref<10000x128xf32, #tpu.memory_space<hbm>> -> memref<10000x128xf32, #tpu.memory_space<hbm>>
      tpu.enqueue_indirect_dma source(%dma_start3A_1303 : memref<10000x128xf32, #tpu.memory_space<hbm>>) target(%arg20 : memref<80x128xf32, #tpu.memory_space<vmem>>) offsets(%arg11 : memref<80xi32, #tpu.memory_space<vmem>>) semaphore(%arg31 : memref<!tpu.dma_semaphore, #tpu.memory_space<semaphore_mem>>)
      %add3A_1304 = arith.constant 5 : i32
      %add3A_1305 = arith.addi %add3A_1273, %add3A_1304 : i32
      %ge3A_1306 = arith.constant 125 : i32
      %ge3A_1307 = arith.cmpi sge, %add3A_1305, %ge3A_1306 : i32
      %jit3A_1308 = arith.constant 0 : i32
      %select_n3A_1309 = arith.select %ge3A_1307, %jit3A_1308, %add3A_1305 : i32
      %mul3A_1310 = arith.constant 10000 : i32
      %mul3A_1311 = arith.muli %add3A, %mul3A_1310 : i32
      %mul3A_1312 = arith.constant 80 : i32
      %mul3A_1313 = arith.muli %select_n3A_1309, %mul3A_1312 : i32
      %add3A_1314 = arith.addi %mul3A_1311, %mul3A_1313 : i32
      %dma_start3A_1315 = tpu.memref_slice %arg4[%add3A_1314] : memref<320000xi32, #tpu.memory_space<hbm>> -> memref<80xi32, #tpu.memory_space<hbm>>
      %dma_start3A_1316 = tpu.memref_slice %arg4[%add3A_1314] : memref<320000xi32, #tpu.memory_space<hbm>> -> memref<80xi32, #tpu.memory_space<hbm>>
      tpu.enqueue_dma source(%dma_start3A_1316 : memref<80xi32, #tpu.memory_space<hbm>>) target(%arg8 : memref<80xi32, #tpu.memory_space<vmem>>) target_semaphore(%arg25 : memref<!tpu.dma_semaphore, #tpu.memory_space<semaphore_mem>>)
      %ge3A_1317 = arith.constant 125 : i32
      %ge3A_1318 = arith.cmpi sge, %add3A_1305, %ge3A_1317 : i32
      %jit3A_1319 = arith.constant 0 : i32
      %select_n3A_1320 = arith.select %ge3A_1318, %jit3A_1319, %add3A_1305 : i32
      %mul3A_1321 = arith.constant 10000 : i32
      %mul3A_1322 = arith.muli %add3A, %mul3A_1321 : i32
      %mul3A_1323 = arith.constant 80 : i32
      %mul3A_1324 = arith.muli %select_n3A_1320, %mul3A_1323 : i32
      %add3A_1325 = arith.addi %mul3A_1322, %mul3A_1324 : i32
      %dma_start3A_1326 = tpu.memref_slice %arg3[%add3A_1325] : memref<320000xi32, #tpu.memory_space<hbm>> -> memref<80xi32, #tpu.memory_space<hbm>>
      %dma_start3A_1327 = tpu.memref_slice %arg3[%add3A_1325] : memref<320000xi32, #tpu.memory_space<hbm>> -> memref<80xi32, #tpu.memory_space<hbm>>
      tpu.enqueue_dma source(%dma_start3A_1327 : memref<80xi32, #tpu.memory_space<hbm>>) target(%arg14 : memref<80xi32, #tpu.memory_space<vmem>>) target_semaphore(%arg25 : memref<!tpu.dma_semaphore, #tpu.memory_space<semaphore_mem>>)
      %dma_wait3A_1328 = arith.constant 0 : i32
      %dma_wait3A_1329 = arith.constant 0 : i32
      %dma_wait3A_1330 = tpu.memref_slice %arg2[%dma_wait3A_1328, %dma_wait3A_1329] : memref<10000x128xf32, #tpu.memory_space<hbm>> -> memref<10000x128xf32, #tpu.memory_space<hbm>>
      tpu.wait_indirect_dma semaphore(%arg29 : memref<!tpu.dma_semaphore, #tpu.memory_space<semaphore_mem>>) src(%dma_wait3A_1330 : memref<10000x128xf32, #tpu.memory_space<hbm>>) dst(%arg18 : memref<80x128xf32, #tpu.memory_space<vmem>>)
      %dma_start3A_1331 = arith.constant 0 : i32
      %dma_start3A_1332 = arith.constant 0 : i32
      %dma_start3A_1333 = tpu.memref_slice %arg22[%dma_start3A_1331, %dma_start3A_1332] : memref<10240x128xf32, #tpu.memory_space<vmem_shared>> -> memref<10240x128xf32, #tpu.memory_space<vmem_shared>>
      tpu.enqueue_indirect_dma source(%arg18 : memref<80x128xf32, #tpu.memory_space<vmem>>) target(%dma_start3A_1333 : memref<10240x128xf32, #tpu.memory_space<vmem_shared>>) offsets(%arg15 : memref<80xi32, #tpu.memory_space<vmem>>) semaphore(%arg32 : memref<!tpu.dma_semaphore, #tpu.memory_space<semaphore_mem>>) {add = true}
      %mul3A_1334 = arith.constant 6 : i32
      %mul3A_1335 = arith.muli %mul3A_1334, %scan3A_1004 : i32
      %add3A_1336 = arith.constant 5 : i32
      %add3A_1337 = arith.addi %add3A_1336, %mul3A_1335 : i32
      %add3A_1338 = arith.constant 5 : i32
      %add3A_1339 = arith.addi %add3A_1337, %add3A_1338 : i32
      %dma_wait3A_1340 = arith.constant 0 : i32
      %dma_wait3A_1341 = arith.constant 0 : i32
      %dma_wait3A_1342 = tpu.memref_slice %arg22[%dma_wait3A_1340, %dma_wait3A_1341] : memref<10240x128xf32, #tpu.memory_space<vmem_shared>> -> memref<10240x128xf32, #tpu.memory_space<vmem_shared>>
      tpu.wait_indirect_dma semaphore(%arg32 : memref<!tpu.dma_semaphore, #tpu.memory_space<semaphore_mem>>) src(%arg18 : memref<80x128xf32, #tpu.memory_space<vmem>>) dst(%dma_wait3A_1342 : memref<10240x128xf32, #tpu.memory_space<vmem_shared>>)
      %add3A_1343 = arith.constant 2 : i32
      %add3A_1344 = arith.addi %add3A_1339, %add3A_1343 : i32
      %ge3A_1345 = arith.constant 125 : i32
      %ge3A_1346 = arith.cmpi sge, %add3A_1344, %ge3A_1345 : i32
      %jit3A_1347 = arith.constant 0 : i32
      %select_n3A_1348 = arith.select %ge3A_1346, %jit3A_1347, %add3A_1344 : i32
      %mul3A_1349 = arith.constant 10000 : i32
      %mul3A_1350 = arith.muli %add3A, %mul3A_1349 : i32
      %mul3A_1351 = arith.constant 80 : i32
      %mul3A_1352 = arith.muli %select_n3A_1348, %mul3A_1351 : i32
      %add3A_1353 = arith.addi %mul3A_1350, %mul3A_1352 : i32
      %dma_wait3A_1354 = tpu.memref_slice %arg4[%add3A_1353] : memref<320000xi32, #tpu.memory_space<hbm>> -> memref<80xi32, #tpu.memory_space<hbm>>
      %dma_wait3A_1355 = tpu.memref_slice %arg4[%add3A_1353] : memref<320000xi32, #tpu.memory_space<hbm>> -> memref<80xi32, #tpu.memory_space<hbm>>
      tpu.wait_dma2 semaphore(%arg23 : memref<!tpu.dma_semaphore, #tpu.memory_space<semaphore_mem>>) src(%dma_wait3A_1355 : memref<80xi32, #tpu.memory_space<hbm>>) dst(%arg6 : memref<80xi32, #tpu.memory_space<vmem>>)
      %ge3A_1356 = arith.constant 125 : i32
      %ge3A_1357 = arith.cmpi sge, %add3A_1344, %ge3A_1356 : i32
      %jit3A_1358 = arith.constant 0 : i32
      %select_n3A_1359 = arith.select %ge3A_1357, %jit3A_1358, %add3A_1344 : i32
      %mul3A_1360 = arith.constant 10000 : i32
      %mul3A_1361 = arith.muli %add3A, %mul3A_1360 : i32
      %mul3A_1362 = arith.constant 80 : i32
      %mul3A_1363 = arith.muli %select_n3A_1359, %mul3A_1362 : i32
      %add3A_1364 = arith.addi %mul3A_1361, %mul3A_1363 : i32
      %dma_wait3A_1365 = tpu.memref_slice %arg3[%add3A_1364] : memref<320000xi32, #tpu.memory_space<hbm>> -> memref<80xi32, #tpu.memory_space<hbm>>
      %dma_wait3A_1366 = tpu.memref_slice %arg3[%add3A_1364] : memref<320000xi32, #tpu.memory_space<hbm>> -> memref<80xi32, #tpu.memory_space<hbm>>
      tpu.wait_dma2 semaphore(%arg23 : memref<!tpu.dma_semaphore, #tpu.memory_space<semaphore_mem>>) src(%dma_wait3A_1366 : memref<80xi32, #tpu.memory_space<hbm>>) dst(%arg12 : memref<80xi32, #tpu.memory_space<vmem>>)
      %dma_start3A_1367 = arith.constant 0 : i32
      %dma_start3A_1368 = arith.constant 0 : i32
      %dma_start3A_1369 = tpu.memref_slice %arg2[%dma_start3A_1367, %dma_start3A_1368] : memref<10000x128xf32, #tpu.memory_space<hbm>> -> memref<10000x128xf32, #tpu.memory_space<hbm>>
      tpu.enqueue_indirect_dma source(%dma_start3A_1369 : memref<10000x128xf32, #tpu.memory_space<hbm>>) target(%arg18 : memref<80x128xf32, #tpu.memory_space<vmem>>) offsets(%arg6 : memref<80xi32, #tpu.memory_space<vmem>>) semaphore(%arg29 : memref<!tpu.dma_semaphore, #tpu.memory_space<semaphore_mem>>)
      %add3A_1370 = arith.constant 5 : i32
      %add3A_1371 = arith.addi %add3A_1339, %add3A_1370 : i32
      %ge3A_1372 = arith.constant 125 : i32
      %ge3A_1373 = arith.cmpi sge, %add3A_1371, %ge3A_1372 : i32
      %jit3A_1374 = arith.constant 0 : i32
      %select_n3A_1375 = arith.select %ge3A_1373, %jit3A_1374, %add3A_1371 : i32
      %mul3A_1376 = arith.constant 10000 : i32
      %mul3A_1377 = arith.muli %add3A, %mul3A_1376 : i32
      %mul3A_1378 = arith.constant 80 : i32
      %mul3A_1379 = arith.muli %select_n3A_1375, %mul3A_1378 : i32
      %add3A_1380 = arith.addi %mul3A_1377, %mul3A_1379 : i32
      %dma_start3A_1381 = tpu.memref_slice %arg4[%add3A_1380] : memref<320000xi32, #tpu.memory_space<hbm>> -> memref<80xi32, #tpu.memory_space<hbm>>
      %dma_start3A_1382 = tpu.memref_slice %arg4[%add3A_1380] : memref<320000xi32, #tpu.memory_space<hbm>> -> memref<80xi32, #tpu.memory_space<hbm>>
      tpu.enqueue_dma source(%dma_start3A_1382 : memref<80xi32, #tpu.memory_space<hbm>>) target(%arg9 : memref<80xi32, #tpu.memory_space<vmem>>) target_semaphore(%arg26 : memref<!tpu.dma_semaphore, #tpu.memory_space<semaphore_mem>>)
      %ge3A_1383 = arith.constant 125 : i32
      %ge3A_1384 = arith.cmpi sge, %add3A_1371, %ge3A_1383 : i32
      %jit3A_1385 = arith.constant 0 : i32
      %select_n3A_1386 = arith.select %ge3A_1384, %jit3A_1385, %add3A_1371 : i32
      %mul3A_1387 = arith.constant 10000 : i32
      %mul3A_1388 = arith.muli %add3A, %mul3A_1387 : i32
      %mul3A_1389 = arith.constant 80 : i32
      %mul3A_1390 = arith.muli %select_n3A_1386, %mul3A_1389 : i32
      %add3A_1391 = arith.addi %mul3A_1388, %mul3A_1390 : i32
      %dma_start3A_1392 = tpu.memref_slice %arg3[%add3A_1391] : memref<320000xi32, #tpu.memory_space<hbm>> -> memref<80xi32, #tpu.memory_space<hbm>>
      %dma_start3A_1393 = tpu.memref_slice %arg3[%add3A_1391] : memref<320000xi32, #tpu.memory_space<hbm>> -> memref<80xi32, #tpu.memory_space<hbm>>
      tpu.enqueue_dma source(%dma_start3A_1393 : memref<80xi32, #tpu.memory_space<hbm>>) target(%arg15 : memref<80xi32, #tpu.memory_space<vmem>>) target_semaphore(%arg26 : memref<!tpu.dma_semaphore, #tpu.memory_space<semaphore_mem>>)
      %dma_wait3A_1394 = arith.constant 0 : i32
      %dma_wait3A_1395 = arith.constant 0 : i32
      %dma_wait3A_1396 = tpu.memref_slice %arg2[%dma_wait3A_1394, %dma_wait3A_1395] : memref<10000x128xf32, #tpu.memory_space<hbm>> -> memref<10000x128xf32, #tpu.memory_space<hbm>>
      tpu.wait_indirect_dma semaphore(%arg30 : memref<!tpu.dma_semaphore, #tpu.memory_space<semaphore_mem>>) src(%dma_wait3A_1396 : memref<10000x128xf32, #tpu.memory_space<hbm>>) dst(%arg19 : memref<80x128xf32, #tpu.memory_space<vmem>>)
      %dma_start3A_1397 = arith.constant 0 : i32
      %dma_start3A_1398 = arith.constant 0 : i32
      %dma_start3A_1399 = tpu.memref_slice %arg22[%dma_start3A_1397, %dma_start3A_1398] : memref<10240x128xf32, #tpu.memory_space<vmem_shared>> -> memref<10240x128xf32, #tpu.memory_space<vmem_shared>>
      tpu.enqueue_indirect_dma source(%arg19 : memref<80x128xf32, #tpu.memory_space<vmem>>) target(%dma_start3A_1399 : memref<10240x128xf32, #tpu.memory_space<vmem_shared>>) offsets(%arg16 : memref<80xi32, #tpu.memory_space<vmem>>) semaphore(%arg33 : memref<!tpu.dma_semaphore, #tpu.memory_space<semaphore_mem>>) {add = true}
    }
    %scan3A_927 = arith.constant 20 : i32
    %dma_wait3A_928 = arith.constant 0 : i32
    %dma_wait3A_929 = arith.constant 0 : i32
    %dma_wait3A_930 = tpu.memref_slice %arg22[%dma_wait3A_928, %dma_wait3A_929] : memref<10240x128xf32, #tpu.memory_space<vmem_shared>> -> memref<10240x128xf32, #tpu.memory_space<vmem_shared>>
    tpu.wait_indirect_dma semaphore(%arg33 : memref<!tpu.dma_semaphore, #tpu.memory_space<semaphore_mem>>) src(%arg19 : memref<80x128xf32, #tpu.memory_space<vmem>>) dst(%dma_wait3A_930 : memref<10240x128xf32, #tpu.memory_space<vmem_shared>>)
    %dma_wait3A_931 = arith.constant 0 : i32
    %dma_wait3A_932 = arith.constant 0 : i32
    %dma_wait3A_933 = tpu.memref_slice %arg2[%dma_wait3A_931, %dma_wait3A_932] : memref<10000x128xf32, #tpu.memory_space<hbm>> -> memref<10000x128xf32, #tpu.memory_space<hbm>>
    tpu.wait_indirect_dma semaphore(%arg31 : memref<!tpu.dma_semaphore, #tpu.memory_space<semaphore_mem>>) src(%dma_wait3A_933 : memref<10000x128xf32, #tpu.memory_space<hbm>>) dst(%arg20 : memref<80x128xf32, #tpu.memory_space<vmem>>)
    %dma_wait3A_934 = arith.constant 0 : i32
    %dma_wait3A_935 = arith.constant 0 : i32
    %dma_wait3A_936 = tpu.memref_slice %arg2[%dma_wait3A_934, %dma_wait3A_935] : memref<10000x128xf32, #tpu.memory_space<hbm>> -> memref<10000x128xf32, #tpu.memory_space<hbm>>
    tpu.wait_indirect_dma semaphore(%arg29 : memref<!tpu.dma_semaphore, #tpu.memory_space<semaphore_mem>>) src(%dma_wait3A_936 : memref<10000x128xf32, #tpu.memory_space<hbm>>) dst(%arg18 : memref<80x128xf32, #tpu.memory_space<vmem>>)
    %jit3A_937 = arith.constant true
    %jit3A_938 = arith.constant 0 : i32
    %jit3A_939 = arith.constant 127 : i32
    %select_n3A_940 = arith.select %jit3A_937, %jit3A_938, %jit3A_939 : i32
    %mul3A_941 = arith.constant 10000 : i32
    %mul3A_942 = arith.muli %add3A, %mul3A_941 : i32
    %mul3A_943 = arith.constant 80 : i32
    %mul3A_944 = arith.muli %select_n3A_940, %mul3A_943 : i32
    %add3A_945 = arith.addi %mul3A_942, %mul3A_944 : i32
    %dma_wait3A_946 = tpu.memref_slice %arg4[%add3A_945] : memref<320000xi32, #tpu.memory_space<hbm>> -> memref<80xi32, #tpu.memory_space<hbm>>
    %dma_wait3A_947 = tpu.memref_slice %arg4[%add3A_945] : memref<320000xi32, #tpu.memory_space<hbm>> -> memref<80xi32, #tpu.memory_space<hbm>>
    tpu.wait_dma2 semaphore(%arg24 : memref<!tpu.dma_semaphore, #tpu.memory_space<semaphore_mem>>) src(%dma_wait3A_947 : memref<80xi32, #tpu.memory_space<hbm>>) dst(%arg7 : memref<80xi32, #tpu.memory_space<vmem>>)
    %jit3A_948 = arith.constant true
    %jit3A_949 = arith.constant 0 : i32
    %jit3A_950 = arith.constant 127 : i32
    %select_n3A_951 = arith.select %jit3A_948, %jit3A_949, %jit3A_950 : i32
    %mul3A_952 = arith.constant 10000 : i32
    %mul3A_953 = arith.muli %add3A, %mul3A_952 : i32
    %mul3A_954 = arith.constant 80 : i32
    %mul3A_955 = arith.muli %select_n3A_951, %mul3A_954 : i32
    %add3A_956 = arith.addi %mul3A_953, %mul3A_955 : i32
    %dma_wait3A_957 = tpu.memref_slice %arg3[%add3A_956] : memref<320000xi32, #tpu.memory_space<hbm>> -> memref<80xi32, #tpu.memory_space<hbm>>
    %dma_wait3A_958 = tpu.memref_slice %arg3[%add3A_956] : memref<320000xi32, #tpu.memory_space<hbm>> -> memref<80xi32, #tpu.memory_space<hbm>>
    tpu.wait_dma2 semaphore(%arg24 : memref<!tpu.dma_semaphore, #tpu.memory_space<semaphore_mem>>) src(%dma_wait3A_958 : memref<80xi32, #tpu.memory_space<hbm>>) dst(%arg13 : memref<80xi32, #tpu.memory_space<vmem>>)
    %jit3A_959 = arith.constant true
    %jit3A_960 = arith.constant 0 : i32
    %jit3A_961 = arith.constant 128 : i32
    %select_n3A_962 = arith.select %jit3A_959, %jit3A_960, %jit3A_961 : i32
    %mul3A_963 = arith.constant 10000 : i32
    %mul3A_964 = arith.muli %add3A, %mul3A_963 : i32
    %mul3A_965 = arith.constant 80 : i32
    %mul3A_966 = arith.muli %select_n3A_962, %mul3A_965 : i32
    %add3A_967 = arith.addi %mul3A_964, %mul3A_966 : i32
    %dma_wait3A_968 = tpu.memref_slice %arg4[%add3A_967] : memref<320000xi32, #tpu.memory_space<hbm>> -> memref<80xi32, #tpu.memory_space<hbm>>
    %dma_wait3A_969 = tpu.memref_slice %arg4[%add3A_967] : memref<320000xi32, #tpu.memory_space<hbm>> -> memref<80xi32, #tpu.memory_space<hbm>>
    tpu.wait_dma2 semaphore(%arg25 : memref<!tpu.dma_semaphore, #tpu.memory_space<semaphore_mem>>) src(%dma_wait3A_969 : memref<80xi32, #tpu.memory_space<hbm>>) dst(%arg8 : memref<80xi32, #tpu.memory_space<vmem>>)
    %jit3A_970 = arith.constant true
    %jit3A_971 = arith.constant 0 : i32
    %jit3A_972 = arith.constant 128 : i32
    %select_n3A_973 = arith.select %jit3A_970, %jit3A_971, %jit3A_972 : i32
    %mul3A_974 = arith.constant 10000 : i32
    %mul3A_975 = arith.muli %add3A, %mul3A_974 : i32
    %mul3A_976 = arith.constant 80 : i32
    %mul3A_977 = arith.muli %select_n3A_973, %mul3A_976 : i32
    %add3A_978 = arith.addi %mul3A_975, %mul3A_977 : i32
    %dma_wait3A_979 = tpu.memref_slice %arg3[%add3A_978] : memref<320000xi32, #tpu.memory_space<hbm>> -> memref<80xi32, #tpu.memory_space<hbm>>
    %dma_wait3A_980 = tpu.memref_slice %arg3[%add3A_978] : memref<320000xi32, #tpu.memory_space<hbm>> -> memref<80xi32, #tpu.memory_space<hbm>>
    tpu.wait_dma2 semaphore(%arg25 : memref<!tpu.dma_semaphore, #tpu.memory_space<semaphore_mem>>) src(%dma_wait3A_980 : memref<80xi32, #tpu.memory_space<hbm>>) dst(%arg14 : memref<80xi32, #tpu.memory_space<vmem>>)
    %jit3A_981 = arith.constant true
    %jit3A_982 = arith.constant 0 : i32
    %jit3A_983 = arith.constant 129 : i32
    %select_n3A_984 = arith.select %jit3A_981, %jit3A_982, %jit3A_983 : i32
    %mul3A_985 = arith.constant 10000 : i32
    %mul3A_986 = arith.muli %add3A, %mul3A_985 : i32
    %mul3A_987 = arith.constant 80 : i32
    %mul3A_988 = arith.muli %select_n3A_984, %mul3A_987 : i32
    %add3A_989 = arith.addi %mul3A_986, %mul3A_988 : i32
    %dma_wait3A_990 = tpu.memref_slice %arg4[%add3A_989] : memref<320000xi32, #tpu.memory_space<hbm>> -> memref<80xi32, #tpu.memory_space<hbm>>
    %dma_wait3A_991 = tpu.memref_slice %arg4[%add3A_989] : memref<320000xi32, #tpu.memory_space<hbm>> -> memref<80xi32, #tpu.memory_space<hbm>>
    tpu.wait_dma2 semaphore(%arg26 : memref<!tpu.dma_semaphore, #tpu.memory_space<semaphore_mem>>) src(%dma_wait3A_991 : memref<80xi32, #tpu.memory_space<hbm>>) dst(%arg9 : memref<80xi32, #tpu.memory_space<vmem>>)
    %jit3A_992 = arith.constant true
    %jit3A_993 = arith.constant 0 : i32
    %jit3A_994 = arith.constant 129 : i32
    %select_n3A_995 = arith.select %jit3A_992, %jit3A_993, %jit3A_994 : i32
    %mul3A_996 = arith.constant 10000 : i32
    %mul3A_997 = arith.muli %add3A, %mul3A_996 : i32
    %mul3A_998 = arith.constant 80 : i32
    %mul3A_999 = arith.muli %select_n3A_995, %mul3A_998 : i32
    %add3A_1000 = arith.addi %mul3A_997, %mul3A_999 : i32
    %dma_wait3A_1001 = tpu.memref_slice %arg3[%add3A_1000] : memref<320000xi32, #tpu.memory_space<hbm>> -> memref<80xi32, #tpu.memory_space<hbm>>
    %dma_wait3A_1002 = tpu.memref_slice %arg3[%add3A_1000] : memref<320000xi32, #tpu.memory_space<hbm>> -> memref<80xi32, #tpu.memory_space<hbm>>
    tpu.wait_dma2 semaphore(%arg26 : memref<!tpu.dma_semaphore, #tpu.memory_space<semaphore_mem>>) src(%dma_wait3A_1002 : memref<80xi32, #tpu.memory_space<hbm>>) dst(%arg15 : memref<80xi32, #tpu.memory_space<vmem>>)
    %barrier3A_1003 = arith.constant 0 : index
    tpu.barrier barrier_id(%barrier3A_1003)
    "tpu.region"() ({
      %run_scoped3A = tpu.sem_alloc : memref<!tpu.dma_semaphore, #tpu.memory_space<semaphore_mem>>
      %dma_start3A_1004 = arith.constant 0 : i32
      %dma_start3A_1005 = tpu.memref_slice %arg5[%arg0, %mul3A_164, %dma_start3A_1004] : memref<2x10240x128xf32, #tpu.memory_space<hbm>> -> memref<1x640x128xf32, #tpu.memory_space<hbm>>
      %dma_start3A_1006 = tpu.memref_squeeze %dma_start3A_1005 : memref<1x640x128xf32, #tpu.memory_space<hbm>> -> memref<640x128xf32, #tpu.memory_space<hbm>>
      %dma_start3A_1007 = arith.constant 0 : i32
      %dma_start3A_1008 = tpu.memref_slice %arg22[%mul3A_164, %dma_start3A_1007] : memref<10240x128xf32, #tpu.memory_space<vmem_shared>> -> memref<640x128xf32, #tpu.memory_space<vmem_shared>>
      tpu.enqueue_dma source(%dma_start3A_1008 : memref<640x128xf32, #tpu.memory_space<vmem_shared>>) target(%dma_start3A_1006 : memref<640x128xf32, #tpu.memory_space<hbm>>) target_semaphore(%run_scoped3A : memref<!tpu.dma_semaphore, #tpu.memory_space<semaphore_mem>>)
      %dma_wait3A_1009 = arith.constant 0 : i32
      %dma_wait3A_1010 = tpu.memref_slice %arg5[%arg0, %mul3A_164, %dma_wait3A_1009] : memref<2x10240x128xf32, #tpu.memory_space<hbm>> -> memref<1x640x128xf32, #tpu.memory_space<hbm>>
      %dma_wait3A_1011 = tpu.memref_squeeze %dma_wait3A_1010 : memref<1x640x128xf32, #tpu.memory_space<hbm>> -> memref<640x128xf32, #tpu.memory_space<hbm>>
      %dma_wait3A_1012 = arith.constant 0 : i32
      %dma_wait3A_1013 = tpu.memref_slice %arg22[%mul3A_164, %dma_wait3A_1012] : memref<10240x128xf32, #tpu.memory_space<vmem_shared>> -> memref<640x128xf32, #tpu.memory_space<vmem_shared>>
      tpu.wait_dma2 semaphore(%run_scoped3A : memref<!tpu.dma_semaphore, #tpu.memory_space<semaphore_mem>>) src(%dma_wait3A_1013 : memref<640x128xf32, #tpu.memory_space<vmem_shared>>) dst(%dma_wait3A_1011 : memref<640x128xf32, #tpu.memory_space<hbm>>)
      tpu.yield
    }) : () -> ()
    return
  }
}

module attributes {stable_mosaic.version = 14 : i64} {
  func.func @body(%arg0: i32, %arg1: memref<1x5000x128xf32, #tpu.memory_space<vmem>>, %arg2: memref<1x5000x128xf32, #tpu.memory_space<vmem>>, %arg3: memref<128x128xf32, #tpu.memory_space<vmem>>, %arg4: memref<1x128xf32, #tpu.memory_space<vmem>>, %arg5: memref<5000x128xf32, #tpu.memory_space<vmem>>) attributes {dimension_semantics = [#tpu.dimension_semantics<arbitrary>], iteration_bounds = array<i64: 2>, scalar_prefetch = 0 : i64, scratch_operands = 0 : i64, tpu.core_type = #tpu.core_type<tc>, window_params = [{transform_indices = @transform_0, window_bounds = array<i64: 1, 5000, 128>}, {transform_indices = @transform_1, window_bounds = array<i64: 1, 5000, 128>}, {pipeline_mode = #tpu.pipeline_mode<synchronous>, transform_indices = @transform_2, window_bounds = array<i64: 128, 128>}, {pipeline_mode = #tpu.pipeline_mode<synchronous>, transform_indices = @transform_3, window_bounds = array<i64: 1, 128>}, {transform_indices = @transform_4, window_bounds = array<i64: 5000, 128>}]} {
    %get3A = arith.constant 0 : index
    %get3A_0 = arith.constant 0 : index
    %get3A_1 = arith.constant 0 : index
    %get3A_2 = vector.load %arg1[%get3A, %get3A_0, %get3A_1] : memref<1x5000x128xf32, #tpu.memory_space<vmem>>, vector<1x5000x128xf32>
    %get3A_3 = vector.shape_cast %get3A_2 : vector<1x5000x128xf32> to vector<5000x128xf32>
    %get3A_4 = arith.constant 0 : index
    %get3A_5 = arith.constant 0 : index
    %get3A_6 = arith.constant 0 : index
    %get3A_7 = vector.load %arg2[%get3A_4, %get3A_5, %get3A_6] : memref<1x5000x128xf32, #tpu.memory_space<vmem>>, vector<1x5000x128xf32>
    %get3A_8 = vector.shape_cast %get3A_7 : vector<1x5000x128xf32> to vector<5000x128xf32>
    %add3A = arith.addf %get3A_3, %get3A_8 : vector<5000x128xf32>
    %get3A_9 = arith.constant 0 : index
    %get3A_10 = arith.constant 0 : index
    %get3A_11 = vector.load %arg3[%get3A_9, %get3A_10] : memref<128x128xf32, #tpu.memory_space<vmem>>, vector<128x128xf32>
    %dot_general3A = arith.constant dense<0.000000e+00> : vector<5000x128xf32>
    %dot_general3A_12 = tpu.matmul %add3A, %get3A_11, %dot_general3A {dimension_numbers = #tpu.dot_dimension_numbers<[1], [1], [0], [0], [0, 0, 1, 0], [], []>, transpose_lhs_hint = false} : vector<5000x128xf32>, vector<128x128xf32>, vector<5000x128xf32> -> vector<5000x128xf32>
    %get3A_13 = arith.constant 0 : index
    %get3A_14 = arith.constant 0 : index
    %get3A_15 = vector.load %arg4[%get3A_13, %get3A_14] : memref<1x128xf32, #tpu.memory_space<vmem>>, vector<1x128xf32>
    %add3A_16 = vector.broadcast %get3A_15 : vector<1x128xf32> to vector<5000x128xf32>
    %add3A_17 = arith.addf %dot_general3A_12, %add3A_16 : vector<5000x128xf32>
    %swap3A = arith.constant 0 : index
    %swap3A_18 = arith.constant 0 : index
    %swap3A_19 = vector.load %arg5[%swap3A, %swap3A_18] : memref<5000x128xf32, #tpu.memory_space<vmem>>, vector<5000x128xf32>
    tpu.vector_store %arg5[%swap3A, %swap3A_18], %add3A_17 {strides = array<i32>} : memref<5000x128xf32, #tpu.memory_space<vmem>>, vector<5000x128xf32>,
    return
  }
  func.func @transform_0(%arg0: i32) -> (i32, i32, i32) {
    %c0_i32 = arith.constant 0 : i32
    %c0_i32_0 = arith.constant 0 : i32
    %c0_i32_1 = arith.constant 0 : i32
    return %c0_i32, %arg0, %c0_i32_0 : i32, i32, i32
  }
  func.func @transform_1(%arg0: i32) -> (i32, i32, i32) {
    %c1_i32 = arith.constant 1 : i32
    %c0_i32 = arith.constant 0 : i32
    %c0_i32_0 = arith.constant 0 : i32
    return %c1_i32, %arg0, %c0_i32 : i32, i32, i32
  }
  func.func @transform_2(%arg0: i32) -> (i32, i32) {
    %c0_i32 = arith.constant 0 : i32
    %c0_i32_0 = arith.constant 0 : i32
    %c0_i32_1 = arith.constant 0 : i32
    return %c0_i32, %c0_i32_0 : i32, i32
  }
  func.func @transform_3(%arg0: i32) -> (i32, i32) {
    %c0_i32 = arith.constant 0 : i32
    %c0_i32_0 = arith.constant 0 : i32
    %c0_i32_1 = arith.constant 0 : i32
    return %c0_i32, %c0_i32_0 : i32, i32
  }
  func.func @transform_4(%arg0: i32) -> (i32, i32) {
    %c0_i32 = arith.constant 0 : i32
    %c0_i32_0 = arith.constant 0 : i32
    return %arg0, %c0_i32 : i32, i32
  }
}

</mosaic_0001>

<sc_bundles>
// kernel: kernel.4.cloned.1.call-start
scs
__scs_entry_jumppad:
0x0: {  	(pc) =	sbr.rel $0x88, $3  }
0x1: {  	(tag) =	ssettag $0x0;
	lr =	simm.s32 $0x1  }
0x2: {  	[smem:$0x3F9D] =	sst lr;
	_ =	strace $0xD0000000  }
0x3: {  	_ = 	snop  }
0x4: {  	_ = 	snop  }
0x5: {  	_ = 	snop  }
0x6: {  	_ = 	snop  }
0x7: {  	_ = 	snop  }
__scs_overlays_trampoline_lowered:
0x8: {  	[smem:$0x3FAC] =	sst s0  }
0x9: {  	[smem:$0x3FAD] =	sst s1  }
0xa: {  	[smem:$0x3FAE] =	sst s2  }
0xb: {  	[smem:$0x3FAF] =	sst s3  }
0xc: {  	[smem:$0x3FB0] =	sst s4  }
0xd: {  	[smem:$0x3FB1] =	sst s5  }
0xe: {  	[smem:$0x3FB2] =	sst s6  }
0xf: {  	[smem:$0x3FB3] =	sst s7  }
0x10: {  	[smem:$0x3FB4] =	sst s8  }
0x11: {  	[smem:$0x3FB5] =	sst s9;
	s0 =	simm.s32 @!p0 $0x0  }
0x12: {  	s1 =	sld [smem:$0x3F9B];
	s0 =	simm.s32 @p0 $0x1  }
0x13: {  	[smem:$0x3FB6] =	sst s0;
	s0 =	simm.s32 @!p1 $0x0  }
0x14: {  	s2 =	sld [smem:$0x3F9A];
	s0 =	simm.s32 @p1 $0x1  }
0x15: {  	[smem:$0x3FB7] =	sst s0;
	s0 =	simm.s32 @!p2 $0x0  }
0x16: {  	s3 =	sld [smem:$0x3FDB];
	s0 =	simm.s32 @p2 $0x1  }
0x17: {  	s4 =	simm.s32 $0x1BF5;
	[smem:$0x3FB9] =	sst s0  }
0x18: {  	s0 =	sld [smem:$0x3F9C];
	_ =	swait.ge [sflag:s4], $0x0  }
0x19: {  	s7 =	sld [smem:$0x3F9D]  }
0x1a: {  	s8 =	sadd.s32 $0xFFFFE003, lr  }
0x1b: {  	s9 =	sadd.s32 $0xFFFFFEF7, lr;
	s5 =	simm.s32 $0xFFFFFFFF;
	p2 =	slt.u32 s8, $0xFFFFF086  }
0x1c: {  	p1 =	slt.u32 s9, $0xF7A;
	s5 =	simm.s32 @!p2 $0x0  }
0x1d: {  	s5 =	simm.s32 @p1 $0x1;
	p0 =	seq.s32 s7, s2  }
0x1e: {  	s7 =	smul.u32 @!p0 $0xF7A, s2;
	p2 =	seq.s32 @!p0 s5, $0x0  }
0x1f: {  	s9 =	smul.u32 $0xF7A, s1;
	s8 =	simm.s32 @!p0 $0x1BF5;
	p2 =	por !p2, p0  }
0x20: {  	[sflag:s8] =	ssyncset.s32 @!p0 $0xFFFFF086;
	s6 =	sadd.s32 @!p0 s3, s7;
	s7 =	simm.s32 @!p0 $0x108  }
0x21: {  	s3 =	sadd.s32 s3, s9;
	s6 =	sadd.s32 @!p0 $0x88, s6;
	s7 =	simm.s32 @p2 $0x1082  }
0x22: {  	[simem:s7], [sflag:s8] =	dma.local @!p0 [hbm:s6], $0xF7A  }
0x23: {  	s9 =	sor.u32 $0xD0000000, s2;
	s6 =	simm.s32 $0x108;
	_ =	swait.ge @!p0 [sflag:s8], $0x0  }
0x24: {  	s3 =	sadd.s32 $0x88, s3;
	s6 =	simm.s32 @!p1 $0x1082;
	[sflag:s4] =	ssyncset.s32 $0xFFFFF086  }
0x25: {  	[simem:s6], [sflag:s4] =	dma.local [hbm:s3], $0xF7A  }
0x26: {  	[smem:$0x3F9D] =	sst s1;
	(tag) =	ssettag s2;
	_ =	strace s9  }
0x27: {  	s1 =	sld [smem:$0x3FAD]  }
0x28: {  	s2 =	sld [smem:$0x3FAE]  }
0x29: {  	s4 =	sld [smem:$0x3FB0]  }
0x2a: {  	p0 =	seq.s32 s5, $0x0;
	s5 =	sld [smem:$0x3FB1]  }
0x2b: {  	s6 =	sld [smem:$0x3FB2]  }
0x2c: {  	s7 =	sld [smem:$0x3FB3]  }
0x2d: {  	s3 =	simm.s32 $0x108;
	s8 =	sld [smem:$0x3FB4]  }
0x2e: {  	s3 =	simm.s32 @!p0 $0x1082;
	s9 =	sld [smem:$0x3FB5]  }
0x2f: {  	lr =	sadd.s32 s0, s3;
	s0 =	sld [smem:$0x3FAC]  }
0x30: {  	s3 =	sld [smem:$0x3FAF]  }
0x31: {  	[smem:$0x3FB8] =	sst s10  }
0x32: {  	s10 =	sld [smem:$0x3FB6];
	_ =	sdelay $0x3  }
0x33: {  	p0 =	seq.s32 s10, $0x1;
	s10 =	sld [smem:$0x3FB8];
	_ =	sdelay $0x3  }
0x34: {  	[smem:$0x3FB8] =	sst s10  }
0x35: {  	s10 =	sld [smem:$0x3FB7];
	_ =	sdelay $0x3  }
0x36: {  	p1 =	seq.s32 s10, $0x1;
	s10 =	sld [smem:$0x3FB8];
	_ =	sdelay $0x3  }
0x37: {  	[smem:$0x3FB8] =	sst s10  }
0x38: {  	s10 =	sld [smem:$0x3FB9]  }
0x39: {  	_ = 	snop;
	(pc) =	sbr.ind lr, $3  }
0x3a: {  	_ = 	snop  }
0x3b: {  	_ = 	snop  }
0x3c: {  	p2 =	seq.s32 s10, $0x1;
	s10 =	sld [smem:$0x3FB8]  }
0x3d: {  	_ =	shalt  }
0x3e: {  	_ =	shalt  }
0x3f: {  	_ =	shalt  }
0x40: {  	_ =	shalt  }
0x41: {  	_ =	shalt  }
0x42: {  	_ =	shalt  }
0x43: {  	_ =	shalt  }
0x44: {  	_ =	shalt  }
0x45: {  	_ =	shalt  }
0x46: {  	_ =	shalt  }
0x47: {  	_ =	shalt  }
0x48: {  	_ =	shalt  }
0x49: {  	_ =	shalt  }
0x4a: {  	_ =	shalt  }
0x4b: {  	_ =	shalt  }
0x4c: {  	_ =	shalt  }
0x4d: {  	_ =	shalt  }
0x4e: {  	_ =	shalt  }
0x4f: {  	_ =	shalt  }
0x50: {  	_ =	shalt  }
0x51: {  	_ =	shalt  }
0x52: {  	_ =	shalt  }
0x53: {  	_ =	shalt  }
0x54: {  	_ =	shalt  }
0x55: {  	_ =	shalt  }
0x56: {  	_ =	shalt  }
0x57: {  	_ =	shalt  }
0x58: {  	_ =	shalt  }
0x59: {  	_ =	shalt  }
0x5a: {  	_ =	shalt  }
0x5b: {  	_ =	shalt  }
0x5c: {  	_ =	shalt  }
0x5d: {  	_ =	shalt  }
0x5e: {  	_ =	shalt  }
0x5f: {  	_ =	shalt  }
0x60: {  	_ =	shalt  }
0x61: {  	_ =	shalt  }
0x62: {  	_ =	shalt  }
0x63: {  	_ =	shalt  }
0x64: {  	_ =	shalt  }
0x65: {  	_ =	shalt  }
0x66: {  	_ =	shalt  }
0x67: {  	_ =	shalt  }
0x68: {  	_ =	shalt  }
0x69: {  	_ =	shalt  }
0x6a: {  	_ =	shalt  }
0x6b: {  	_ =	shalt  }
0x6c: {  	_ =	shalt  }
0x6d: {  	_ =	shalt  }
0x6e: {  	_ =	shalt  }
0x6f: {  	_ =	shalt  }
0x70: {  	_ =	shalt  }
0x71: {  	_ =	shalt  }
0x72: {  	_ =	shalt  }
0x73: {  	_ =	shalt  }
0x74: {  	_ =	shalt  }
0x75: {  	_ =	shalt  }
0x76: {  	_ =	shalt  }
0x77: {  	_ =	shalt  }
0x78: {  	_ =	shalt  }
0x79: {  	_ =	shalt  }
0x7a: {  	_ =	shalt  }
0x7b: {  	_ =	shalt  }
0x7c: {  	_ =	shalt  }
0x7d: {  	_ =	shalt  }
0x7e: {  	_ =	shalt  }
0x7f: {  	_ =	shalt  }
0x80: {  	_ =	shalt  }
0x81: {  	_ =	shalt  }
0x82: {  	_ =	shalt  }
0x83: {  	_ =	shalt  }
0x84: {  	_ =	shalt  }
0x85: {  	_ =	shalt  }
0x86: {  	_ =	shalt  }
0x87: {  	_ =	shalt  }
.Lfunc_end0:
.L_simem_size_0:
called_computation_lowered:
.L_overlay_start_0:
0x88: {  	s2 =	sld [smem:$0x3FD9]  }
0x89: {  	s3 =	sld [smem:$0x3FFE];
	_ =	sdelay $0x1  }
0x8a: {  	s1 =	srdreg.scid  }
0x8b: {  	s0 =	sand.u32 $0x1, s1  }
0x8c: {  	s17 =	sshll.u32 s0, $0xA;
	s2 =	sadd.s32 s3, s2  }
0x8d: {  	s2 =	sadd.s32 s2, s17  }
0x8e: {  	[smem:$0x3FC4] =	sst s2  }
0x8f: {  	_ = 	snop  }
0x90: {  	s2 =	sld [smem:$0x3FC9]  }
0x91: {  	s18 =	sld [smem:$0x3FD0];
	(tm) =	ssettm $0x1  }
0x92: {  	s4 =	sld [smem:$0x3FFB];
	_ =	sdelay $0x3  }
0x93: {  	_ =	strace s4  }
0x94: {  	s4 =	sld [smem:$0x3FFC];
	_ =	sdelay $0x3  }
0x95: {  	_ =	strace s4  }
0x96: {  	s4 =	sld [smem:$0x3FFD];
	_ =	sdelay $0x3  }
0x97: {  	_ =	strace s4  }
0x98: {  	_ =	strace $0x8FFFFFFF  }
0x99: {  	s19 =	sld [smem:$0x3FDB];
	_ =	sdelay $0x1  }
0x9a: {  	s5 =	simm.s32 $_scs_section_size  }
0x9b: {  	s6 =	simm.s32 $_size__tile_overlayer_lowered;
	s7 =	simm.s32 $_tile_overlayer_lowered  }
0x9c: {  	s22 =	simm.s32 $0x1BFF;
	s21 =	sshll.u32 s7, $0x1;
	s4 =	sadd.s32 s5, s19  }
0x9d: {  	s8 =	simm.s32 $0x0;
	s20 =	sshll.u32 s6, $0x1;
	s6 =	sadd.s32 s21, s4  }
0x9e: {  	[timem:s8], [sflag:s22] =	dma.local [hbm:s6], s20  }
0x9f: {  	_ =	swait.ge [sflag:s22], s20  }
0xa0: {  	s5 =	ssub.s32 $0x0, s20;
	[sflag:s22] =	ssyncset.done $0x0  }
0xa1: {  	[sflag:s22] =	ssyncadd.s32 s5;
	_ =	sdelay $0x1  }
0xa2: {  	s23 =	simm.s32 $0x1B8B  }
0xa3: {  	_ =	swait.ge [sflag:s23], $0x1  }
0xa4: {  	[sflag:s23] =	ssyncset.done $0x0  }
0xa5: {  	s25 =	simm.s32 $0x1B8E;
	s24 =	sld [smem:$0x3FFE];
	[sflag:s23] =	ssyncadd.s32 $0xFFFFFFFF  }
0xa6: {  	s26 =	simm.s32 $execute0_lowered;
	[smem:$0x3FD2] =	sst s25  }
0xa7: {  	s6 =	sshll.u32 s26, $0x1;
	_ =	strace $0x80000046;
	[dreg:$0x1] =	wrdreg $0xFFFFFFFF  }
0xa8: {  	s28 =	simm.s32 $_size_execute0_lowered;
	s4 =	sadd.s32 s4, s6;
	[dreg:$0x0] =	wrdreg $0x0  }
0xa9: {  	s6 =	sshll.u32 s28, $0x1;
	[dreg:$0x2] =	wrdreg s4  }
0xaa: {  	[dreg:$0x3] =	wrdreg s6  }
0xab: {  	[dreg:$0x4] =	wrdreg $0xC0  }
0xac: {  	_ =	task [dreg:s8], $0x5FFFF  }
0xad: {  	[dreg:$0x1] =	wrdreg $0xFFFFFFFF  }
0xae: {  	[dreg:$0x0] =	wrdreg $0x60  }
0xaf: {  	[dreg:$0x2] =	wrdreg s2  }
0xb0: {  	[dreg:$0x3] =	wrdreg s24  }
0xb1: {  	[dreg:$0x4] =	wrdreg s18  }
0xb2: {  	[dreg:$0x5] =	wrdreg $0x86000  }
0xb3: {  	[dreg:$0x6] =	wrdreg $0x9  }
0xb4: {  	_ =	task.clear_ibuf [dreg:s8], $0x7FFFF;
	_ =	strace $0x90000046  }
0xb5: {  	s29 =	simm.s32 $0x9;
	_ =	strace $0x80000048  }
0xb6: {  	_ =	swait.ge [sflag:s29], $0x1  }
0xb7: {  	[sflag:s29] =	ssyncadd.s32 $0xFFFFFFFF  }
0xb8: {  	_ =	strace $0x90000048  }
0xb9: {  	_ =	sfence  }
0xba: {  	s30 =	sld [smem:$0x0];
	_ =	sdelay $0x2  }
0xbb: {  	s31 =	sshll.u32 s1, $0xD;
	s1 =	sshrl.u32 s1, $0x2  }
0xbc: {  	s3 =	sand.u32 $0x4000, s31;
	s1 =	sadd.s32 s1, s30  }
0xbd: {  	s0 =	sor.u32 s3, s0;
	s1 =	sshll.u32 s1, $0x11  }
0xbe: {  	s0 =	sor.u32 s1, s0  }
0xbf: {  	s0 =	sadd.s32 $0x8F2B, s0  }
0xc0: {  	[sflag:s0] =	ssyncadd.remote.s32 $0x1  }
0xc1: {  	_ =	sfence.sel $0xFFFF  }
0xc2: {  	[dreg:$0x0] =	wrdreg $0xFFFFFFFF;
	(pc) =	sbr.abs _section_cstart, $3  }
0xc3: {  	[dreg:$0x1] =	wrdreg $0xFFFFFFFF  }
0xc4: {  	_ =	task.clear_ibuf [dreg:s8], $0x2FFFF;
	_ =	strace $0x9FFFFFFF  }
0xc5: {  	(tm) =	ssettm $0x7FFFFFFF  }
tec
execute0_lowered:
.L_overlay_start_1:
0x0: {  	(tag) =	ssettag $0x1  }
0x1: {  	s0 =	rddreg [dreg:$0x0]  }
0x2: {  	s1 =	rddreg [dreg:$0x1]  }
0x3: {  	s3 =	rddreg [dreg:$0x2]  }
0x4: {  	s2 =	srdreg.scid;
	s13 =	stileid.u32  }
0x5: {  	s4 =	rddreg [dreg:$0x3];
	s9 =	smul.u32 $0x14000, s13  }
0x6: {  	s2 =	sand.u32 $0x1, s2;
	s6 =	sshll.u32 s13, $0x1;
	s12 =	smul.u32 $0x50000, s13  }
0x7: {  	s5 =	simm.s32 $0x0;
	s26 =	smul.u32 $0x4E20, s13;
	s6 =	sor.u32 s2, s6  }
0x8: {  	[smem:$0x7FF] =	sst s5;
	s7 =	sadd.s32 $0x200, s1;
	s6 =	smul.u32 $0x2710, s6  }
0x9: {  	s8 =	smul.u32 $0x140000, s2;
	_ =	strace $0x80000047;
	s16 =	ssub.s32 $0x2, s2  }
0xa: {  	s2 =	smul.u32 $0x2710, s2;
	s17 =	sshrl.u32 s16, $0x1;
	s10 =	sshrl.u32 s6, $0x3  }
0xb: {  	s25 =	sshrl.u32 s12, $0x2;
	s8 =	sadd.s32 s9, s8;
	s11 =	sadd.s32 $0xA, s10  }
0xc: {  	s2 =	sadd.s32 s2, s26;
	s8 =	sshrl.u32 s8, $0x3;
	s18 =	sadd.s32 s3, s11  }
0xd: {  	s19 =	sadd.s32 $0x14, s10;
	s11 =	sadd.s32 s7, s11;
	[dreg:$0x5] =	wrdreg s18  }
0xe: {  	s2 =	sadd.s32 $0x320, s2;
	s20 =	sadd.s32 s3, s19;
	[dreg:$0x6] =	wrdreg s11  }
0xf: {  	s21 =	sadd.s32 $0x1E, s10;
	s9 =	sadd.s32 s7, s19;
	[dreg:$0x7] =	wrdreg s20  }
0x10: {  	s22 =	sadd.s32 $0x28, s10;
	s14 =	sadd.s32 s3, s21;
	[dreg:$0x8] =	wrdreg s9  }
0x11: {  	s1 =	sadd.s32 s8, s1;
	s23 =	sadd.s32 s3, s22;
	[dreg:$0x9] =	wrdreg s14  }
0x12: {  	s15 =	sadd.s32 $0x3C, s10;
	s24 =	sadd.s32 s7, s22;
	[dreg:$0xb] =	wrdreg s23  }
0x13: {  	s8 =	ssub.s32 s16, s17;
	s16 =	sadd.s32 s3, s15;
	[dreg:$0xc] =	wrdreg s24  }
0x14: {  	s26 =	sshrl.u32 s2, $0x3;
	s1 =	sadd.s32 $0xA000, s1;
	[dreg:$0x10] =	wrdreg s16  }
0x15: {  	s22 =	sadd.s32 s25, s4;
	s25 =	smax.u32 s8, $0x1;
	[dreg:$0x1a] =	wrdreg s1  }
0x16: {  	s2 =	sadd.s32 s26, s7;
	[dreg:$0x1b] =	wrdreg s25  }
0x17: {  	[dreg:$0x1c] =	wrdreg s2  }
0x18: {  	s13 =	sadd.s32 $0x32, s10;
	s9 =	sadd.s32 s7, s21;
	[dreg:$0xd] =	wrdreg s22  }
0x19: {  	s17 =	sadd.s32 $0x46, s10;
	s14 =	sadd.s32 s3, s13;
	[dreg:$0xa] =	wrdreg s9  }
0x1a: {  	s18 =	sadd.s32 s3, s17;
	[dreg:$0xe] =	wrdreg s14  }
0x1b: {  	s19 =	sadd.s32 $0x50, s10;
	s11 =	sadd.s32 s7, s17;
	[dreg:$0x12] =	wrdreg s18  }
0x1c: {  	s20 =	sadd.s32 s3, s19;
	[dreg:$0x13] =	wrdreg s11  }
0x1d: {  	s21 =	sadd.s32 s3, s10;
	[dreg:$0x14] =	wrdreg s20  }
0x1e: {  	s23 =	sadd.s32 s7, s10;
	[dreg:$0x16] =	wrdreg s21  }
0x1f: {  	s1 =	sadd.s32 s26, s3;
	[dreg:$0x17] =	wrdreg s23  }
0x20: {  	s8 =	sadd.s32 $0x1000, s22;
	[dreg:$0x1d] =	wrdreg s1  }
0x21: {  	s12 =	sadd.s32 $0x3000, s22;
	[dreg:$0x1f] =	wrdreg s8  }
0x22: {  	s16 =	sadd.s32 $0x5000, s22;
	[smem:$0x7DC] =	sst s12  }
0x23: {  	s17 =	sadd.s32 $0x5800, s22;
	[smem:$0x7E0] =	sst s16  }
0x24: {  	s25 =	sadd.s32 $0x9000, s22;
	[smem:$0x7E1] =	sst s17  }
0x25: {  	s26 =	sadd.s32 $0x9800, s22;
	[smem:$0x7E8] =	sst s25  }
0x26: {  	s2 =	sadd.s32 $0xA000, s22;
	[smem:$0x7E9] =	sst s26  }
0x27: {  	s24 =	sadd.s32 $0x5A, s10;
	s9 =	sadd.s32 s7, s13;
	[smem:$0x7EA] =	sst s2  }
0x28: {  	s10 =	sadd.s32 s3, s24;
	[dreg:$0xf] =	wrdreg s9  }
0x29: {  	s3 =	sadd.s32 $0x800, s22;
	[dreg:$0x18] =	wrdreg s10  }
0x2a: {  	s11 =	sadd.s32 $0x2800, s22;
	[dreg:$0x1e] =	wrdreg s3  }
0x2b: {  	s13 =	sadd.s32 $0x3800, s22;
	[smem:$0x7DB] =	sst s11  }
0x2c: {  	s14 =	sadd.s32 $0x4000, s22;
	[smem:$0x7DD] =	sst s13  }
0x2d: {  	s18 =	sadd.s32 $0x6000, s22;
	[smem:$0x7DE] =	sst s14  }
0x2e: {  	s20 =	sadd.s32 $0x7000, s22;
	[smem:$0x7E2] =	sst s18  }
0x2f: {  	s21 =	sadd.s32 $0x7800, s22;
	[smem:$0x7E4] =	sst s20  }
0x30: {  	s23 =	sadd.s32 $0x8000, s22;
	[smem:$0x7E5] =	sst s21  }
0x31: {  	s8 =	sadd.s32 $0xB000, s22;
	[smem:$0x7E6] =	sst s23  }
0x32: {  	s12 =	sadd.s32 $0xD000, s22;
	[smem:$0x7EC] =	sst s8  }
0x33: {  	s16 =	sadd.s32 $0xF000, s22;
	[smem:$0x7F0] =	sst s12  }
0x34: {  	s17 =	sadd.s32 $0xF800, s22;
	[smem:$0x7F4] =	sst s16  }
0x35: {  	s25 =	sadd.s32 $0x13000, s22;
	[smem:$0x7F5] =	sst s17  }
0x36: {  	s26 =	sadd.s32 $0x13800, s22;
	[smem:$0x7FC] =	sst s25  }
0x37: {  	s9 =	sadd.s32 s7, s15;
	[smem:$0x7FD] =	sst s26  }
0x38: {  	s30 =	simm.s32 $0x400;
	s10 =	sadd.s32 $0x2000, s22;
	[dreg:$0x11] =	wrdreg s9  }
0x39: {  	s29 =	simm.s32 $0x180;
	s15 =	sadd.s32 $0x4800, s22;
	[smem:$0x7DA] =	sst s10  }
0x3a: {  	s28 =	simm.s32 $0x6;
	s3 =	sadd.s32 $0xA800, s22;
	[smem:$0x7DF] =	sst s15  }
0x3b: {  	s31 =	simm.s32 $0x0;
	s11 =	sadd.s32 $0xC800, s22;
	[smem:$0x7EB] =	sst s3  }
0x3c: {  	s1 =	simm.s32 $0x4;
	s13 =	sadd.s32 $0xD800, s22;
	[smem:$0x7EF] =	sst s11  }
0x3d: {  	s2 =	simm.s32 $0x8;
	s14 =	sadd.s32 $0xE000, s22;
	[smem:$0x7F1] =	sst s13  }
0x3e: {  	s18 =	sadd.s32 $0x10000, s22;
	s20 =	sadd.s32 $0x11000, s22;
	[smem:$0x7F2] =	sst s14  }
0x3f: {  	s21 =	sadd.s32 $0x11800, s22;
	s23 =	sadd.s32 $0x12000, s22;
	[smem:$0x7F6] =	sst s18  }
0x40: {  	s17 =	simm.s32 $0x380;
	s12 =	simm.s32 $0x1;
	[smem:$0x7F8] =	sst s20  }
0x41: {  	s25 =	simm.s32 $0xA;
	s16 =	simm.s32 $0xB;
	[smem:$0x7F9] =	sst s21  }
0x42: {  	s26 =	simm.s32 $0xC;
	s9 =	sadd.s32 s7, s19;
	[smem:$0x7FA] =	sst s23  }
0x43: {  	s19 =	sadd.s32 $0x6800, s22;
	s10 =	sadd.s32 $0xC000, s22;
	[dreg:$0x15] =	wrdreg s9  }
0x44: {  	s15 =	sadd.s32 $0xE800, s22;
	s23 =	simm.s32 $0x300;
	[smem:$0x7E3] =	sst s19  }
0x45: {  	s14 =	simm.s32 $0x80;
	s21 =	simm.s32 $0x100;
	[smem:$0x7EE] =	sst s10  }
0x46: {  	s3 =	simm.s32 $0x480;
	s9 =	sadd.s32 s7, s24;
	[smem:$0x7F3] =	sst s15  }
0x47: {  	s11 =	simm.s32 $0x200;
	s24 =	sadd.s32 $0x8800, s22;
	[dreg:$0x19] =	wrdreg s9  }
0x48: {  	s13 =	simm.s32 $0x50;
	s19 =	sadd.s32 $0x10800, s22;
	[smem:$0x7E7] =	sst s24  }
0x49: {  	s20 =	simm.s32 $0x3;
	s9 =	sadd.s32 $0x1800, s22;
	[smem:$0x7F7] =	sst s19  }
0x4a: {  	s18 =	simm.s32 $0x5;
	s24 =	sadd.s32 $0x12800, s22;
	[smem:$0x7D9] =	sst s9  }
0x4b: {  	s15 =	simm.s32 $0x2;
	s9 =	sadd.s32 $0xB800, s22;
	[smem:$0x7FB] =	sst s24  }
0x4c: {  	v0 =	vimm.f32 $0.0e+00;
	s19 =	simm.s32 $0x9;
	[smem:$0x7ED] =	sst s9;
	s9 =	simm.s32 $0x500  }
.LBB2_1:
0x4d: {  	[smem:$0x7D8] =	sst s31  }
0x4e: {  	s8 =	rddreg [dreg:$0x16]  }
0x4f: {  	[tilespmem:s5], [sflag:$0x1] =	stream.linear.gather [hbm4b:s8+s5], $0x50, $0x38;
	[tilespmem:$0x1C600] =	vst v63  }
0x50: {  	s10 =	rddreg [dreg:$0x17]  }
0x51: {  	[tilespmem:s23], [sflag:$0x1] =	stream.linear.gather [hbm4b:s10+s5], $0x50, $0x38;
	[tilespmem:$0x1C600] =	vst v63  }
0x52: {  	s24 =	rddreg [dreg:$0x5]  }
0x53: {  	[tilespmem:s14], [sflag:$0x2] =	stream.linear.gather [hbm4b:s24+s5], $0x50, $0x38;
	[tilespmem:$0x1C600] =	vst v63  }
0x54: {  	s31 =	rddreg [dreg:$0x6]  }
0x55: {  	[tilespmem:s17], [sflag:$0x2] =	stream.linear.gather [hbm4b:s31+s5], $0x50, $0x38;
	[tilespmem:$0x1C600] =	vst v63  }
0x56: {  	s10 =	rddreg [dreg:$0x7]  }
0x57: {  	[tilespmem:s21], [sflag:$0x3] =	stream.linear.gather [hbm4b:s10+s5], $0x50, $0x38;
	[tilespmem:$0x1C600] =	vst v63  }
0x58: {  	s24 =	rddreg [dreg:$0x8]  }
0x59: {  	[tilespmem:s30], [sflag:$0x3] =	stream.linear.gather [hbm4b:s24+s5], $0x50, $0x38;
	[tilespmem:$0x1C600] =	vst v63  }
0x5a: {  	s31 =	rddreg [dreg:$0x9]  }
0x5b: {  	[tilespmem:s29], [sflag:$0x4] =	stream.linear.gather [hbm4b:s31+s5], $0x50, $0x38;
	[tilespmem:$0x1C600] =	vst v63  }
0x5c: {  	s10 =	rddreg [dreg:$0xa]  }
0x5d: {  	[tilespmem:s3], [sflag:$0x4] =	stream.linear.gather [hbm4b:s10+s5], $0x50, $0x38;
	[tilespmem:$0x1C600] =	vst v63  }
0x5e: {  	s24 =	rddreg [dreg:$0xb]  }
0x5f: {  	[tilespmem:s11], [sflag:$0x5] =	stream.linear.gather [hbm4b:s24+s5], $0x50, $0x38;
	[tilespmem:$0x1C600] =	vst v63  }
0x60: {  	s31 =	rddreg [dreg:$0xc]  }
0x61: {  	[tilespmem:s9], [sflag:$0x5] =	stream.linear.gather [hbm4b:s31+s5], $0x50, $0x38;
	[tilespmem:$0x1C600] =	vst v63  }
0x62: {  	s8 =	simm.s32 $0x0;
	s9 =	simm.s32 $0x200  }
.LBB2_2:
0x63: {  	p0 =	sne.s32 s9, $0x1E00;
	[tilespmem:s8+$0x7E70] =	vst v0  }
0x64: {  	[tilespmem:s8+$0x7E00] =	vst v0  }
0x65: {  	[tilespmem:s8+$0x7E10] =	vst v0  }
.Ltmp0:
0x66: {  	[tilespmem:s8+$0x7E20] =	vst v0;
	(pc) =	sbr.rel @p0 .LBB2_2-.Ltmp0, $4  }
0x67: {  	[tilespmem:s8+$0x7E30] =	vst v0  }
0x68: {  	[tilespmem:s8+$0x7E40] =	vst v0  }
0x69: {  	[tilespmem:s8+$0x7E50] =	vst v0  }
0x6a: {  	[tilespmem:s8+$0x7E60] =	vst v0;
	s8 =	sshra.s32 s9, $0x2;
	s9 =	sadd.s32 $0x200, s9  }
0x6b: {  	[tilespmem:s8+$0x7E70] =	vst v0  }
0x6c: {  	[tilespmem:s8+$0x7E00] =	vst v0  }
0x6d: {  	[tilespmem:s8+$0x7E10] =	vst v0  }
0x6e: {  	[tilespmem:s8+$0x7E20] =	vst v0  }
0x6f: {  	[tilespmem:s8+$0x7E30] =	vst v0  }
0x70: {  	[tilespmem:s8+$0x7E40] =	vst v0  }
0x71: {  	[tilespmem:s8+$0x7E50] =	vst v0  }
0x72: {  	[tilespmem:s8+$0x7E60] =	vst v0  }
0x73: {  	_ =	swait.ge [sflag:s12], $0x50  }
0x74: {  	[sflag:s12] =	ssyncset.done $0x0  }
0x75: {  	[sflag:s12] =	ssyncadd.s32 $0xFFFFFFB0  }
0x76: {  	_ =	swait.ge [sflag:s12], $0x50  }
0x77: {  	[sflag:s12] =	ssyncset.done $0x0  }
0x78: {  	s11 =	simm.s32 $0x600;
	[sflag:s12] =	ssyncadd.s32 $0xFFFFFFB0  }
0x79: {  	[tilespmem:s11], [sflag:$0x7] =	stream.indirect.gather [hbm4b:s0+s13], $0x80, s5, s13, $0xb8;
	[tilespmem:$0x1C600] =	vst v63  }
0x7a: {  	_ =	swait.ge [sflag:s15], $0x50  }
0x7b: {  	[sflag:s15] =	ssyncset.done $0x0  }
0x7c: {  	[sflag:s15] =	ssyncadd.s32 $0xFFFFFFB0  }
0x7d: {  	_ =	swait.ge [sflag:s15], $0x50  }
0x7e: {  	[sflag:s15] =	ssyncset.done $0x0  }
0x7f: {  	s24 =	simm.s32 $0x2E00;
	[sflag:s15] =	ssyncadd.s32 $0xFFFFFFB0  }
0x80: {  	[tilespmem:s24], [sflag:$0x8] =	stream.indirect.gather [hbm4b:s0+s13], $0x80, s14, s13, $0xb8;
	[tilespmem:$0x1C600] =	vst v63  }
0x81: {  	s11 =	simm.s32 $0x7E00;
	s9 =	rddreg [dreg:$0x1e]  }
0x82: {  	[spmem:s22] =	stream.linear.scatter [tilespmem:s11], [sflag:$0xD], $0x800, $0x38;
	[tilespmem:$0x1C600] =	vst v63  }
0x83: {  	s10 =	rddreg [dreg:$0x1f]  }
0x84: {  	[spmem:s9] =	stream.linear.scatter [tilespmem:s11], [sflag:$0xD], $0x800, $0x38;
	[tilespmem:$0x1C600] =	vst v63  }
0x85: {  	s22 =	sld [smem:$0x7D9]  }
0x86: {  	[spmem:s10] =	stream.linear.scatter [tilespmem:s11], [sflag:$0xD], $0x800, $0x38;
	[tilespmem:$0x1C600] =	vst v63  }
0x87: {  	s24 =	sld [smem:$0x7DA]  }
0x88: {  	[spmem:s22] =	stream.linear.scatter [tilespmem:s11], [sflag:$0xD], $0x800, $0x38;
	[tilespmem:$0x1C600] =	vst v63  }
0x89: {  	s9 =	sld [smem:$0x7DB]  }
0x8a: {  	[spmem:s24] =	stream.linear.scatter [tilespmem:s11], [sflag:$0xD], $0x800, $0x38;
	[tilespmem:$0x1C600] =	vst v63  }
0x8b: {  	s10 =	sld [smem:$0x7DC]  }
0x8c: {  	[spmem:s9] =	stream.linear.scatter [tilespmem:s11], [sflag:$0xD], $0x800, $0x38;
	[tilespmem:$0x1C600] =	vst v63  }
0x8d: {  	s22 =	sld [smem:$0x7DD]  }
0x8e: {  	[spmem:s10] =	stream.linear.scatter [tilespmem:s11], [sflag:$0xD], $0x800, $0x38;
	[tilespmem:$0x1C600] =	vst v63  }
0x8f: {  	s24 =	sld [smem:$0x7DE]  }
0x90: {  	[spmem:s22] =	stream.linear.scatter [tilespmem:s11], [sflag:$0xD], $0x800, $0x38;
	[tilespmem:$0x1C600] =	vst v63  }
0x91: {  	s9 =	sld [smem:$0x7DF]  }
0x92: {  	[spmem:s24] =	stream.linear.scatter [tilespmem:s11], [sflag:$0xD], $0x800, $0x38;
	[tilespmem:$0x1C600] =	vst v63  }
0x93: {  	s10 =	sld [smem:$0x7E0]  }
0x94: {  	[spmem:s9] =	stream.linear.scatter [tilespmem:s11], [sflag:$0xD], $0x800, $0x38;
	[tilespmem:$0x1C600] =	vst v63  }
0x95: {  	s22 =	sld [smem:$0x7E1]  }
0x96: {  	[spmem:s10] =	stream.linear.scatter [tilespmem:s11], [sflag:$0xD], $0x800, $0x38;
	[tilespmem:$0x1C600] =	vst v63  }
0x97: {  	s24 =	sld [smem:$0x7E2]  }
0x98: {  	[spmem:s22] =	stream.linear.scatter [tilespmem:s11], [sflag:$0xD], $0x800, $0x38;
	[tilespmem:$0x1C600] =	vst v63  }
0x99: {  	s9 =	sld [smem:$0x7E3]  }
0x9a: {  	[spmem:s24] =	stream.linear.scatter [tilespmem:s11], [sflag:$0xD], $0x800, $0x38;
	[tilespmem:$0x1C600] =	vst v63  }
0x9b: {  	s10 =	sld [smem:$0x7E4]  }
0x9c: {  	[spmem:s9] =	stream.linear.scatter [tilespmem:s11], [sflag:$0xD], $0x800, $0x38;
	[tilespmem:$0x1C600] =	vst v63  }
0x9d: {  	s22 =	sld [smem:$0x7E5]  }
0x9e: {  	[spmem:s10] =	stream.linear.scatter [tilespmem:s11], [sflag:$0xD], $0x800, $0x38;
	[tilespmem:$0x1C600] =	vst v63  }
0x9f: {  	s24 =	sld [smem:$0x7E6]  }
0xa0: {  	[spmem:s22] =	stream.linear.scatter [tilespmem:s11], [sflag:$0xD], $0x800, $0x38;
	[tilespmem:$0x1C600] =	vst v63  }
0xa1: {  	s9 =	sld [smem:$0x7E7]  }
0xa2: {  	[spmem:s24] =	stream.linear.scatter [tilespmem:s11], [sflag:$0xD], $0x800, $0x38;
	[tilespmem:$0x1C600] =	vst v63  }
0xa3: {  	s10 =	sld [smem:$0x7E8]  }
0xa4: {  	[spmem:s9] =	stream.linear.scatter [tilespmem:s11], [sflag:$0xD], $0x800, $0x38;
	[tilespmem:$0x1C600] =	vst v63  }
0xa5: {  	s22 =	sld [smem:$0x7E9]  }
0xa6: {  	[spmem:s10] =	stream.linear.scatter [tilespmem:s11], [sflag:$0xD], $0x800, $0x38;
	[tilespmem:$0x1C600] =	vst v63  }
0xa7: {  	s24 =	sld [smem:$0x7EA]  }
0xa8: {  	[spmem:s22] =	stream.linear.scatter [tilespmem:s11], [sflag:$0xD], $0x800, $0x38;
	[tilespmem:$0x1C600] =	vst v63  }
0xa9: {  	s9 =	sld [smem:$0x7EB]  }
0xaa: {  	[spmem:s24] =	stream.linear.scatter [tilespmem:s11], [sflag:$0xD], $0x800, $0x38;
	[tilespmem:$0x1C600] =	vst v63  }
0xab: {  	s10 =	sld [smem:$0x7EC]  }
0xac: {  	[spmem:s9] =	stream.linear.scatter [tilespmem:s11], [sflag:$0xD], $0x800, $0x38;
	[tilespmem:$0x1C600] =	vst v63  }
0xad: {  	s22 =	sld [smem:$0x7ED]  }
0xae: {  	[spmem:s10] =	stream.linear.scatter [tilespmem:s11], [sflag:$0xD], $0x800, $0x38;
	[tilespmem:$0x1C600] =	vst v63  }
0xaf: {  	s24 =	sld [smem:$0x7EE]  }
0xb0: {  	[spmem:s22] =	stream.linear.scatter [tilespmem:s11], [sflag:$0xD], $0x800, $0x38;
	[tilespmem:$0x1C600] =	vst v63  }
0xb1: {  	s9 =	sld [smem:$0x7EF]  }
0xb2: {  	[spmem:s24] =	stream.linear.scatter [tilespmem:s11], [sflag:$0xD], $0x800, $0x38;
	[tilespmem:$0x1C600] =	vst v63  }
0xb3: {  	s10 =	sld [smem:$0x7F0]  }
0xb4: {  	[spmem:s9] =	stream.linear.scatter [tilespmem:s11], [sflag:$0xD], $0x800, $0x38;
	[tilespmem:$0x1C600] =	vst v63  }
0xb5: {  	s22 =	sld [smem:$0x7F1]  }
0xb6: {  	[spmem:s10] =	stream.linear.scatter [tilespmem:s11], [sflag:$0xD], $0x800, $0x38;
	[tilespmem:$0x1C600] =	vst v63  }
0xb7: {  	s24 =	sld [smem:$0x7F2]  }
0xb8: {  	[spmem:s22] =	stream.linear.scatter [tilespmem:s11], [sflag:$0xD], $0x800, $0x38;
	[tilespmem:$0x1C600] =	vst v63  }
0xb9: {  	s9 =	sld [smem:$0x7F3]  }
0xba: {  	[spmem:s24] =	stream.linear.scatter [tilespmem:s11], [sflag:$0xD], $0x800, $0x38;
	[tilespmem:$0x1C600] =	vst v63  }
0xbb: {  	s10 =	sld [smem:$0x7F4]  }
0xbc: {  	[spmem:s9] =	stream.linear.scatter [tilespmem:s11], [sflag:$0xD], $0x800, $0x38;
	[tilespmem:$0x1C600] =	vst v63  }
0xbd: {  	s22 =	sld [smem:$0x7F5]  }
0xbe: {  	[spmem:s10] =	stream.linear.scatter [tilespmem:s11], [sflag:$0xD], $0x800, $0x38;
	[tilespmem:$0x1C600] =	vst v63  }
0xbf: {  	s24 =	sld [smem:$0x7F6]  }
0xc0: {  	[spmem:s22] =	stream.linear.scatter [tilespmem:s11], [sflag:$0xD], $0x800, $0x38;
	[tilespmem:$0x1C600] =	vst v63  }
0xc1: {  	s9 =	sld [smem:$0x7F7]  }
0xc2: {  	[spmem:s24] =	stream.linear.scatter [tilespmem:s11], [sflag:$0xD], $0x800, $0x38;
	[tilespmem:$0x1C600] =	vst v63  }
0xc3: {  	s10 =	sld [smem:$0x7F8]  }
0xc4: {  	[spmem:s9] =	stream.linear.scatter [tilespmem:s11], [sflag:$0xD], $0x800, $0x38;
	[tilespmem:$0x1C600] =	vst v63  }
0xc5: {  	s22 =	sld [smem:$0x7F9]  }
0xc6: {  	[spmem:s10] =	stream.linear.scatter [tilespmem:s11], [sflag:$0xD], $0x800, $0x38;
	[tilespmem:$0x1C600] =	vst v63  }
0xc7: {  	s24 =	sld [smem:$0x7FA]  }
0xc8: {  	[spmem:s22] =	stream.linear.scatter [tilespmem:s11], [sflag:$0xD], $0x800, $0x38;
	[tilespmem:$0x1C600] =	vst v63  }
0xc9: {  	s9 =	sld [smem:$0x7FB]  }
0xca: {  	[spmem:s24] =	stream.linear.scatter [tilespmem:s11], [sflag:$0xD], $0x800, $0x38;
	[tilespmem:$0x1C600] =	vst v63  }
0xcb: {  	s10 =	sld [smem:$0x7FC]  }
0xcc: {  	[spmem:s9] =	stream.linear.scatter [tilespmem:s11], [sflag:$0xD], $0x800, $0x38;
	[tilespmem:$0x1C600] =	vst v63  }
0xcd: {  	s22 =	sld [smem:$0x7FD]  }
0xce: {  	[spmem:s10] =	stream.linear.scatter [tilespmem:s11], [sflag:$0xD], $0x800, $0x38;
	[tilespmem:$0x1C600] =	vst v63  }
0xcf: {  	s24 =	simm.s32 $0xD  }
0xd0: {  	[spmem:s22] =	stream.linear.scatter [tilespmem:s11], [sflag:$0xD], $0x800, $0x38;
	[tilespmem:$0x1C600] =	vst v63  }
0xd1: {  	_ =	swait.ge [sflag:s24], $0x800  }
0xd2: {  	[sflag:s24] =	ssyncset.done $0x0  }
0xd3: {  	[sflag:s24] =	ssyncadd.s32 $0xFFFFF800  }
0xd4: {  	_ =	swait.ge [sflag:s24], $0x800  }
0xd5: {  	[sflag:s24] =	ssyncset.done $0x0  }
0xd6: {  	[sflag:s24] =	ssyncadd.s32 $0xFFFFF800  }
0xd7: {  	_ =	swait.ge [sflag:s24], $0x800  }
0xd8: {  	[sflag:s24] =	ssyncset.done $0x0  }
0xd9: {  	[sflag:s24] =	ssyncadd.s32 $0xFFFFF800  }
0xda: {  	_ =	swait.ge [sflag:s24], $0x800  }
0xdb: {  	[sflag:s24] =	ssyncset.done $0x0  }
0xdc: {  	[sflag:s24] =	ssyncadd.s32 $0xFFFFF800  }
0xdd: {  	_ =	swait.ge [sflag:s24], $0x800  }
0xde: {  	[sflag:s24] =	ssyncset.done $0x0  }
0xdf: {  	[sflag:s24] =	ssyncadd.s32 $0xFFFFF800  }
0xe0: {  	_ =	swait.ge [sflag:s24], $0x800  }
0xe1: {  	[sflag:s24] =	ssyncset.done $0x0  }
0xe2: {  	[sflag:s24] =	ssyncadd.s32 $0xFFFFF800  }
0xe3: {  	_ =	swait.ge [sflag:s24], $0x800  }
0xe4: {  	[sflag:s24] =	ssyncset.done $0x0  }
0xe5: {  	[sflag:s24] =	ssyncadd.s32 $0xFFFFF800  }
0xe6: {  	_ =	swait.ge [sflag:s24], $0x800  }
0xe7: {  	[sflag:s24] =	ssyncset.done $0x0  }
0xe8: {  	[sflag:s24] =	ssyncadd.s32 $0xFFFFF800  }
0xe9: {  	_ =	swait.ge [sflag:s24], $0x800  }
0xea: {  	[sflag:s24] =	ssyncset.done $0x0  }
0xeb: {  	[sflag:s24] =	ssyncadd.s32 $0xFFFFF800  }
0xec: {  	_ =	swait.ge [sflag:s24], $0x800  }
0xed: {  	[sflag:s24] =	ssyncset.done $0x0  }
0xee: {  	[sflag:s24] =	ssyncadd.s32 $0xFFFFF800  }
0xef: {  	_ =	swait.ge [sflag:s24], $0x800  }
0xf0: {  	[sflag:s24] =	ssyncset.done $0x0  }
0xf1: {  	[sflag:s24] =	ssyncadd.s32 $0xFFFFF800  }
0xf2: {  	_ =	swait.ge [sflag:s24], $0x800  }
0xf3: {  	[sflag:s24] =	ssyncset.done $0x0  }
0xf4: {  	[sflag:s24] =	ssyncadd.s32 $0xFFFFF800  }
0xf5: {  	_ =	swait.ge [sflag:s24], $0x800  }
0xf6: {  	[sflag:s24] =	ssyncset.done $0x0  }
0xf7: {  	[sflag:s24] =	ssyncadd.s32 $0xFFFFF800  }
0xf8: {  	_ =	swait.ge [sflag:s24], $0x800  }
0xf9: {  	[sflag:s24] =	ssyncset.done $0x0  }
0xfa: {  	[sflag:s24] =	ssyncadd.s32 $0xFFFFF800  }
0xfb: {  	_ =	swait.ge [sflag:s24], $0x800  }
0xfc: {  	[sflag:s24] =	ssyncset.done $0x0  }
0xfd: {  	[sflag:s24] =	ssyncadd.s32 $0xFFFFF800  }
0xfe: {  	_ =	swait.ge [sflag:s24], $0x800  }
0xff: {  	[sflag:s24] =	ssyncset.done $0x0  }
0x100: {  	[sflag:s24] =	ssyncadd.s32 $0xFFFFF800  }
0x101: {  	_ =	swait.ge [sflag:s24], $0x800  }
0x102: {  	[sflag:s24] =	ssyncset.done $0x0  }
0x103: {  	[sflag:s24] =	ssyncadd.s32 $0xFFFFF800  }
0x104: {  	_ =	swait.ge [sflag:s24], $0x800  }
0x105: {  	[sflag:s24] =	ssyncset.done $0x0  }
0x106: {  	[sflag:s24] =	ssyncadd.s32 $0xFFFFF800  }
0x107: {  	_ =	swait.ge [sflag:s24], $0x800  }
0x108: {  	[sflag:s24] =	ssyncset.done $0x0  }
0x109: {  	[sflag:s24] =	ssyncadd.s32 $0xFFFFF800  }
0x10a: {  	_ =	swait.ge [sflag:s24], $0x800  }
0x10b: {  	[sflag:s24] =	ssyncset.done $0x0  }
0x10c: {  	[sflag:s24] =	ssyncadd.s32 $0xFFFFF800  }
0x10d: {  	_ =	swait.ge [sflag:s24], $0x800  }
0x10e: {  	[sflag:s24] =	ssyncset.done $0x0  }
0x10f: {  	[sflag:s24] =	ssyncadd.s32 $0xFFFFF800  }
0x110: {  	_ =	swait.ge [sflag:s24], $0x800  }
0x111: {  	[sflag:s24] =	ssyncset.done $0x0  }
0x112: {  	[sflag:s24] =	ssyncadd.s32 $0xFFFFF800  }
0x113: {  	_ =	swait.ge [sflag:s24], $0x800  }
0x114: {  	[sflag:s24] =	ssyncset.done $0x0  }
0x115: {  	[sflag:s24] =	ssyncadd.s32 $0xFFFFF800  }
0x116: {  	_ =	swait.ge [sflag:s24], $0x800  }
0x117: {  	[sflag:s24] =	ssyncset.done $0x0  }
0x118: {  	[sflag:s24] =	ssyncadd.s32 $0xFFFFF800  }
0x119: {  	_ =	swait.ge [sflag:s24], $0x800  }
0x11a: {  	[sflag:s24] =	ssyncset.done $0x0  }
0x11b: {  	[sflag:s24] =	ssyncadd.s32 $0xFFFFF800  }
0x11c: {  	_ =	swait.ge [sflag:s24], $0x800  }
0x11d: {  	[sflag:s24] =	ssyncset.done $0x0  }
0x11e: {  	[sflag:s24] =	ssyncadd.s32 $0xFFFFF800  }
0x11f: {  	_ =	swait.ge [sflag:s24], $0x800  }
0x120: {  	[sflag:s24] =	ssyncset.done $0x0  }
0x121: {  	[sflag:s24] =	ssyncadd.s32 $0xFFFFF800  }
0x122: {  	_ =	swait.ge [sflag:s24], $0x800  }
0x123: {  	[sflag:s24] =	ssyncset.done $0x0  }
0x124: {  	[sflag:s24] =	ssyncadd.s32 $0xFFFFF800  }
0x125: {  	_ =	swait.ge [sflag:s24], $0x800  }
0x126: {  	[sflag:s24] =	ssyncset.done $0x0  }
0x127: {  	[sflag:s24] =	ssyncadd.s32 $0xFFFFF800  }
0x128: {  	_ =	swait.ge [sflag:s24], $0x800  }
0x129: {  	[sflag:s24] =	ssyncset.done $0x0  }
0x12a: {  	[sflag:s24] =	ssyncadd.s32 $0xFFFFF800  }
0x12b: {  	_ =	swait.ge [sflag:s24], $0x800  }
0x12c: {  	[sflag:s24] =	ssyncset.done $0x0  }
0x12d: {  	[sflag:s24] =	ssyncadd.s32 $0xFFFFF800  }
0x12e: {  	_ =	swait.ge [sflag:s24], $0x800  }
0x12f: {  	[sflag:s24] =	ssyncset.done $0x0  }
0x130: {  	[sflag:s24] =	ssyncadd.s32 $0xFFFFF800  }
0x131: {  	_ =	swait.ge [sflag:s24], $0x800  }
0x132: {  	[sflag:s24] =	ssyncset.done $0x0  }
0x133: {  	[sflag:s24] =	ssyncadd.s32 $0xFFFFF800  }
0x134: {  	_ =	swait.ge [sflag:s24], $0x800  }
0x135: {  	[sflag:s24] =	ssyncset.done $0x0  }
0x136: {  	[sflag:s24] =	ssyncadd.s32 $0xFFFFF800  }
0x137: {  	_ =	swait.ge [sflag:s24], $0x800  }
0x138: {  	[sflag:s24] =	ssyncset.done $0x0  }
0x139: {  	[sflag:s24] =	ssyncadd.s32 $0xFFFFF800  }
0x13a: {  	_ =	swait.ge [sflag:s24], $0x800  }
0x13b: {  	[sflag:s24] =	ssyncset.done $0x0  }
0x13c: {  	[sflag:s24] =	ssyncadd.s32 $0xFFFFF800  }
0x13d: {  	_ =	swait.ge [sflag:s24], $0x800  }
0x13e: {  	[sflag:s24] =	ssyncset.done $0x0  }
0x13f: {  	[sflag:s24] =	ssyncadd.s32 $0xFFFFF800  }
0x140: {  	_ =	swait.ge [sflag:s24], $0x800  }
0x141: {  	[sflag:s24] =	ssyncset.done $0x0  }
0x142: {  	[sflag:s24] =	ssyncadd.s32 $0xFFFFF800  }
0x143: {  	_ =	swait.ge [sflag:s24], $0x800  }
0x144: {  	[sflag:s24] =	ssyncset.done $0x0  }
0x145: {  	[sflag:s24] =	ssyncadd.s32 $0xFFFFF800  }
0x146: {  	_ =	swait.ge [sflag:s24], $0x800  }
0x147: {  	[sflag:s24] =	ssyncset.done $0x0  }
0x148: {  	[sflag:s24] =	ssyncadd.s32 $0xFFFFF800  }
0x149: {  	[bflag:$0x0] =	sbarrier.arrive $0xFFFF  }
0x14a: {  	_ =	swait.ge [sflag:s20], $0x50  }
0x14b: {  	[sflag:s20] =	ssyncset.done $0x0  }
0x14c: {  	[sflag:s20] =	ssyncadd.s32 $0xFFFFFFB0  }
0x14d: {  	_ =	swait.ge [sflag:s20], $0x50  }
0x14e: {  	[sflag:s20] =	ssyncset.done $0x0  }
0x14f: {  	s31 =	simm.s32 $0x5600;
	[sflag:s20] =	ssyncadd.s32 $0xFFFFFFB0  }
0x150: {  	[tilespmem:s31], [sflag:$0x9] =	stream.indirect.gather [hbm4b:s0+s13], $0x80, s21, s13, $0xb8;
	[tilespmem:$0x1C600] =	vst v63  }
0x151: {  	s10 =	simm.s32 $0x280;
	s9 =	rddreg [dreg:$0xe]  }
0x152: {  	[tilespmem:s10], [sflag:$0x6] =	stream.linear.gather [hbm4b:s9+s5], $0x50, $0x38;
	[tilespmem:$0x1C600] =	vst v63  }
0x153: {  	s24 =	simm.s32 $0x7;
	s11 =	rddreg [dreg:$0xf];
	s10 =	simm.s32 $0x580  }
0x154: {  	[tilespmem:s10], [sflag:$0x6] =	stream.linear.gather [hbm4b:s11+s5], $0x50, $0x38;
	[tilespmem:$0x1C600] =	vst v63  }
0x155: {  	_ =	swait.ge [sflag:s24], $0x2800  }
0x156: {  	[sflag:s24] =	ssyncset.done $0x0  }
0x157: {  	s22 =	simm.s32 $0x600;
	[sflag:s24] =	ssyncadd.s32 $0xFFFFD800  }
0x158: {  	[spmem:s4] =	stream.indirect.scatter.add.f32 [tilespmem:s22], [sflag:$0xA], $0x80, s23, s13, $0xb8;
	[tilespmem:$0x1C600] =	vst v63  }
0x159: {  	_ =	swait.ge [sflag:s25], $0x2800  }
0x15a: {  	[sflag:s25] =	ssyncset.done $0x0  }
0x15b: {  	[sflag:s25] =	ssyncadd.s32 $0xFFFFD800  }
0x15c: {  	_ =	swait.ge [sflag:s1], $0x50  }
0x15d: {  	[sflag:s1] =	ssyncset.done $0x0  }
0x15e: {  	[sflag:s1] =	ssyncadd.s32 $0xFFFFFFB0  }
0x15f: {  	_ =	swait.ge [sflag:s1], $0x50  }
0x160: {  	[sflag:s1] =	ssyncset.done $0x0  }
0x161: {  	[sflag:s1] =	ssyncadd.s32 $0xFFFFFFB0  }
0x162: {  	[tilespmem:s22], [sflag:$0x7] =	stream.indirect.gather [hbm4b:s0+s13], $0x80, s29, s13, $0xb8;
	[tilespmem:$0x1C600] =	vst v63  }
0x163: {  	s10 =	rddreg [dreg:$0x10]  }
0x164: {  	[tilespmem:s5], [sflag:$0x1] =	stream.linear.gather [hbm4b:s10+s5], $0x50, $0x38;
	[tilespmem:$0x1C600] =	vst v63  }
0x165: {  	s22 =	rddreg [dreg:$0x11]  }
0x166: {  	[tilespmem:s23], [sflag:$0x1] =	stream.linear.gather [hbm4b:s22+s5], $0x50, $0x38;
	[tilespmem:$0x1C600] =	vst v63  }
0x167: {  	_ =	swait.ge [sflag:s2], $0x2800  }
0x168: {  	[sflag:s2] =	ssyncset.done $0x0  }
0x169: {  	s10 =	simm.s32 $0x2E00;
	[sflag:s2] =	ssyncadd.s32 $0xFFFFD800  }
0x16a: {  	[spmem:s4] =	stream.indirect.scatter.add.f32 [tilespmem:s10], [sflag:$0xB], $0x80, s17, s13, $0xb8;
	[tilespmem:$0x1C600] =	vst v63  }
0x16b: {  	_ =	swait.ge [sflag:s16], $0x2800  }
0x16c: {  	[sflag:s16] =	ssyncset.done $0x0  }
0x16d: {  	[sflag:s16] =	ssyncadd.s32 $0xFFFFD800  }
0x16e: {  	_ =	swait.ge [sflag:s18], $0x50  }
0x16f: {  	[sflag:s18] =	ssyncset.done $0x0  }
0x170: {  	[sflag:s18] =	ssyncadd.s32 $0xFFFFFFB0  }
0x171: {  	_ =	swait.ge [sflag:s18], $0x50  }
0x172: {  	[sflag:s18] =	ssyncset.done $0x0  }
0x173: {  	s22 =	simm.s32 $0x200;
	[sflag:s18] =	ssyncadd.s32 $0xFFFFFFB0  }
0x174: {  	[tilespmem:s10], [sflag:$0x8] =	stream.indirect.gather [hbm4b:s0+s13], $0x80, s22, s13, $0xb8;
	[tilespmem:$0x1C600] =	vst v63  }
0x175: {  	s8 =	rddreg [dreg:$0x12]  }
0x176: {  	[tilespmem:s14], [sflag:$0x2] =	stream.linear.gather [hbm4b:s8+s5], $0x50, $0x38;
	[tilespmem:$0x1C600] =	vst v63  }
0x177: {  	s8 =	rddreg [dreg:$0x13]  }
0x178: {  	[tilespmem:s17], [sflag:$0x2] =	stream.linear.gather [hbm4b:s8+s5], $0x50, $0x38;
	[tilespmem:$0x1C600] =	vst v63  }
0x179: {  	_ =	swait.ge [sflag:s19], $0x2800  }
0x17a: {  	[sflag:s19] =	ssyncset.done $0x0  }
0x17b: {  	[sflag:s19] =	ssyncadd.s32 $0xFFFFD800  }
0x17c: {  	[spmem:s4] =	stream.indirect.scatter.add.f32 [tilespmem:s31], [sflag:$0xC], $0x80, s30, s13, $0xb8;
	[tilespmem:$0x1C600] =	vst v63  }
0x17d: {  	_ =	swait.ge [sflag:s26], $0x2800  }
0x17e: {  	[sflag:s26] =	ssyncset.done $0x0  }
0x17f: {  	[sflag:s26] =	ssyncadd.s32 $0xFFFFD800  }
0x180: {  	_ =	swait.ge [sflag:s28], $0x50  }
0x181: {  	[sflag:s28] =	ssyncset.done $0x0  }
0x182: {  	[sflag:s28] =	ssyncadd.s32 $0xFFFFFFB0  }
0x183: {  	_ =	swait.ge [sflag:s28], $0x50  }
0x184: {  	[sflag:s28] =	ssyncset.done $0x0  }
0x185: {  	s9 =	simm.s32 $0x280;
	[sflag:s28] =	ssyncadd.s32 $0xFFFFFFB0  }
0x186: {  	[tilespmem:s31], [sflag:$0x9] =	stream.indirect.gather [hbm4b:s0+s13], $0x80, s9, s13, $0xb8;
	[tilespmem:$0x1C600] =	vst v63  }
0x187: {  	s9 =	rddreg [dreg:$0x14]  }
0x188: {  	[tilespmem:s21], [sflag:$0x3] =	stream.linear.gather [hbm4b:s9+s5], $0x50, $0x38;
	[tilespmem:$0x1C600] =	vst v63  }
0x189: {  	s9 =	rddreg [dreg:$0x15]  }
0x18a: {  	[tilespmem:s30], [sflag:$0x3] =	stream.linear.gather [hbm4b:s9+s5], $0x50, $0x38;
	[tilespmem:$0x1C600] =	vst v63  }
0x18b: {  	_ =	swait.ge [sflag:s24], $0x2800  }
0x18c: {  	[sflag:s24] =	ssyncset.done $0x0  }
0x18d: {  	s9 =	simm.s32 $0x600;
	[sflag:s24] =	ssyncadd.s32 $0xFFFFD800  }
0x18e: {  	[spmem:s4] =	stream.indirect.scatter.add.f32 [tilespmem:s9], [sflag:$0xA], $0x80, s3, s13, $0xb8;
	[tilespmem:$0x1C600] =	vst v63  }
0x18f: {  	_ =	swait.ge [sflag:s25], $0x2800  }
0x190: {  	[sflag:s25] =	ssyncset.done $0x0  }
0x191: {  	[sflag:s25] =	ssyncadd.s32 $0xFFFFD800  }
0x192: {  	_ =	swait.ge [sflag:s12], $0x50  }
0x193: {  	[sflag:s12] =	ssyncset.done $0x0  }
0x194: {  	[sflag:s12] =	ssyncadd.s32 $0xFFFFFFB0  }
0x195: {  	_ =	swait.ge [sflag:s12], $0x50  }
0x196: {  	[sflag:s12] =	ssyncset.done $0x0  }
0x197: {  	[sflag:s12] =	ssyncadd.s32 $0xFFFFFFB0  }
0x198: {  	[tilespmem:s9], [sflag:$0x7] =	stream.indirect.gather [hbm4b:s0+s13], $0x80, s5, s13, $0xb8;
	[tilespmem:$0x1C600] =	vst v63  }
0x199: {  	s11 =	simm.s32 $0x180;
	s9 =	rddreg [dreg:$0x18]  }
0x19a: {  	[tilespmem:s11], [sflag:$0x4] =	stream.linear.gather [hbm4b:s9+s5], $0x50, $0x38;
	[tilespmem:$0x1C600] =	vst v63  }
0x19b: {  	s11 =	rddreg [dreg:$0x19]  }
0x19c: {  	[tilespmem:s3], [sflag:$0x4] =	stream.linear.gather [hbm4b:s11+s5], $0x50, $0x38;
	[tilespmem:$0x1C600] =	vst v63  }
0x19d: {  	_ =	swait.ge [sflag:s2], $0x2800  }
0x19e: {  	[sflag:s2] =	ssyncset.done $0x0  }
0x19f: {  	s10 =	simm.s32 $0x2E00;
	s8 =	simm.s32 $0x500;
	[sflag:s2] =	ssyncadd.s32 $0xFFFFD800  }
0x1a0: {  	[spmem:s4] =	stream.indirect.scatter.add.f32 [tilespmem:s10], [sflag:$0xB], $0x80, s8, s13, $0xb8;
	[tilespmem:$0x1C600] =	vst v63  }
0x1a1: {  	_ =	swait.ge [sflag:s16], $0x2800  }
0x1a2: {  	[sflag:s16] =	ssyncset.done $0x0  }
0x1a3: {  	[sflag:s16] =	ssyncadd.s32 $0xFFFFD800  }
0x1a4: {  	_ =	swait.ge [sflag:s15], $0x50  }
0x1a5: {  	[sflag:s15] =	ssyncset.done $0x0  }
0x1a6: {  	[sflag:s15] =	ssyncadd.s32 $0xFFFFFFB0  }
0x1a7: {  	_ =	swait.ge [sflag:s15], $0x50  }
0x1a8: {  	[sflag:s15] =	ssyncset.done $0x0  }
0x1a9: {  	[sflag:s15] =	ssyncadd.s32 $0xFFFFFFB0  }
0x1aa: {  	[tilespmem:s10], [sflag:$0x8] =	stream.indirect.gather [hbm4b:s0+s13], $0x80, s14, s13, $0xb8;
	[tilespmem:$0x1C600] =	vst v63  }
0x1ab: {  	s11 =	rddreg [dreg:$0x1d]  }
0x1ac: {  	[tilespmem:s22], [sflag:$0x5] =	stream.linear.gather [hbm4b:s11+s5], $0x50, $0x38;
	[tilespmem:$0x1C600] =	vst v63  }
0x1ad: {  	s9 =	simm.s32 $0x500;
	s10 =	rddreg [dreg:$0x1c]  }
0x1ae: {  	[tilespmem:s9], [sflag:$0x5] =	stream.linear.gather [hbm4b:s10+s5], $0x50, $0x38;
	[tilespmem:$0x1C600] =	vst v63  }
0x1af: {  	_ =	swait.ge [sflag:s19], $0x2800  }
0x1b0: {  	[sflag:s19] =	ssyncset.done $0x0  }
0x1b1: {  	s29 =	simm.s32 $0x580;
	[sflag:s19] =	ssyncadd.s32 $0xFFFFD800  }
0x1b2: {  	[spmem:s4] =	stream.indirect.scatter.add.f32 [tilespmem:s31], [sflag:$0xC], $0x80, s29, s13, $0xb8;
	[tilespmem:$0x1C600] =	vst v63  }
0x1b3: {  	_ =	swait.ge [sflag:s26], $0x2800  }
0x1b4: {  	[sflag:s26] =	ssyncset.done $0x0  }
0x1b5: {  	[sflag:s26] =	ssyncadd.s32 $0xFFFFD800  }
0x1b6: {  	_ =	swait.ge [sflag:s20], $0x50  }
0x1b7: {  	[sflag:s20] =	ssyncset.done $0x0  }
0x1b8: {  	[sflag:s20] =	ssyncadd.s32 $0xFFFFFFB0  }
0x1b9: {  	p0 =	por $0x0, $0x0;
	s8 =	simm.s32 $0x370;
	_ =	swait.ge [sflag:s20], $0x50  }
0x1ba: {  	s8 =	simm.s32 @p0 $0x0;
	[sflag:s20] =	ssyncset.done $0x0  }
0x1bb: {  	s8 =	sadd.s32 s6, s8;
	[sflag:s20] =	ssyncadd.s32 $0xFFFFFFB0  }
0x1bc: {  	[tilespmem:s31], [sflag:$0x9] =	stream.indirect.gather [hbm4b:s0+s13], $0x80, s21, s13, $0xb8;
	[tilespmem:$0x1C600] =	vst v63  }
0x1bd: {  	s8 =	sshrl.u32 s8, $0x3;
	s3 =	rddreg [dreg:$0x2]  }
0x1be: {  	s20 =	simm.s32 $0x280;
	s9 =	sadd.s32 s3, s8  }
0x1bf: {  	[tilespmem:s20], [sflag:$0x6] =	stream.linear.gather [hbm4b:s9+s5], $0x50, $0x38;
	[tilespmem:$0x1C600] =	vst v63  }
0x1c0: {  	s8 =	sadd.s32 s7, s8  }
0x1c1: {  	[tilespmem:s29], [sflag:$0x6] =	stream.linear.gather [hbm4b:s8+s5], $0x50, $0x38;
	[tilespmem:$0x1C600] =	vst v63  }
0x1c2: {  	_ =	swait.ge [sflag:s24], $0x2800  }
0x1c3: {  	[sflag:s24] =	ssyncset.done $0x0  }
0x1c4: {  	s9 =	simm.s32 $0x600;
	[sflag:s24] =	ssyncadd.s32 $0xFFFFD800  }
0x1c5: {  	[spmem:s4] =	stream.indirect.scatter.add.f32 [tilespmem:s9], [sflag:$0xA], $0x80, s23, s13, $0xb8;
	[tilespmem:$0x1C600] =	vst v63  }
0x1c6: {  	_ =	swait.ge [sflag:s25], $0x2800  }
0x1c7: {  	[sflag:s25] =	ssyncset.done $0x0  }
0x1c8: {  	[sflag:s25] =	ssyncadd.s32 $0xFFFFD800  }
0x1c9: {  	_ =	swait.ge [sflag:s1], $0x50  }
0x1ca: {  	[sflag:s1] =	ssyncset.done $0x0  }
0x1cb: {  	s8 =	simm.s32 $0x3C0;
	[sflag:s1] =	ssyncadd.s32 $0xFFFFFFB0  }
0x1cc: {  	s8 =	simm.s32 @p0 $0x0;
	_ =	swait.ge [sflag:s1], $0x50  }
0x1cd: {  	s8 =	sadd.s32 s6, s8;
	[sflag:s1] =	ssyncset.done $0x0  }
0x1ce: {  	s8 =	sshrl.u32 s8, $0x3;
	s24 =	simm.s32 $0x180;
	[sflag:s1] =	ssyncadd.s32 $0xFFFFFFB0  }
0x1cf: {  	[tilespmem:s9], [sflag:$0x7] =	stream.indirect.gather [hbm4b:s0+s13], $0x80, s24, s13, $0xb8;
	[tilespmem:$0x1C600] =	vst v63  }
0x1d0: {  	s9 =	sadd.s32 s3, s8  }
0x1d1: {  	[tilespmem:s5], [sflag:$0x1] =	stream.linear.gather [hbm4b:s9+s5], $0x50, $0x38;
	[tilespmem:$0x1C600] =	vst v63  }
0x1d2: {  	s8 =	sadd.s32 s7, s8  }
0x1d3: {  	[tilespmem:s23], [sflag:$0x1] =	stream.linear.gather [hbm4b:s8+s5], $0x50, $0x38;
	[tilespmem:$0x1C600] =	vst v63  }
0x1d4: {  	_ =	swait.ge [sflag:s2], $0x2800  }
0x1d5: {  	[sflag:s2] =	ssyncset.done $0x0  }
0x1d6: {  	s23 =	simm.s32 $0x2E00;
	[sflag:s2] =	ssyncadd.s32 $0xFFFFD800  }
0x1d7: {  	[spmem:s4] =	stream.indirect.scatter.add.f32 [tilespmem:s23], [sflag:$0xB], $0x80, s17, s13, $0xb8;
	[tilespmem:$0x1C600] =	vst v63  }
0x1d8: {  	_ =	swait.ge [sflag:s16], $0x2800  }
0x1d9: {  	[sflag:s16] =	ssyncset.done $0x0  }
0x1da: {  	[sflag:s16] =	ssyncadd.s32 $0xFFFFD800  }
0x1db: {  	_ =	swait.ge [sflag:s18], $0x50  }
0x1dc: {  	[sflag:s18] =	ssyncset.done $0x0  }
0x1dd: {  	s8 =	simm.s32 $0x410;
	[sflag:s18] =	ssyncadd.s32 $0xFFFFFFB0  }
0x1de: {  	s8 =	simm.s32 @p0 $0x0;
	_ =	swait.ge [sflag:s18], $0x50  }
0x1df: {  	s8 =	sadd.s32 s6, s8;
	[sflag:s18] =	ssyncset.done $0x0  }
0x1e0: {  	s8 =	sshrl.u32 s8, $0x3;
	[sflag:s18] =	ssyncadd.s32 $0xFFFFFFB0  }
0x1e1: {  	[tilespmem:s23], [sflag:$0x8] =	stream.indirect.gather [hbm4b:s0+s13], $0x80, s22, s13, $0xb8;
	[tilespmem:$0x1C600] =	vst v63  }
0x1e2: {  	s9 =	sadd.s32 s3, s8  }
0x1e3: {  	[tilespmem:s14], [sflag:$0x2] =	stream.linear.gather [hbm4b:s9+s5], $0x50, $0x38;
	[tilespmem:$0x1C600] =	vst v63  }
0x1e4: {  	s8 =	sadd.s32 s7, s8  }
0x1e5: {  	[tilespmem:s17], [sflag:$0x2] =	stream.linear.gather [hbm4b:s8+s5], $0x50, $0x38;
	[tilespmem:$0x1C600] =	vst v63  }
0x1e6: {  	_ =	swait.ge [sflag:s19], $0x2800  }
0x1e7: {  	[sflag:s19] =	ssyncset.done $0x0  }
0x1e8: {  	[sflag:s19] =	ssyncadd.s32 $0xFFFFD800  }
0x1e9: {  	[spmem:s4] =	stream.indirect.scatter.add.f32 [tilespmem:s31], [sflag:$0xC], $0x80, s30, s13, $0xb8;
	[tilespmem:$0x1C600] =	vst v63  }
0x1ea: {  	_ =	swait.ge [sflag:s26], $0x2800  }
0x1eb: {  	[sflag:s26] =	ssyncset.done $0x0  }
0x1ec: {  	[sflag:s26] =	ssyncadd.s32 $0xFFFFD800  }
0x1ed: {  	_ =	swait.ge [sflag:s28], $0x50  }
0x1ee: {  	[sflag:s28] =	ssyncset.done $0x0  }
0x1ef: {  	s8 =	simm.s32 $0x460;
	[sflag:s28] =	ssyncadd.s32 $0xFFFFFFB0  }
0x1f0: {  	s8 =	simm.s32 @p0 $0x0;
	_ =	swait.ge [sflag:s28], $0x50  }
0x1f1: {  	s8 =	sadd.s32 s6, s8;
	[sflag:s28] =	ssyncset.done $0x0  }
0x1f2: {  	s8 =	sshrl.u32 s8, $0x3;
	[sflag:s28] =	ssyncadd.s32 $0xFFFFFFB0  }
0x1f3: {  	[tilespmem:s31], [sflag:$0x9] =	stream.indirect.gather [hbm4b:s0+s13], $0x80, s20, s13, $0xb8;
	[tilespmem:$0x1C600] =	vst v63  }
0x1f4: {  	s17 =	sadd.s32 s3, s8  }
0x1f5: {  	[tilespmem:s21], [sflag:$0x3] =	stream.linear.gather [hbm4b:s17+s5], $0x50, $0x38;
	[tilespmem:$0x1C600] =	vst v63  }
0x1f6: {  	s14 =	simm.s32 $0x7;
	s8 =	sadd.s32 s7, s8  }
0x1f7: {  	[tilespmem:s30], [sflag:$0x3] =	stream.linear.gather [hbm4b:s8+s5], $0x50, $0x38;
	[tilespmem:$0x1C600] =	vst v63  }
0x1f8: {  	_ =	swait.ge [sflag:s14], $0x2800  }
0x1f9: {  	[sflag:s14] =	ssyncset.done $0x0  }
0x1fa: {  	s29 =	simm.s32 $0x600;
	s20 =	simm.s32 $0x480;
	[sflag:s14] =	ssyncadd.s32 $0xFFFFD800  }
0x1fb: {  	[spmem:s4] =	stream.indirect.scatter.add.f32 [tilespmem:s29], [sflag:$0xA], $0x80, s20, s13, $0xb8;
	[tilespmem:$0x1C600] =	vst v63  }
0x1fc: {  	_ =	swait.ge [sflag:s25], $0x2800  }
0x1fd: {  	[sflag:s25] =	ssyncset.done $0x0  }
0x1fe: {  	[sflag:s25] =	ssyncadd.s32 $0xFFFFD800  }
0x1ff: {  	_ =	swait.ge [sflag:s12], $0x50  }
0x200: {  	[sflag:s12] =	ssyncset.done $0x0  }
0x201: {  	s8 =	simm.s32 $0x4B0;
	[sflag:s12] =	ssyncadd.s32 $0xFFFFFFB0  }
0x202: {  	s8 =	simm.s32 @p0 $0x0;
	_ =	swait.ge [sflag:s12], $0x50  }
0x203: {  	s8 =	sadd.s32 s6, s8;
	[sflag:s12] =	ssyncset.done $0x0  }
0x204: {  	s8 =	sshrl.u32 s8, $0x3;
	[sflag:s12] =	ssyncadd.s32 $0xFFFFFFB0  }
0x205: {  	[tilespmem:s29], [sflag:$0x7] =	stream.indirect.gather [hbm4b:s0+s13], $0x80, s5, s13, $0xb8;
	[tilespmem:$0x1C600] =	vst v63  }
0x206: {  	s21 =	sadd.s32 s3, s8  }
0x207: {  	[tilespmem:s24], [sflag:$0x4] =	stream.linear.gather [hbm4b:s21+s5], $0x50, $0x38;
	[tilespmem:$0x1C600] =	vst v63  }
0x208: {  	s31 =	sadd.s32 $0x3C, s11;
	s8 =	sadd.s32 s7, s8  }
0x209: {  	[tilespmem:s20], [sflag:$0x4] =	stream.linear.gather [hbm4b:s8+s5], $0x50, $0x38;
	[tilespmem:$0x1C600] =	vst v63  }
0x20a: {  	s11 =	simm.s32 $0x5600;
	s30 =	sadd.s32 $0x3C, s10;
	_ =	swait.ge [sflag:s2], $0x2800  }
0x20b: {  	s29 =	simm.s32 $0x690;
	s24 =	simm.s32 $0x3;
	[sflag:s2] =	ssyncset.done $0x0  }
.LBB2_4:
0x20c: {  	p0 =	sne.s32 s29, $0x2850;
	[sflag:s2] =	ssyncadd.s32 $0xFFFFD800  }
0x20d: {  	s8 =	smov.u32 s29;
	s29 =	sadd.s32 $0x1E0, s29;
	s9 =	simm.s32 $0x500  }
0x20e: {  	[spmem:s4] =	stream.indirect.scatter.add.f32 [tilespmem:s23], [sflag:$0xB], $0x80, s9, s13, $0xb8;
	[tilespmem:$0x1C600] =	vst v63  }
0x20f: {  	_ =	swait.ge [sflag:s16], $0x2800  }
0x210: {  	[sflag:s16] =	ssyncset.done $0x0  }
0x211: {  	[sflag:s16] =	ssyncadd.s32 $0xFFFFD800  }
0x212: {  	_ =	swait.ge [sflag:s15], $0x50  }
0x213: {  	[sflag:s15] =	ssyncset.done $0x0  }
0x214: {  	[sflag:s15] =	ssyncadd.s32 $0xFFFFFFB0  }
0x215: {  	_ =	swait.ge [sflag:s15], $0x50  }
0x216: {  	[sflag:s15] =	ssyncset.done $0x0  }
0x217: {  	s20 =	simm.s32 $0x80;
	[sflag:s15] =	ssyncadd.s32 $0xFFFFFFB0  }
0x218: {  	[tilespmem:s23], [sflag:$0x8] =	stream.indirect.gather [hbm4b:s0+s13], $0x80, s20, s13, $0xb8;
	[tilespmem:$0x1C600] =	vst v63  }
0x219: {  	_ = 	snop  }
0x21a: {  	[tilespmem:s22], [sflag:$0x5] =	stream.linear.gather [hbm4b:s31+s5], $0x50, $0x38;
	[tilespmem:$0x1C600] =	vst v63  }
0x21b: {  	s21 =	simm.s32 $0x500  }
0x21c: {  	[tilespmem:s9], [sflag:$0x5] =	stream.linear.gather [hbm4b:s30+s5], $0x50, $0x38;
	[tilespmem:$0x1C600] =	vst v63  }
0x21d: {  	_ =	swait.ge [sflag:s19], $0x2800  }
0x21e: {  	[sflag:s19] =	ssyncset.done $0x0  }
0x21f: {  	s17 =	simm.s32 $0x580;
	[sflag:s19] =	ssyncadd.s32 $0xFFFFD800  }
0x220: {  	[spmem:s4] =	stream.indirect.scatter.add.f32 [tilespmem:s11], [sflag:$0xC], $0x80, s17, s13, $0xb8;
	[tilespmem:$0x1C600] =	vst v63  }
0x221: {  	_ =	swait.ge [sflag:s26], $0x2800  }
0x222: {  	[sflag:s26] =	ssyncset.done $0x0  }
0x223: {  	s12 =	simm.s32 $0x100;
	[sflag:s26] =	ssyncadd.s32 $0xFFFFD800  }
0x224: {  	s14 =	simm.s32 $0x280;
	s10 =	sadd.s32 $0xFFFFFF10, s8;
	_ =	swait.ge [sflag:s24], $0x50  }
0x225: {  	p1 =	seq.s32 s8, $0x2850;
	s9 =	sadd.s32 $0xFFFFFFB0, s8;
	[sflag:s24] =	ssyncset.done $0x0  }
0x226: {  	s23 =	simm.s32 $0x5600;
	s11 =	sadd.s32 $0xFFFFFF60, s8;
	[sflag:s24] =	ssyncadd.s32 $0xFFFFFFB0  }
0x227: {  	s10 =	simm.s32 @p1 $0x0;
	s22 =	sadd.s32 $0xFFFFFEC0, s8;
	_ =	swait.ge [sflag:s24], $0x50  }
0x228: {  	s10 =	sadd.s32 s6, s10;
	s22 =	simm.s32 @p1 $0x0;
	[sflag:s24] =	ssyncset.done $0x0  }
0x229: {  	s15 =	simm.s32 $0x7;
	s22 =	sadd.s32 s6, s22;
	[sflag:s24] =	ssyncadd.s32 $0xFFFFFFB0  }
0x22a: {  	[tilespmem:s23], [sflag:$0x9] =	stream.indirect.gather [hbm4b:s0+s13], $0x80, s12, s13, $0xb8;
	[tilespmem:$0x1C600] =	vst v63  }
0x22b: {  	s22 =	sshrl.u32 s22, $0x3;
	s11 =	simm.s32 @p1 $0x0;
	s23 =	sshrl.u32 s10, $0x3  }
0x22c: {  	s11 =	sadd.s32 s6, s11;
	s10 =	sadd.s32 s3, s22;
	s22 =	sadd.s32 s7, s22  }
0x22d: {  	[tilespmem:s14], [sflag:$0x6] =	stream.linear.gather [hbm4b:s10+s5], $0x50, $0x38;
	[tilespmem:$0x1C600] =	vst v63  }
0x22e: {  	s9 =	simm.s32 @p1 $0x0;
	s8 =	simm.s32 @p1 $0x0;
	s10 =	sshrl.u32 s11, $0x3  }
0x22f: {  	[tilespmem:s17], [sflag:$0x6] =	stream.linear.gather [hbm4b:s22+s5], $0x50, $0x38;
	[tilespmem:$0x1C600] =	vst v63  }
0x230: {  	s9 =	sadd.s32 s6, s9;
	s8 =	sadd.s32 s6, s8;
	_ =	swait.ge [sflag:s15], $0x2800  }
0x231: {  	s9 =	sshrl.u32 s9, $0x3;
	s8 =	sshrl.u32 s8, $0x3;
	[sflag:s15] =	ssyncset.done $0x0  }
0x232: {  	s17 =	simm.s32 $0x600;
	[sflag:s15] =	ssyncadd.s32 $0xFFFFD800;
	s15 =	simm.s32 $0x300  }
0x233: {  	[spmem:s4] =	stream.indirect.scatter.add.f32 [tilespmem:s17], [sflag:$0xA], $0x80, s15, s13, $0xb8;
	[tilespmem:$0x1C600] =	vst v63  }
0x234: {  	_ =	swait.ge [sflag:s25], $0x2800  }
0x235: {  	[sflag:s25] =	ssyncset.done $0x0  }
0x236: {  	[sflag:s25] =	ssyncadd.s32 $0xFFFFD800  }
0x237: {  	_ =	swait.ge [sflag:s1], $0x50  }
0x238: {  	[sflag:s1] =	ssyncset.done $0x0  }
0x239: {  	[sflag:s1] =	ssyncadd.s32 $0xFFFFFFB0  }
0x23a: {  	_ =	swait.ge [sflag:s1], $0x50  }
0x23b: {  	s11 =	sadd.s32 s3, s23;
	[sflag:s1] =	ssyncset.done $0x0  }
0x23c: {  	s25 =	simm.s32 $0x180;
	[sflag:s1] =	ssyncadd.s32 $0xFFFFFFB0;
	s1 =	simm.s32 $0xA  }
0x23d: {  	[tilespmem:s17], [sflag:$0x7] =	stream.indirect.gather [hbm4b:s0+s13], $0x80, s25, s13, $0xb8;
	[tilespmem:$0x1C600] =	vst v63  }
0x23e: {  	s22 =	sadd.s32 s7, s23;
	s23 =	simm.s32 $0x2E00  }
0x23f: {  	[tilespmem:s5], [sflag:$0x1] =	stream.linear.gather [hbm4b:s11+s5], $0x50, $0x38;
	[tilespmem:$0x1C600] =	vst v63  }
0x240: {  	_ = 	snop  }
0x241: {  	[tilespmem:s15], [sflag:$0x1] =	stream.linear.gather [hbm4b:s22+s5], $0x50, $0x38;
	[tilespmem:$0x1C600] =	vst v63  }
0x242: {  	s22 =	simm.s32 $0x200  }
0x243: {  	_ =	swait.ge [sflag:s2], $0x2800  }
0x244: {  	[sflag:s2] =	ssyncset.done $0x0  }
0x245: {  	s15 =	simm.s32 $0x380;
	[sflag:s2] =	ssyncadd.s32 $0xFFFFD800  }
0x246: {  	[spmem:s4] =	stream.indirect.scatter.add.f32 [tilespmem:s23], [sflag:$0xB], $0x80, s15, s13, $0xb8;
	[tilespmem:$0x1C600] =	vst v63  }
0x247: {  	_ =	swait.ge [sflag:s16], $0x2800  }
0x248: {  	[sflag:s16] =	ssyncset.done $0x0  }
0x249: {  	[sflag:s16] =	ssyncadd.s32 $0xFFFFD800  }
0x24a: {  	_ =	swait.ge [sflag:s18], $0x50  }
0x24b: {  	[sflag:s18] =	ssyncset.done $0x0  }
0x24c: {  	[sflag:s18] =	ssyncadd.s32 $0xFFFFFFB0  }
0x24d: {  	_ =	swait.ge [sflag:s18], $0x50  }
0x24e: {  	[sflag:s18] =	ssyncset.done $0x0  }
0x24f: {  	s11 =	sadd.s32 s3, s10;
	[sflag:s18] =	ssyncadd.s32 $0xFFFFFFB0  }
0x250: {  	[tilespmem:s23], [sflag:$0x8] =	stream.indirect.gather [hbm4b:s0+s13], $0x80, s22, s13, $0xb8;
	[tilespmem:$0x1C600] =	vst v63  }
0x251: {  	s10 =	sadd.s32 s7, s10  }
0x252: {  	[tilespmem:s20], [sflag:$0x2] =	stream.linear.gather [hbm4b:s11+s5], $0x50, $0x38;
	[tilespmem:$0x1C600] =	vst v63  }
0x253: {  	s11 =	simm.s32 $0x5600;
	_ =	sdelay $0x1  }
0x254: {  	[tilespmem:s15], [sflag:$0x2] =	stream.linear.gather [hbm4b:s10+s5], $0x50, $0x38;
	[tilespmem:$0x1C600] =	vst v63  }
0x255: {  	s15 =	simm.s32 $0x2  }
0x256: {  	_ =	swait.ge [sflag:s19], $0x2800  }
0x257: {  	[sflag:s19] =	ssyncset.done $0x0  }
0x258: {  	s20 =	simm.s32 $0x400;
	[sflag:s19] =	ssyncadd.s32 $0xFFFFD800  }
0x259: {  	[spmem:s4] =	stream.indirect.scatter.add.f32 [tilespmem:s11], [sflag:$0xC], $0x80, s20, s13, $0xb8;
	[tilespmem:$0x1C600] =	vst v63  }
0x25a: {  	_ =	swait.ge [sflag:s26], $0x2800  }
0x25b: {  	[sflag:s26] =	ssyncset.done $0x0  }
0x25c: {  	[sflag:s26] =	ssyncadd.s32 $0xFFFFD800  }
0x25d: {  	_ =	swait.ge [sflag:s28], $0x50  }
0x25e: {  	[sflag:s28] =	ssyncset.done $0x0  }
0x25f: {  	[sflag:s28] =	ssyncadd.s32 $0xFFFFFFB0  }
0x260: {  	_ =	swait.ge [sflag:s28], $0x50  }
0x261: {  	[sflag:s28] =	ssyncset.done $0x0  }
0x262: {  	s10 =	sadd.s32 s3, s9;
	[sflag:s28] =	ssyncadd.s32 $0xFFFFFFB0  }
0x263: {  	[tilespmem:s11], [sflag:$0x9] =	stream.indirect.gather [hbm4b:s0+s13], $0x80, s14, s13, $0xb8;
	[tilespmem:$0x1C600] =	vst v63  }
0x264: {  	s14 =	simm.s32 $0x7  }
0x265: {  	s9 =	sadd.s32 s7, s9  }
0x266: {  	[tilespmem:s12], [sflag:$0x3] =	stream.linear.gather [hbm4b:s10+s5], $0x50, $0x38;
	[tilespmem:$0x1C600] =	vst v63  }
0x267: {  	s12 =	simm.s32 $0x1;
	_ =	sdelay $0x1  }
0x268: {  	[tilespmem:s20], [sflag:$0x3] =	stream.linear.gather [hbm4b:s9+s5], $0x50, $0x38;
	[tilespmem:$0x1C600] =	vst v63  }
0x269: {  	_ =	swait.ge [sflag:s14], $0x2800  }
0x26a: {  	[sflag:s14] =	ssyncset.done $0x0  }
0x26b: {  	s10 =	simm.s32 $0x480;
	[sflag:s14] =	ssyncadd.s32 $0xFFFFD800  }
0x26c: {  	[spmem:s4] =	stream.indirect.scatter.add.f32 [tilespmem:s17], [sflag:$0xA], $0x80, s10, s13, $0xb8;
	[tilespmem:$0x1C600] =	vst v63  }
0x26d: {  	_ =	swait.ge [sflag:s1], $0x2800  }
0x26e: {  	[sflag:s1] =	ssyncset.done $0x0  }
0x26f: {  	[sflag:s1] =	ssyncadd.s32 $0xFFFFD800;
	s1 =	simm.s32 $0x4  }
0x270: {  	_ =	swait.ge [sflag:s12], $0x50  }
0x271: {  	[sflag:s12] =	ssyncset.done $0x0  }
0x272: {  	[sflag:s12] =	ssyncadd.s32 $0xFFFFFFB0  }
0x273: {  	_ =	swait.ge [sflag:s12], $0x50  }
0x274: {  	[sflag:s12] =	ssyncset.done $0x0  }
0x275: {  	s9 =	sadd.s32 s3, s8;
	[sflag:s12] =	ssyncadd.s32 $0xFFFFFFB0  }
0x276: {  	[tilespmem:s17], [sflag:$0x7] =	stream.indirect.gather [hbm4b:s0+s13], $0x80, s5, s13, $0xb8;
	[tilespmem:$0x1C600] =	vst v63  }
0x277: {  	s8 =	sadd.s32 s7, s8  }
0x278: {  	[tilespmem:s25], [sflag:$0x4] =	stream.linear.gather [hbm4b:s9+s5], $0x50, $0x38;
	[tilespmem:$0x1C600] =	vst v63  }
.Ltmp1:
0x279: {  	s25 =	simm.s32 $0xA;
	(pc) =	sbr.rel @p0 .LBB2_4-.Ltmp1, $4  }
0x27a: {  	_ = 	snop  }
0x27b: {  	[tilespmem:s10], [sflag:$0x4] =	stream.linear.gather [hbm4b:s8+s5], $0x50, $0x38;
	[tilespmem:$0x1C600] =	vst v63  }
0x27c: {  	_ =	swait.ge [sflag:s2], $0x2800  }
0x27d: {  	s31 =	sadd.s32 $0x3C, s31;
	s30 =	sadd.s32 $0x3C, s30;
	[sflag:s2] =	ssyncset.done $0x0  }
0x27e: {  	[sflag:s2] =	ssyncadd.s32 $0xFFFFD800  }
0x27f: {  	[spmem:s4] =	stream.indirect.scatter.add.f32 [tilespmem:s23], [sflag:$0xB], $0x80, s21, s13, $0xb8;
	[tilespmem:$0x1C600] =	vst v63  }
0x280: {  	_ =	swait.ge [sflag:s16], $0x2800  }
0x281: {  	[sflag:s16] =	ssyncset.done $0x0  }
0x282: {  	[sflag:s16] =	ssyncadd.s32 $0xFFFFD800  }
0x283: {  	_ =	swait.ge [sflag:s19], $0x2800  }
0x284: {  	[sflag:s19] =	ssyncset.done $0x0  }
0x285: {  	[sflag:s19] =	ssyncadd.s32 $0xFFFFD800  }
0x286: {  	_ =	swait.ge [sflag:s14], $0x2800  }
0x287: {  	[sflag:s14] =	ssyncset.done $0x0  }
0x288: {  	[sflag:s14] =	ssyncadd.s32 $0xFFFFD800  }
0x289: {  	_ =	swait.ge [sflag:s15], $0x50  }
0x28a: {  	[sflag:s15] =	ssyncset.done $0x0  }
0x28b: {  	[sflag:s15] =	ssyncadd.s32 $0xFFFFFFB0  }
0x28c: {  	_ =	swait.ge [sflag:s15], $0x50  }
0x28d: {  	[sflag:s15] =	ssyncset.done $0x0  }
0x28e: {  	[sflag:s15] =	ssyncadd.s32 $0xFFFFFFB0  }
0x28f: {  	_ =	swait.ge [sflag:s24], $0x50  }
0x290: {  	[sflag:s24] =	ssyncset.done $0x0  }
0x291: {  	[sflag:s24] =	ssyncadd.s32 $0xFFFFFFB0  }
0x292: {  	_ =	swait.ge [sflag:s24], $0x50  }
0x293: {  	[sflag:s24] =	ssyncset.done $0x0  }
0x294: {  	[sflag:s24] =	ssyncadd.s32 $0xFFFFFFB0  }
0x295: {  	_ =	swait.ge [sflag:s1], $0x50  }
0x296: {  	[sflag:s1] =	ssyncset.done $0x0  }
0x297: {  	[sflag:s1] =	ssyncadd.s32 $0xFFFFFFB0  }
0x298: {  	_ =	swait.ge [sflag:s1], $0x50  }
0x299: {  	[sflag:s1] =	ssyncset.done $0x0  }
0x29a: {  	[sflag:s1] =	ssyncadd.s32 $0xFFFFFFB0  }
0x29b: {  	s8 =	stileid.u32;
	[bflag:$0x0] =	sbarrier.arrive $0xFFFF  }
0x29c: {  	s8 =	sshll.u32 s8, $0x6;
	s23 =	simm.s32 $0xE;
	s22 =	rddreg [dreg:$0xd]  }
0x29d: {  	s8 =	sor.u32 $0x1C0E, s8;
	s10 =	rddreg [dreg:$0x1a];
	s9 =	sshrl.u32 s22, $0x3  }
0x29e: {  	[hbm:s10], [sflag:s8] =	dma.local [spmem:s9], $0x2800  }
0x29f: {  	_ =	swait.ge [sflag:s23], $0x2800  }
0x2a0: {  	s31 =	sld [smem:$0x7D8];
	_ =	sdelay $0x2  }
0x2a1: {  	s24 =	rddreg [dreg:$0x1b];
	s31 =	sadd.s32 $0x1, s31  }
0x2a2: {  	p0 =	sne.s32 s31, s24  }
.Ltmp2:
0x2a3: {  	_ = 	snop;
	(pc) =	sbr.rel @p0 .LBB2_1-.Ltmp2, $4  }
0x2a4: {  	s11 =	simm.s32 $0x200;
	s17 =	simm.s32 $0x380;
	s30 =	simm.s32 $0x400  }
0x2a5: {  	s29 =	simm.s32 $0x180;
	s3 =	simm.s32 $0x480;
	s20 =	simm.s32 $0x3  }
0x2a6: {  	s21 =	simm.s32 $0x100;
	s14 =	simm.s32 $0x80;
	[sflag:s23] =	ssyncset.done $0x0  }
0x2a7: {  	s9 =	simm.s32 $0x500;
	[sflag:s23] =	ssyncadd.s32 $0xFFFFD800;
	s23 =	simm.s32 $0x300  }
0x2a8: {  	_ =	sfence.sel $0x180000  }
0x2a9: {  	[bflag:$0x0] =	sbarrier.arrive $0xFFFF  }
0x2aa: {  	_ =	strace $0x90000047  }
0x2ab: {  	s0 =	stileid.u32;
	[bflag:$0x2] =	sbarrier.arrive $0xFFFF  }
0x2ac: {  	p0 =	sne.s32 s0, $0x0;
	s0 =	rddreg [dreg:$0x4]  }
0x2ad: {  	s0 =	sadd.s32 @!p0 $0x100000, s0  }
0x2ae: {  	[sflag:s0] =	ssyncadd.tile.s32 @!p0 $0x1;
	_ =	shalt  }
.Lfunc_end2:
_tile_overlayer_lowered:
.L_overlay_start_2:
0x2af: {  	(tag) =	ssettag $0x2  }
0x2b0: {  	s0 =	rddreg [dreg:$0x0];
	s2 =	stileid.u32  }
0x2b1: {  	s1 =	rddreg [dreg:$0x1];
	p0 =	sne.s32 s2, $0x0  }
0x2b2: {  	s3 =	rddreg [dreg:$0x2];
	[bflag:$0x3] =	sbarrier.arrive $0xFFFF;
	s2 =	simm.s32 @!p0 $0x1C0E  }
0x2b3: {  	[timem:s3], [sflag:s2] =	dma.local @!p0 [hbm:s0], s1  }
0x2b4: {  	s0 =	simm.s32 @!p0 $0xE  }
0x2b5: {  	_ =	swait.ge @!p0 [sflag:s0], s1  }
0x2b6: {  	s1 =	ssub.s32 @!p0 $0x0, s1;
	[sflag:s0] =	ssyncset.done @!p0 $0x0  }
0x2b7: {  	[sflag:s0] =	ssyncadd.s32 @!p0 s1  }
0x2b8: {  	[bflag:$0x3] =	sbarrier.arrive $0xFFFF  }
0x2b9: {  	_ =	shalt  }

</sc_bundles>
